<compile_context>
chip_gen: v7x
topology: tpu7x:2x2x1
jax: 0.10.2.dev20260603
libtpu: 0.0.44.dev20260713+nightly
codegen_flags: <defaults>
</compile_context>

<pallas_src>
import functools

import jax
import jax.numpy as jnp
from jax import lax
from jax.experimental import pallas as pl
from jax.experimental.pallas import tpu as pltpu
from jax.experimental.pallas import tpu_sc as plsc

B_, L_, C_ = 2, 4096, 1024
H_, K_ = 16, 16
D_ = C_ // H_
M_ = B_ * L_
J_ = K_ + 1
JPAD = 32
MAX_OFFSET = 64
HALF_K = K_ // 2
TB = 256
TSC = 128
HALO = MAX_OFFSET + HALF_K
SLAB = TSC + 2 * HALO
NBLK = L_ // TSC
NTEC = 32
NTASK = B_ * H_ * NBLK
VS = D_ + 1
US = JPAD + 1


def _stage1_body(x_ref, wkv_ref, wwo_ref, b_ref, g_ref, v_ref, u_ref):
    i = pl.program_id(0)
    xb = x_ref[...]
    pkv = jnp.dot(xb, wkv_ref[...], preferred_element_type=jnp.float32)
    pwo = jnp.dot(xb, wwo_ref[...], preferred_element_type=jnp.float32)
    vv = pkv[:, :C_] + b_ref[0, :C_]
    kl = pkv[:, C_:] + b_ref[0, C_:C_ + H_ * K_]
    wl = pwo[:, :H_] + b_ref[0, C_ + H_ * K_:C_ + H_ * K_ + H_]
    ol = pwo[:, H_:] + b_ref[0, C_ + H_ * K_ + H_:]
    v_ref[...] = vv

    def rms(z):
        return jnp.sqrt(jnp.mean(z * z, axis=-1, keepdims=True))

    kn = kl / (rms(kl) + 1e-6) * g_ref[0, :H_ * K_]
    wn = wl / (rms(wl) + 1e-6) * g_ref[0, H_ * K_:H_ * K_ + H_]
    on = ol / (rms(ol) + 1e-6) * g_ref[0, H_ * K_ + H_:]

    half = 2.0 + 6.0 * jax.nn.sigmoid(wn)
    off = jnp.tanh(on) * float(MAX_OFFSET)
    kw = kn * jax.nn.sigmoid(kn)
    kpad = jnp.concatenate(
        [kw.reshape(TB, H_, K_), jnp.zeros((TB, H_, JPAD - K_), jnp.float32)],
        axis=2)

    jlane = lax.broadcasted_iota(jnp.int32, (TB, H_, JPAD), 2)
    relabs = jnp.abs(jlane - HALF_K).astype(jnp.float32)
    wkp = kpad * jax.nn.sigmoid(half[:, :, None] - relabs)

    o0f = jnp.floor(off)
    frac = off - o0f
    o0 = o0f.astype(jnp.int32)

    u = ((1.0 - frac)[:, :, None] * wkp
         + frac[:, :, None] * jnp.roll(wkp, 1, axis=2))

    l0 = (i * TB) % L_
    lt = l0 + lax.broadcasted_iota(jnp.int32, (TB, H_), 0)
    base = lt + o0 - HALF_K
    p = base[:, :, None] + jlane
    u = jnp.where((p >= 0) & (p < L_), u, 0.0)
    base_f = lax.bitcast_convert_type(base, jnp.float32)[:, :, None]
    u_ref[...] = jnp.where(jlane == JPAD - 1, base_f, u)


def _stage3_body(h_ref, w_ref, o_ref):
    y = jnp.dot(h_ref[...], w_ref[...], preferred_element_type=jnp.float32)
    o_ref[...] = y * jax.nn.sigmoid(y)


def _conv_sc_body(v_hbm, u_hbm, out_hbm, slab0, slab1, ub, ob, sem0, sem1):
    cid = lax.axis_index("c")
    sid = lax.axis_index("s")
    wid = sid * 2 + cid
    NT = NTASK // NTEC
    bufs = ((slab0, sem0), (slab1, sem1))

    def decode(ti):
        tid = ti * NTEC + wid
        b = tid // (H_ * NBLK)
        rem = tid % (H_ * NBLK)
        h = rem // NBLK
        blk = rem % NBLK
        tok0 = pl.multiple_of(blk * TSC, TSC)
        start = pl.multiple_of(jnp.clip(tok0 - HALO, 0, L_ - SLAB), 8)
        return b, h, tok0, start

    def in_copy(ti, buf):
        slab, sem = buf
        b, h, tok0, start = decode(ti)
        return pltpu.make_async_copy(
            v_hbm.at[b, h, pl.ds(start, SLAB), :], slab, sem)

    def start_in(ti, buf):
        in_copy(ti, buf).start()

    def run_task(ti, buf):
        slab, sem = buf
        in_copy(ti, buf).wait()
        b, h, tok0, start = decode(ti)
        pltpu.sync_copy(u_hbm.at[b, h, pl.ds(tok0, TSC), :], ub)
        lane = lax.iota(jnp.int32, 16)

        @plsc.parallel_loop(0, TSC)
        def tok_body(t):
            tv = jnp.broadcast_to(t, (16,))
            braw = plsc.load_gather(
                ub, [tv, jnp.broadcast_to(jnp.int32(JPAD - 1), (16,))])
            bbits = plsc.bitcast(braw, jnp.int32)
            base_i = jnp.sum(jnp.where(lane == 0, bbits, 0)) - start
            accs = [jnp.zeros((16,), jnp.float32) for _ in range(4)]
            for j in range(J_):
                wj = plsc.load_gather(
                    ub, [tv, jnp.broadcast_to(jnp.int32(j), (16,))])
                r = jnp.clip(base_i + j, 0, SLAB - 1)
                for q in range(4):
                    accs[q] = accs[q] + wj * slab[r, pl.ds(q * 16, 16)]
            for q in range(4):
                ob[t, pl.ds(q * 16, 16)] = accs[q]

        pltpu.sync_copy(ob, out_hbm.at[b, h, pl.ds(tok0, TSC), :])

    start_in(0, bufs[0])

    def pair_body(i, carry):
        ti = i * 2
        start_in(ti + 1, bufs[1])
        run_task(ti, bufs[0])

        @pl.when(ti + 2 < NT)
        def _():
            start_in(ti + 2, bufs[0])

        run_task(ti + 1, bufs[1])
        return carry

    lax.fori_loop(0, NT // 2, pair_body, 0)


def kernel(x, window_w, window_b, window_gamma, offset_w, offset_b,
           offset_gamma, kernel_w, kernel_b, kernel_gamma, v_w, v_b, out_w):
    f32 = jnp.float32
    xf = x.reshape(M_, C_)
    wkv = jnp.concatenate([v_w, kernel_w], axis=0).T
    wwo = jnp.concatenate([window_w, offset_w], axis=0).T
    ball = jnp.concatenate([v_b, kernel_b, window_b, offset_b])[None, :]
    gall = jnp.concatenate([kernel_gamma, window_gamma, offset_gamma])[None, :]

    v, u = pl.pallas_call(
        _stage1_body,
        grid=(M_ // TB,),
        in_specs=[
            pl.BlockSpec((TB, C_), lambda i: (i, 0)),
            pl.BlockSpec((C_, C_ + H_ * K_), lambda i: (0, 0)),
            pl.BlockSpec((C_, 2 * H_), lambda i: (0, 0)),
            pl.BlockSpec((1, C_ + H_ * K_ + 2 * H_), lambda i: (0, 0)),
            pl.BlockSpec((1, H_ * K_ + 2 * H_), lambda i: (0, 0)),
        ],
        out_specs=[
            pl.BlockSpec((TB, C_), lambda i: (i, 0)),
            pl.BlockSpec((TB, H_, JPAD), lambda i: (i, 0, 0)),
        ],
        out_shape=[
            jax.ShapeDtypeStruct((M_, C_), f32),
            jax.ShapeDtypeStruct((M_, H_, JPAD), f32),
        ],
    )(xf, wkv, wwo, ball, gall)

    vt = v.reshape(B_, L_, H_, D_).transpose(0, 2, 1, 3)
    ut = u.reshape(B_, L_, H_, JPAD).transpose(0, 2, 1, 3)

    mesh = plsc.VectorSubcoreMesh(core_axis_name="c", subcore_axis_name="s")
    hid_t = pl.kernel(
        _conv_sc_body,
        out_type=jax.ShapeDtypeStruct((B_, H_, L_, D_), f32),
        mesh=mesh,
        compiler_params=pltpu.CompilerParams(needs_layout_passes=False),
        scratch_types=[
            pltpu.VMEM((SLAB, VS), f32),
            pltpu.VMEM((SLAB, VS), f32),
            pltpu.VMEM((TSC, US), f32),
            pltpu.VMEM((TSC, D_), f32),
            pltpu.SemaphoreType.DMA,
            pltpu.SemaphoreType.DMA,
        ],
    )(
        jnp.pad(vt, ((0, 0), (0, 0), (0, 0), (0, 1))),
        jnp.pad(ut, ((0, 0), (0, 0), (0, 0), (0, 1))),
    )

    hid = hid_t.transpose(0, 2, 1, 3).reshape(M_, C_)

    out = pl.pallas_call(
        _stage3_body,
        grid=(M_ // TB,),
        in_specs=[
            pl.BlockSpec((TB, C_), lambda i: (i, 0)),
            pl.BlockSpec((C_, C_), lambda i: (0, 0)),
        ],
        out_specs=pl.BlockSpec((TB, C_), lambda i: (i, 0)),
        out_shape=jax.ShapeDtypeStruct((M_, C_), f32),
    )(hid, out_w.T)

    return out.reshape(B_, L_, C_)

# --- scband reference (transcript-rebuilt; emitter-appended) ---
"""Pipeline reference for scband-triton-adaptive-local-conv-30906584662721 (READ-ONLY COPY).

The authoritative reference and input builder live on the scoring server;
editing this copy changes nothing except your own understanding.
"""

import math
import jax, jax.numpy as jnp
import numpy as np

B, L, C = 2, 4096, 1024
H, K = 16, 16
MIN_WINDOW = 4


def _linear(x, w, b=None):
    y = x @ w.T
    if b is not None:
        y = y + b
    return y


def _rmsnorm(x, gamma, eps=1e-6):
    rms = jnp.sqrt(jnp.mean(x * x, axis=-1, keepdims=True))
    return x / (rms + eps) * gamma


def _silu(x):
    return x * jax.nn.sigmoid(x)


def _adaptive_conv(v, half_win, center_off, kernel, half_window_max):
    Bv, Lv, Cv = v.shape
    Hh = half_win.shape[-1]
    Kk = kernel.shape[-1]
    D = Cv // Hh
    vh = v.reshape(Bv, Lv, Hh, D)
    l_idx = jnp.arange(Lv, dtype=jnp.float32)[None, :, None]
    center = l_idx + center_off  # [B, L, H]

    def step(acc, k):
        rel = k.astype(jnp.float32) - (Kk // 2)
        posf = center + rel
        p0 = jnp.floor(posf)
        frac = posf - p0
        p0i = p0.astype(jnp.int32)
        p1i = p0i + 1
        m0 = ((p0i >= 0) & (p0i < Lv)).astype(v.dtype)
        m1 = ((p1i >= 0) & (p1i < Lv)).astype(v.dtype)
        p0c = jnp.clip(p0i, 0, Lv - 1)
        p1c = jnp.clip(p1i, 0, Lv - 1)
        g0 = jnp.take_along_axis(vh, p0c[..., None], axis=1)
        g1 = jnp.take_along_axis(vh, p1c[..., None], axis=1)
        interp = g0 * ((1.0 - frac) * m0)[..., None] + g1 * (frac * m1)[..., None]
        wmask = jax.nn.sigmoid(half_win - jnp.abs(rel))
        hard = (jnp.abs(rel) <= half_window_max).astype(v.dtype)
        wk = jnp.take(kernel, k, axis=-1) * wmask * hard  # [B, L, H]
        return acc + interp * wk[..., None], None

    out, _ = jax.lax.scan(step, jnp.zeros_like(vh), jnp.arange(Kk))
    return out.reshape(Bv, Lv, Cv)


def _forward(x, window_w, window_b, window_gamma, offset_w, offset_b, offset_gamma,
             kernel_w, kernel_b, kernel_gamma, v_w, v_b, out_w):
    Bx, Lx, Cx = x.shape
    max_window = min(int(math.sqrt(Lx)), K)
    half_window_max = max_window // 2
    max_offset = int(math.sqrt(Lx))
    M = Bx * Lx
    xf = x.reshape(M, Cx)

    wl = _linear(xf, window_w, window_b)
    wn = _rmsnorm(wl, window_gamma)
    wr = jax.nn.sigmoid(wn)
    window_sizes = MIN_WINDOW + wr * (max_window - MIN_WINDOW)
    half_windows = (window_sizes / 2.0).reshape(Bx, Lx, H)

    ol = _linear(xf, offset_w, offset_b)
    on = _rmsnorm(ol, offset_gamma)
    center_offsets = (jnp.tanh(on) * max_offset).reshape(Bx, Lx, H)

    kl = _linear(xf, kernel_w, kernel_b)
    kn = _rmsnorm(kl, kernel_gamma)
    kernel_weights = _silu(kn).reshape(Bx, Lx, H, K)

    v = _linear(xf, v_w, v_b).reshape(Bx, Lx, Cx)
    hidden = _adaptive_conv(v, half_windows, center_offsets, kernel_weights, half_window_max)
    out_flat = _linear(hidden.reshape(M, Cx), out_w)
    return _silu(out_flat).reshape(Bx, Lx, Cx)


def setup_inputs(seed: int = 0) -> dict:
    key = jax.random.key(seed)
    ks = jax.random.split(key, 8)
    return {
        "x": jax.random.normal(ks[0], (B, L, C), dtype=jnp.float32),
        "window_w": jax.random.normal(ks[1], (H, C), dtype=jnp.float32) * 0.02,
        "window_b": jnp.zeros((H,), dtype=jnp.float32),
        "window_gamma": jnp.ones((H,), dtype=jnp.float32),
        "offset_w": jax.random.normal(ks[2], (H, C), dtype=jnp.float32) * 0.02,
        "offset_b": jnp.zeros((H,), dtype=jnp.float32),
        "offset_gamma": jnp.ones((H,), dtype=jnp.float32),
        "kernel_w": jax.random.normal(ks[3], (H * K, C), dtype=jnp.float32) * 0.02,
        "kernel_b": jnp.zeros((H * K,), dtype=jnp.float32),
        "kernel_gamma": jnp.ones((H * K,), dtype=jnp.float32),
        "v_w": jax.random.normal(ks[4], (C, C), dtype=jnp.float32) * 0.02,
        "v_b": jnp.zeros((C,), dtype=jnp.float32),
        "out_w": jax.random.normal(ks[5], (C, C), dtype=jnp.float32) * 0.02,
    }


def reference(x, window_w, window_b, window_gamma, offset_w, offset_b, offset_gamma,
              kernel_w, kernel_b, kernel_gamma, v_w, v_b, out_w):
    return _forward(x, window_w, window_b, window_gamma, offset_w, offset_b, offset_gamma,
                    kernel_w, kernel_b, kernel_gamma, v_w, v_b, out_w)

if __name__ == "__main__":
    import jax
    _d = setup_inputs()
    print(jax.jit(kernel)(*tuple(_d.values())))

</pallas_src>

<mosaic_0001>
#map = affine_map<(d0, d1) -> (0, 0, 0, 0)>
module attributes {stable_mosaic.version = 14 : i64} {
  func.func @_conv_sc_body(%arg0: i32, %arg1: i32, %arg2: memref<2x16x4096x65xf32, #tpu.memory_space<hbm>>, %arg3: memref<2x16x4096x33xf32, #tpu.memory_space<hbm>>, %arg4: memref<2x16x4096x64xf32, #tpu.memory_space<hbm>>, %arg5: memref<272x65xf32, #tpu.memory_space<vmem>>, %arg6: memref<272x65xf32, #tpu.memory_space<vmem>>, %arg7: memref<128x33xf32, #tpu.memory_space<vmem>>, %arg8: memref<128x64xf32, #tpu.memory_space<vmem>>, %arg9: memref<!tpu.dma_semaphore, #tpu.memory_space<semaphore_mem>>, %arg10: memref<!tpu.dma_semaphore, #tpu.memory_space<semaphore_mem>>) attributes {dimension_semantics = [#tpu.dimension_semantics<core_parallel>, #tpu.dimension_semantics<subcore_parallel>], iteration_bounds = array<i64: 2, 16>, scalar_prefetch = 0 : i64, scratch_operands = 6 : i64, tpu.core_type = #tpu.core_type<sc_vector_subcore>, window_params = [{transform_indices = #map}, {transform_indices = #map}, {transform_indices = #map}]} {
    %mul3A = arith.constant 2 : i32
    %mul3A_0 = arith.muli %arg1, %mul3A : i32
    %add3A = arith.addi %mul3A_0, %arg0 : i32
    %add3A_1 = arith.constant 0 : i32
    %add3A_2 = arith.addi %add3A_1, %add3A : i32
    %jit3A = arith.constant 512 : i32
    %div3A = arith.divsi %add3A_2, %jit3A : i32
    %sign3A = arith.constant 0 : i32
    %sign3A_3 = arith.cmpi sgt, %add3A_2, %sign3A : i32
    %sign3A_4 = arith.extui %sign3A_3 : i1 to i32
    %sign3A_5 = arith.constant 0 : i32
    %sign3A_6 = arith.cmpi slt, %add3A_2, %sign3A_5 : i32
    %sign3A_7 = arith.extui %sign3A_6 : i1 to i32
    %sign3A_8 = arith.subi %sign3A_4, %sign3A_7 : i32
    %sign3A_9 = arith.constant 0 : i32
    %sign3A_10 = arith.cmpi sgt, %jit3A, %sign3A_9 : i32
    %sign3A_11 = arith.extui %sign3A_10 : i1 to i32
    %sign3A_12 = arith.constant 0 : i32
    %sign3A_13 = arith.cmpi slt, %jit3A, %sign3A_12 : i32
    %sign3A_14 = arith.extui %sign3A_13 : i1 to i32
    %sign3A_15 = arith.subi %sign3A_11, %sign3A_14 : i32
    %ne3A = arith.cmpi ne, %sign3A_8, %sign3A_15 : i32
    %rem3A = arith.remsi %add3A_2, %jit3A : i32
    %ne3A_16 = arith.constant 0 : i32
    %ne3A_17 = arith.cmpi ne, %rem3A, %ne3A_16 : i32
    %and3A = arith.andi %ne3A, %ne3A_17 : i1
    %sub3A = arith.constant 1 : i32
    %sub3A_18 = arith.subi %div3A, %sub3A : i32
    %select_n3A = arith.select %and3A, %sub3A_18, %div3A : i32
    %jit3A_19 = arith.constant 512 : i32
    %eq3A = arith.constant 0 : i32
    %eq3A_20 = arith.cmpi eq, %jit3A_19, %eq3A : i32
    %jit3A_21 = arith.constant 1 : i32
    %select_n3A_22 = arith.select %eq3A_20, %jit3A_21, %jit3A_19 : i32
    %rem3A_23 = arith.remsi %add3A_2, %select_n3A_22 : i32
    %ne3A_24 = arith.constant 0 : i32
    %ne3A_25 = arith.cmpi ne, %rem3A_23, %ne3A_24 : i32
    %lt3A = arith.constant 0 : i32
    %lt3A_26 = arith.cmpi slt, %rem3A_23, %lt3A : i32
    %lt3A_27 = arith.constant 0 : i32
    %lt3A_28 = arith.cmpi slt, %select_n3A_22, %lt3A_27 : i32
    %ne3A_29 = arith.xori %lt3A_26, %lt3A_28 : i1
    %and3A_30 = arith.andi %ne3A_29, %ne3A_25 : i1
    %add3A_31 = arith.addi %rem3A_23, %select_n3A_22 : i32
    %select_n3A_32 = arith.select %and3A_30, %add3A_31, %rem3A_23 : i32
    %jit3A_33 = arith.constant 32 : i32
    %div3A_34 = arith.divsi %select_n3A_32, %jit3A_33 : i32
    %sign3A_35 = arith.constant 0 : i32
    %sign3A_36 = arith.cmpi sgt, %select_n3A_32, %sign3A_35 : i32
    %sign3A_37 = arith.extui %sign3A_36 : i1 to i32
    %sign3A_38 = arith.constant 0 : i32
    %sign3A_39 = arith.cmpi slt, %select_n3A_32, %sign3A_38 : i32
    %sign3A_40 = arith.extui %sign3A_39 : i1 to i32
    %sign3A_41 = arith.subi %sign3A_37, %sign3A_40 : i32
    %sign3A_42 = arith.constant 0 : i32
    %sign3A_43 = arith.cmpi sgt, %jit3A_33, %sign3A_42 : i32
    %sign3A_44 = arith.extui %sign3A_43 : i1 to i32
    %sign3A_45 = arith.constant 0 : i32
    %sign3A_46 = arith.cmpi slt, %jit3A_33, %sign3A_45 : i32
    %sign3A_47 = arith.extui %sign3A_46 : i1 to i32
    %sign3A_48 = arith.subi %sign3A_44, %sign3A_47 : i32
    %ne3A_49 = arith.cmpi ne, %sign3A_41, %sign3A_48 : i32
    %rem3A_50 = arith.remsi %select_n3A_32, %jit3A_33 : i32
    %ne3A_51 = arith.constant 0 : i32
    %ne3A_52 = arith.cmpi ne, %rem3A_50, %ne3A_51 : i32
    %and3A_53 = arith.andi %ne3A_49, %ne3A_52 : i1
    %sub3A_54 = arith.constant 1 : i32
    %sub3A_55 = arith.subi %div3A_34, %sub3A_54 : i32
    %select_n3A_56 = arith.select %and3A_53, %sub3A_55, %div3A_34 : i32
    %jit3A_57 = arith.constant 32 : i32
    %eq3A_58 = arith.constant 0 : i32
    %eq3A_59 = arith.cmpi eq, %jit3A_57, %eq3A_58 : i32
    %jit3A_60 = arith.constant 1 : i32
    %select_n3A_61 = arith.select %eq3A_59, %jit3A_60, %jit3A_57 : i32
    %rem3A_62 = arith.remsi %select_n3A_32, %select_n3A_61 : i32
    %ne3A_63 = arith.constant 0 : i32
    %ne3A_64 = arith.cmpi ne, %rem3A_62, %ne3A_63 : i32
    %lt3A_65 = arith.constant 0 : i32
    %lt3A_66 = arith.cmpi slt, %rem3A_62, %lt3A_65 : i32
    %lt3A_67 = arith.constant 0 : i32
    %lt3A_68 = arith.cmpi slt, %select_n3A_61, %lt3A_67 : i32
    %ne3A_69 = arith.xori %lt3A_66, %lt3A_68 : i1
    %and3A_70 = arith.andi %ne3A_69, %ne3A_64 : i1
    %add3A_71 = arith.addi %rem3A_62, %select_n3A_61 : i32
    %select_n3A_72 = arith.select %and3A_70, %add3A_71, %rem3A_62 : i32
    %mul3A_73 = arith.constant 128 : i32
    %mul3A_74 = arith.muli %select_n3A_72, %mul3A_73 : i32
    %multiple_of3A = tpu.assume_multiple %mul3A_74, 128 : i32
    %sub3A_75 = arith.constant 72 : i32
    %sub3A_76 = arith.subi %multiple_of3A, %sub3A_75 : i32
    %jit3A_77 = arith.constant 0 : i32
    %jit3A_78 = arith.constant 3824 : i32
    %max3A = arith.maxsi %jit3A_77, %sub3A_76 : i32
    %min3A = arith.minsi %jit3A_78, %max3A : i32
    %multiple_of3A_79 = tpu.assume_multiple %min3A, 8 : i32
    %dma_start3A = arith.constant 0 : i32
    %dma_start3A_80 = tpu.memref_slice %arg2[%select_n3A, %select_n3A_56, %multiple_of3A_79, %dma_start3A] : memref<2x16x4096x65xf32, #tpu.memory_space<hbm>> -> memref<1x1x272x65xf32, #tpu.memory_space<hbm>>
    %dma_start3A_81 = tpu.memref_squeeze %dma_start3A_80 : memref<1x1x272x65xf32, #tpu.memory_space<hbm>> -> memref<272x65xf32, #tpu.memory_space<hbm>>
    %dma_start3A_82 = arith.constant 0 : i32
    %dma_start3A_83 = tpu.memref_slice %arg2[%select_n3A, %select_n3A_56, %multiple_of3A_79, %dma_start3A_82] : memref<2x16x4096x65xf32, #tpu.memory_space<hbm>> -> memref<1x1x272x65xf32, #tpu.memory_space<hbm>>
    %dma_start3A_84 = tpu.memref_squeeze %dma_start3A_83 : memref<1x1x272x65xf32, #tpu.memory_space<hbm>> -> memref<272x65xf32, #tpu.memory_space<hbm>>
    tpu.enqueue_dma source(%dma_start3A_84 : memref<272x65xf32, #tpu.memory_space<hbm>>) target(%arg5 : memref<272x65xf32, #tpu.memory_space<vmem>>) target_semaphore(%arg9 : memref<!tpu.dma_semaphore, #tpu.memory_space<semaphore_mem>>)
    %scan3A = arith.constant 0 : i32
    %scan3A_85 = arith.constant 0 : i32
    %scan3A_86 = arith.constant 16 : i32
    %scan3A_87 = arith.addi %scan3A_85, %scan3A_86 : i32
    %scan3A_88 = arith.constant 1 : i32
    scf.for %scan3A_90 = %scan3A_85 to %scan3A_87 step %scan3A_88  : i32 {
      %mul3A_91 = arith.constant 2 : i32
      %mul3A_92 = arith.muli %scan3A_90, %mul3A_91 : i32
      %add3A_93 = arith.constant 1 : i32
      %add3A_94 = arith.addi %mul3A_92, %add3A_93 : i32
      %mul3A_95 = arith.constant 32 : i32
      %mul3A_96 = arith.muli %add3A_94, %mul3A_95 : i32
      %add3A_97 = arith.addi %mul3A_96, %add3A : i32
      %jit3A_98 = arith.constant 512 : i32
      %div3A_99 = arith.divsi %add3A_97, %jit3A_98 : i32
      %sign3A_100 = arith.constant 0 : i32
      %sign3A_101 = arith.cmpi sgt, %add3A_97, %sign3A_100 : i32
      %sign3A_102 = arith.extui %sign3A_101 : i1 to i32
      %sign3A_103 = arith.constant 0 : i32
      %sign3A_104 = arith.cmpi slt, %add3A_97, %sign3A_103 : i32
      %sign3A_105 = arith.extui %sign3A_104 : i1 to i32
      %sign3A_106 = arith.subi %sign3A_102, %sign3A_105 : i32
      %sign3A_107 = arith.constant 0 : i32
      %sign3A_108 = arith.cmpi sgt, %jit3A_98, %sign3A_107 : i32
      %sign3A_109 = arith.extui %sign3A_108 : i1 to i32
      %sign3A_110 = arith.constant 0 : i32
      %sign3A_111 = arith.cmpi slt, %jit3A_98, %sign3A_110 : i32
      %sign3A_112 = arith.extui %sign3A_111 : i1 to i32
      %sign3A_113 = arith.subi %sign3A_109, %sign3A_112 : i32
      %ne3A_114 = arith.cmpi ne, %sign3A_106, %sign3A_113 : i32
      %rem3A_115 = arith.remsi %add3A_97, %jit3A_98 : i32
      %ne3A_116 = arith.constant 0 : i32
      %ne3A_117 = arith.cmpi ne, %rem3A_115, %ne3A_116 : i32
      %and3A_118 = arith.andi %ne3A_114, %ne3A_117 : i1
      %sub3A_119 = arith.constant 1 : i32
      %sub3A_120 = arith.subi %div3A_99, %sub3A_119 : i32
      %select_n3A_121 = arith.select %and3A_118, %sub3A_120, %div3A_99 : i32
      %jit3A_122 = arith.constant 512 : i32
      %eq3A_123 = arith.constant 0 : i32
      %eq3A_124 = arith.cmpi eq, %jit3A_122, %eq3A_123 : i32
      %jit3A_125 = arith.constant 1 : i32
      %select_n3A_126 = arith.select %eq3A_124, %jit3A_125, %jit3A_122 : i32
      %rem3A_127 = arith.remsi %add3A_97, %select_n3A_126 : i32
      %ne3A_128 = arith.constant 0 : i32
      %ne3A_129 = arith.cmpi ne, %rem3A_127, %ne3A_128 : i32
      %lt3A_130 = arith.constant 0 : i32
      %lt3A_131 = arith.cmpi slt, %rem3A_127, %lt3A_130 : i32
      %lt3A_132 = arith.constant 0 : i32
      %lt3A_133 = arith.cmpi slt, %select_n3A_126, %lt3A_132 : i32
      %ne3A_134 = arith.xori %lt3A_131, %lt3A_133 : i1
      %and3A_135 = arith.andi %ne3A_134, %ne3A_129 : i1
      %add3A_136 = arith.addi %rem3A_127, %select_n3A_126 : i32
      %select_n3A_137 = arith.select %and3A_135, %add3A_136, %rem3A_127 : i32
      %jit3A_138 = arith.constant 32 : i32
      %div3A_139 = arith.divsi %select_n3A_137, %jit3A_138 : i32
      %sign3A_140 = arith.constant 0 : i32
      %sign3A_141 = arith.cmpi sgt, %select_n3A_137, %sign3A_140 : i32
      %sign3A_142 = arith.extui %sign3A_141 : i1 to i32
      %sign3A_143 = arith.constant 0 : i32
      %sign3A_144 = arith.cmpi slt, %select_n3A_137, %sign3A_143 : i32
      %sign3A_145 = arith.extui %sign3A_144 : i1 to i32
      %sign3A_146 = arith.subi %sign3A_142, %sign3A_145 : i32
      %sign3A_147 = arith.constant 0 : i32
      %sign3A_148 = arith.cmpi sgt, %jit3A_138, %sign3A_147 : i32
      %sign3A_149 = arith.extui %sign3A_148 : i1 to i32
      %sign3A_150 = arith.constant 0 : i32
      %sign3A_151 = arith.cmpi slt, %jit3A_138, %sign3A_150 : i32
      %sign3A_152 = arith.extui %sign3A_151 : i1 to i32
      %sign3A_153 = arith.subi %sign3A_149, %sign3A_152 : i32
      %ne3A_154 = arith.cmpi ne, %sign3A_146, %sign3A_153 : i32
      %rem3A_155 = arith.remsi %select_n3A_137, %jit3A_138 : i32
      %ne3A_156 = arith.constant 0 : i32
      %ne3A_157 = arith.cmpi ne, %rem3A_155, %ne3A_156 : i32
      %and3A_158 = arith.andi %ne3A_154, %ne3A_157 : i1
      %sub3A_159 = arith.constant 1 : i32
      %sub3A_160 = arith.subi %div3A_139, %sub3A_159 : i32
      %select_n3A_161 = arith.select %and3A_158, %sub3A_160, %div3A_139 : i32
      %jit3A_162 = arith.constant 32 : i32
      %eq3A_163 = arith.constant 0 : i32
      %eq3A_164 = arith.cmpi eq, %jit3A_162, %eq3A_163 : i32
      %jit3A_165 = arith.constant 1 : i32
      %select_n3A_166 = arith.select %eq3A_164, %jit3A_165, %jit3A_162 : i32
      %rem3A_167 = arith.remsi %select_n3A_137, %select_n3A_166 : i32
      %ne3A_168 = arith.constant 0 : i32
      %ne3A_169 = arith.cmpi ne, %rem3A_167, %ne3A_168 : i32
      %lt3A_170 = arith.constant 0 : i32
      %lt3A_171 = arith.cmpi slt, %rem3A_167, %lt3A_170 : i32
      %lt3A_172 = arith.constant 0 : i32
      %lt3A_173 = arith.cmpi slt, %select_n3A_166, %lt3A_172 : i32
      %ne3A_174 = arith.xori %lt3A_171, %lt3A_173 : i1
      %and3A_175 = arith.andi %ne3A_174, %ne3A_169 : i1
      %add3A_176 = arith.addi %rem3A_167, %select_n3A_166 : i32
      %select_n3A_177 = arith.select %and3A_175, %add3A_176, %rem3A_167 : i32
      %mul3A_178 = arith.constant 128 : i32
      %mul3A_179 = arith.muli %select_n3A_177, %mul3A_178 : i32
      %multiple_of3A_180 = tpu.assume_multiple %mul3A_179, 128 : i32
      %sub3A_181 = arith.constant 72 : i32
      %sub3A_182 = arith.subi %multiple_of3A_180, %sub3A_181 : i32
      %jit3A_183 = arith.constant 0 : i32
      %jit3A_184 = arith.constant 3824 : i32
      %max3A_185 = arith.maxsi %jit3A_183, %sub3A_182 : i32
      %min3A_186 = arith.minsi %jit3A_184, %max3A_185 : i32
      %multiple_of3A_187 = tpu.assume_multiple %min3A_186, 8 : i32
      %dma_start3A_188 = arith.constant 0 : i32
      %dma_start3A_189 = tpu.memref_slice %arg2[%select_n3A_121, %select_n3A_161, %multiple_of3A_187, %dma_start3A_188] : memref<2x16x4096x65xf32, #tpu.memory_space<hbm>> -> memref<1x1x272x65xf32, #tpu.memory_space<hbm>>
      %dma_start3A_190 = tpu.memref_squeeze %dma_start3A_189 : memref<1x1x272x65xf32, #tpu.memory_space<hbm>> -> memref<272x65xf32, #tpu.memory_space<hbm>>
      %dma_start3A_191 = arith.constant 0 : i32
      %dma_start3A_192 = tpu.memref_slice %arg2[%select_n3A_121, %select_n3A_161, %multiple_of3A_187, %dma_start3A_191] : memref<2x16x4096x65xf32, #tpu.memory_space<hbm>> -> memref<1x1x272x65xf32, #tpu.memory_space<hbm>>
      %dma_start3A_193 = tpu.memref_squeeze %dma_start3A_192 : memref<1x1x272x65xf32, #tpu.memory_space<hbm>> -> memref<272x65xf32, #tpu.memory_space<hbm>>
      tpu.enqueue_dma source(%dma_start3A_193 : memref<272x65xf32, #tpu.memory_space<hbm>>) target(%arg6 : memref<272x65xf32, #tpu.memory_space<vmem>>) target_semaphore(%arg10 : memref<!tpu.dma_semaphore, #tpu.memory_space<semaphore_mem>>)
      %mul3A_194 = arith.constant 32 : i32
      %mul3A_195 = arith.muli %mul3A_92, %mul3A_194 : i32
      %add3A_196 = arith.addi %mul3A_195, %add3A : i32
      %jit3A_197 = arith.constant 512 : i32
      %div3A_198 = arith.divsi %add3A_196, %jit3A_197 : i32
      %sign3A_199 = arith.constant 0 : i32
      %sign3A_200 = arith.cmpi sgt, %add3A_196, %sign3A_199 : i32
      %sign3A_201 = arith.extui %sign3A_200 : i1 to i32
      %sign3A_202 = arith.constant 0 : i32
      %sign3A_203 = arith.cmpi slt, %add3A_196, %sign3A_202 : i32
      %sign3A_204 = arith.extui %sign3A_203 : i1 to i32
      %sign3A_205 = arith.subi %sign3A_201, %sign3A_204 : i32
      %sign3A_206 = arith.constant 0 : i32
      %sign3A_207 = arith.cmpi sgt, %jit3A_197, %sign3A_206 : i32
      %sign3A_208 = arith.extui %sign3A_207 : i1 to i32
      %sign3A_209 = arith.constant 0 : i32
      %sign3A_210 = arith.cmpi slt, %jit3A_197, %sign3A_209 : i32
      %sign3A_211 = arith.extui %sign3A_210 : i1 to i32
      %sign3A_212 = arith.subi %sign3A_208, %sign3A_211 : i32
      %ne3A_213 = arith.cmpi ne, %sign3A_205, %sign3A_212 : i32
      %rem3A_214 = arith.remsi %add3A_196, %jit3A_197 : i32
      %ne3A_215 = arith.constant 0 : i32
      %ne3A_216 = arith.cmpi ne, %rem3A_214, %ne3A_215 : i32
      %and3A_217 = arith.andi %ne3A_213, %ne3A_216 : i1
      %sub3A_218 = arith.constant 1 : i32
      %sub3A_219 = arith.subi %div3A_198, %sub3A_218 : i32
      %select_n3A_220 = arith.select %and3A_217, %sub3A_219, %div3A_198 : i32
      %jit3A_221 = arith.constant 512 : i32
      %eq3A_222 = arith.constant 0 : i32
      %eq3A_223 = arith.cmpi eq, %jit3A_221, %eq3A_222 : i32
      %jit3A_224 = arith.constant 1 : i32
      %select_n3A_225 = arith.select %eq3A_223, %jit3A_224, %jit3A_221 : i32
      %rem3A_226 = arith.remsi %add3A_196, %select_n3A_225 : i32
      %ne3A_227 = arith.constant 0 : i32
      %ne3A_228 = arith.cmpi ne, %rem3A_226, %ne3A_227 : i32
      %lt3A_229 = arith.constant 0 : i32
      %lt3A_230 = arith.cmpi slt, %rem3A_226, %lt3A_229 : i32
      %lt3A_231 = arith.constant 0 : i32
      %lt3A_232 = arith.cmpi slt, %select_n3A_225, %lt3A_231 : i32
      %ne3A_233 = arith.xori %lt3A_230, %lt3A_232 : i1
      %and3A_234 = arith.andi %ne3A_233, %ne3A_228 : i1
      %add3A_235 = arith.addi %rem3A_226, %select_n3A_225 : i32
      %select_n3A_236 = arith.select %and3A_234, %add3A_235, %rem3A_226 : i32
      %jit3A_237 = arith.constant 32 : i32
      %div3A_238 = arith.divsi %select_n3A_236, %jit3A_237 : i32
      %sign3A_239 = arith.constant 0 : i32
      %sign3A_240 = arith.cmpi sgt, %select_n3A_236, %sign3A_239 : i32
      %sign3A_241 = arith.extui %sign3A_240 : i1 to i32
      %sign3A_242 = arith.constant 0 : i32
      %sign3A_243 = arith.cmpi slt, %select_n3A_236, %sign3A_242 : i32
      %sign3A_244 = arith.extui %sign3A_243 : i1 to i32
      %sign3A_245 = arith.subi %sign3A_241, %sign3A_244 : i32
      %sign3A_246 = arith.constant 0 : i32
      %sign3A_247 = arith.cmpi sgt, %jit3A_237, %sign3A_246 : i32
      %sign3A_248 = arith.extui %sign3A_247 : i1 to i32
      %sign3A_249 = arith.constant 0 : i32
      %sign3A_250 = arith.cmpi slt, %jit3A_237, %sign3A_249 : i32
      %sign3A_251 = arith.extui %sign3A_250 : i1 to i32
      %sign3A_252 = arith.subi %sign3A_248, %sign3A_251 : i32
      %ne3A_253 = arith.cmpi ne, %sign3A_245, %sign3A_252 : i32
      %rem3A_254 = arith.remsi %select_n3A_236, %jit3A_237 : i32
      %ne3A_255 = arith.constant 0 : i32
      %ne3A_256 = arith.cmpi ne, %rem3A_254, %ne3A_255 : i32
      %and3A_257 = arith.andi %ne3A_253, %ne3A_256 : i1
      %sub3A_258 = arith.constant 1 : i32
      %sub3A_259 = arith.subi %div3A_238, %sub3A_258 : i32
      %select_n3A_260 = arith.select %and3A_257, %sub3A_259, %div3A_238 : i32
      %jit3A_261 = arith.constant 32 : i32
      %eq3A_262 = arith.constant 0 : i32
      %eq3A_263 = arith.cmpi eq, %jit3A_261, %eq3A_262 : i32
      %jit3A_264 = arith.constant 1 : i32
      %select_n3A_265 = arith.select %eq3A_263, %jit3A_264, %jit3A_261 : i32
      %rem3A_266 = arith.remsi %select_n3A_236, %select_n3A_265 : i32
      %ne3A_267 = arith.constant 0 : i32
      %ne3A_268 = arith.cmpi ne, %rem3A_266, %ne3A_267 : i32
      %lt3A_269 = arith.constant 0 : i32
      %lt3A_270 = arith.cmpi slt, %rem3A_266, %lt3A_269 : i32
      %lt3A_271 = arith.constant 0 : i32
      %lt3A_272 = arith.cmpi slt, %select_n3A_265, %lt3A_271 : i32
      %ne3A_273 = arith.xori %lt3A_270, %lt3A_272 : i1
      %and3A_274 = arith.andi %ne3A_273, %ne3A_268 : i1
      %add3A_275 = arith.addi %rem3A_266, %select_n3A_265 : i32
      %select_n3A_276 = arith.select %and3A_274, %add3A_275, %rem3A_266 : i32
      %mul3A_277 = arith.constant 128 : i32
      %mul3A_278 = arith.muli %select_n3A_276, %mul3A_277 : i32
      %multiple_of3A_279 = tpu.assume_multiple %mul3A_278, 128 : i32
      %sub3A_280 = arith.constant 72 : i32
      %sub3A_281 = arith.subi %multiple_of3A_279, %sub3A_280 : i32
      %jit3A_282 = arith.constant 0 : i32
      %jit3A_283 = arith.constant 3824 : i32
      %max3A_284 = arith.maxsi %jit3A_282, %sub3A_281 : i32
      %min3A_285 = arith.minsi %jit3A_283, %max3A_284 : i32
      %multiple_of3A_286 = tpu.assume_multiple %min3A_285, 8 : i32
      %dma_wait3A = arith.constant 0 : i32
      %dma_wait3A_287 = tpu.memref_slice %arg2[%select_n3A_220, %select_n3A_260, %multiple_of3A_286, %dma_wait3A] : memref<2x16x4096x65xf32, #tpu.memory_space<hbm>> -> memref<1x1x272x65xf32, #tpu.memory_space<hbm>>
      %dma_wait3A_288 = tpu.memref_squeeze %dma_wait3A_287 : memref<1x1x272x65xf32, #tpu.memory_space<hbm>> -> memref<272x65xf32, #tpu.memory_space<hbm>>
      %dma_wait3A_289 = arith.constant 0 : i32
      %dma_wait3A_290 = tpu.memref_slice %arg2[%select_n3A_220, %select_n3A_260, %multiple_of3A_286, %dma_wait3A_289] : memref<2x16x4096x65xf32, #tpu.memory_space<hbm>> -> memref<1x1x272x65xf32, #tpu.memory_space<hbm>>
      %dma_wait3A_291 = tpu.memref_squeeze %dma_wait3A_290 : memref<1x1x272x65xf32, #tpu.memory_space<hbm>> -> memref<272x65xf32, #tpu.memory_space<hbm>>
      tpu.wait_dma2 semaphore(%arg9 : memref<!tpu.dma_semaphore, #tpu.memory_space<semaphore_mem>>) src(%dma_wait3A_291 : memref<272x65xf32, #tpu.memory_space<hbm>>) dst(%arg5 : memref<272x65xf32, #tpu.memory_space<vmem>>)
      %mul3A_292 = arith.constant 32 : i32
      %mul3A_293 = arith.muli %mul3A_92, %mul3A_292 : i32
      %add3A_294 = arith.addi %mul3A_293, %add3A : i32
      %jit3A_295 = arith.constant 512 : i32
      %div3A_296 = arith.divsi %add3A_294, %jit3A_295 : i32
      %sign3A_297 = arith.constant 0 : i32
      %sign3A_298 = arith.cmpi sgt, %add3A_294, %sign3A_297 : i32
      %sign3A_299 = arith.extui %sign3A_298 : i1 to i32
      %sign3A_300 = arith.constant 0 : i32
      %sign3A_301 = arith.cmpi slt, %add3A_294, %sign3A_300 : i32
      %sign3A_302 = arith.extui %sign3A_301 : i1 to i32
      %sign3A_303 = arith.subi %sign3A_299, %sign3A_302 : i32
      %sign3A_304 = arith.constant 0 : i32
      %sign3A_305 = arith.cmpi sgt, %jit3A_295, %sign3A_304 : i32
      %sign3A_306 = arith.extui %sign3A_305 : i1 to i32
      %sign3A_307 = arith.constant 0 : i32
      %sign3A_308 = arith.cmpi slt, %jit3A_295, %sign3A_307 : i32
      %sign3A_309 = arith.extui %sign3A_308 : i1 to i32
      %sign3A_310 = arith.subi %sign3A_306, %sign3A_309 : i32
      %ne3A_311 = arith.cmpi ne, %sign3A_303, %sign3A_310 : i32
      %rem3A_312 = arith.remsi %add3A_294, %jit3A_295 : i32
      %ne3A_313 = arith.constant 0 : i32
      %ne3A_314 = arith.cmpi ne, %rem3A_312, %ne3A_313 : i32
      %and3A_315 = arith.andi %ne3A_311, %ne3A_314 : i1
      %sub3A_316 = arith.constant 1 : i32
      %sub3A_317 = arith.subi %div3A_296, %sub3A_316 : i32
      %select_n3A_318 = arith.select %and3A_315, %sub3A_317, %div3A_296 : i32
      %jit3A_319 = arith.constant 512 : i32
      %eq3A_320 = arith.constant 0 : i32
      %eq3A_321 = arith.cmpi eq, %jit3A_319, %eq3A_320 : i32
      %jit3A_322 = arith.constant 1 : i32
      %select_n3A_323 = arith.select %eq3A_321, %jit3A_322, %jit3A_319 : i32
      %rem3A_324 = arith.remsi %add3A_294, %select_n3A_323 : i32
      %ne3A_325 = arith.constant 0 : i32
      %ne3A_326 = arith.cmpi ne, %rem3A_324, %ne3A_325 : i32
      %lt3A_327 = arith.constant 0 : i32
      %lt3A_328 = arith.cmpi slt, %rem3A_324, %lt3A_327 : i32
      %lt3A_329 = arith.constant 0 : i32
      %lt3A_330 = arith.cmpi slt, %select_n3A_323, %lt3A_329 : i32
      %ne3A_331 = arith.xori %lt3A_328, %lt3A_330 : i1
      %and3A_332 = arith.andi %ne3A_331, %ne3A_326 : i1
      %add3A_333 = arith.addi %rem3A_324, %select_n3A_323 : i32
      %select_n3A_334 = arith.select %and3A_332, %add3A_333, %rem3A_324 : i32
      %jit3A_335 = arith.constant 32 : i32
      %div3A_336 = arith.divsi %select_n3A_334, %jit3A_335 : i32
      %sign3A_337 = arith.constant 0 : i32
      %sign3A_338 = arith.cmpi sgt, %select_n3A_334, %sign3A_337 : i32
      %sign3A_339 = arith.extui %sign3A_338 : i1 to i32
      %sign3A_340 = arith.constant 0 : i32
      %sign3A_341 = arith.cmpi slt, %select_n3A_334, %sign3A_340 : i32
      %sign3A_342 = arith.extui %sign3A_341 : i1 to i32
      %sign3A_343 = arith.subi %sign3A_339, %sign3A_342 : i32
      %sign3A_344 = arith.constant 0 : i32
      %sign3A_345 = arith.cmpi sgt, %jit3A_335, %sign3A_344 : i32
      %sign3A_346 = arith.extui %sign3A_345 : i1 to i32
      %sign3A_347 = arith.constant 0 : i32
      %sign3A_348 = arith.cmpi slt, %jit3A_335, %sign3A_347 : i32
      %sign3A_349 = arith.extui %sign3A_348 : i1 to i32
      %sign3A_350 = arith.subi %sign3A_346, %sign3A_349 : i32
      %ne3A_351 = arith.cmpi ne, %sign3A_343, %sign3A_350 : i32
      %rem3A_352 = arith.remsi %select_n3A_334, %jit3A_335 : i32
      %ne3A_353 = arith.constant 0 : i32
      %ne3A_354 = arith.cmpi ne, %rem3A_352, %ne3A_353 : i32
      %and3A_355 = arith.andi %ne3A_351, %ne3A_354 : i1
      %sub3A_356 = arith.constant 1 : i32
      %sub3A_357 = arith.subi %div3A_336, %sub3A_356 : i32
      %select_n3A_358 = arith.select %and3A_355, %sub3A_357, %div3A_336 : i32
      %jit3A_359 = arith.constant 32 : i32
      %eq3A_360 = arith.constant 0 : i32
      %eq3A_361 = arith.cmpi eq, %jit3A_359, %eq3A_360 : i32
      %jit3A_362 = arith.constant 1 : i32
      %select_n3A_363 = arith.select %eq3A_361, %jit3A_362, %jit3A_359 : i32
      %rem3A_364 = arith.remsi %select_n3A_334, %select_n3A_363 : i32
      %ne3A_365 = arith.constant 0 : i32
      %ne3A_366 = arith.cmpi ne, %rem3A_364, %ne3A_365 : i32
      %lt3A_367 = arith.constant 0 : i32
      %lt3A_368 = arith.cmpi slt, %rem3A_364, %lt3A_367 : i32
      %lt3A_369 = arith.constant 0 : i32
      %lt3A_370 = arith.cmpi slt, %select_n3A_363, %lt3A_369 : i32
      %ne3A_371 = arith.xori %lt3A_368, %lt3A_370 : i1
      %and3A_372 = arith.andi %ne3A_371, %ne3A_366 : i1
      %add3A_373 = arith.addi %rem3A_364, %select_n3A_363 : i32
      %select_n3A_374 = arith.select %and3A_372, %add3A_373, %rem3A_364 : i32
      %mul3A_375 = arith.constant 128 : i32
      %mul3A_376 = arith.muli %select_n3A_374, %mul3A_375 : i32
      %multiple_of3A_377 = tpu.assume_multiple %mul3A_376, 128 : i32
      %sub3A_378 = arith.constant 72 : i32
      %sub3A_379 = arith.subi %multiple_of3A_377, %sub3A_378 : i32
      %jit3A_380 = arith.constant 0 : i32
      %jit3A_381 = arith.constant 3824 : i32
      %max3A_382 = arith.maxsi %jit3A_380, %sub3A_379 : i32
      %min3A_383 = arith.minsi %jit3A_381, %max3A_382 : i32
      %multiple_of3A_384 = tpu.assume_multiple %min3A_383, 8 : i32
      "tpu.region"() ({
        %run_scoped3A = tpu.sem_alloc : memref<!tpu.dma_semaphore, #tpu.memory_space<semaphore_mem>>
        %dma_start3A_590 = arith.constant 0 : i32
        %dma_start3A_591 = tpu.memref_slice %arg3[%select_n3A_318, %select_n3A_358, %multiple_of3A_377, %dma_start3A_590] : memref<2x16x4096x33xf32, #tpu.memory_space<hbm>> -> memref<1x1x128x33xf32, #tpu.memory_space<hbm>>
        %dma_start3A_592 = tpu.memref_squeeze %dma_start3A_591 : memref<1x1x128x33xf32, #tpu.memory_space<hbm>> -> memref<128x33xf32, #tpu.memory_space<hbm>>
        %dma_start3A_593 = arith.constant 0 : i32
        %dma_start3A_594 = tpu.memref_slice %arg3[%select_n3A_318, %select_n3A_358, %multiple_of3A_377, %dma_start3A_593] : memref<2x16x4096x33xf32, #tpu.memory_space<hbm>> -> memref<1x1x128x33xf32, #tpu.memory_space<hbm>>
        %dma_start3A_595 = tpu.memref_squeeze %dma_start3A_594 : memref<1x1x128x33xf32, #tpu.memory_space<hbm>> -> memref<128x33xf32, #tpu.memory_space<hbm>>
        tpu.enqueue_dma source(%dma_start3A_595 : memref<128x33xf32, #tpu.memory_space<hbm>>) target(%arg7 : memref<128x33xf32, #tpu.memory_space<vmem>>) target_semaphore(%run_scoped3A : memref<!tpu.dma_semaphore, #tpu.memory_space<semaphore_mem>>)
        %dma_wait3A_596 = arith.constant 0 : i32
        %dma_wait3A_597 = tpu.memref_slice %arg3[%select_n3A_318, %select_n3A_358, %multiple_of3A_377, %dma_wait3A_596] : memref<2x16x4096x33xf32, #tpu.memory_space<hbm>> -> memref<1x1x128x33xf32, #tpu.memory_space<hbm>>
        %dma_wait3A_598 = tpu.memref_squeeze %dma_wait3A_597 : memref<1x1x128x33xf32, #tpu.memory_space<hbm>> -> memref<128x33xf32, #tpu.memory_space<hbm>>
        %dma_wait3A_599 = arith.constant 0 : i32
        %dma_wait3A_600 = tpu.memref_slice %arg3[%select_n3A_318, %select_n3A_358, %multiple_of3A_377, %dma_wait3A_599] : memref<2x16x4096x33xf32, #tpu.memory_space<hbm>> -> memref<1x1x128x33xf32, #tpu.memory_space<hbm>>
        %dma_wait3A_601 = tpu.memref_squeeze %dma_wait3A_600 : memref<1x1x128x33xf32, #tpu.memory_space<hbm>> -> memref<128x33xf32, #tpu.memory_space<hbm>>
        tpu.wait_dma2 semaphore(%run_scoped3A : memref<!tpu.dma_semaphore, #tpu.memory_space<semaphore_mem>>) src(%dma_wait3A_601 : memref<128x33xf32, #tpu.memory_space<hbm>>) dst(%arg7 : memref<128x33xf32, #tpu.memory_space<vmem>>)
        tpu.yield
      }) : () -> ()
      %iota3A = tpu.iota {dimensions = array<i32: 0>} : vector<16xi32>
      %parallel_loop3A = arith.constant 0 : i32
      %parallel_loop3A_385 = arith.constant 128 : i32
      %parallel_loop3A_386 = arith.constant 1 : i32
      scf.for %parallel_loop3A_590 = %parallel_loop3A to %parallel_loop3A_385 step %parallel_loop3A_386  : i32 {
        %parallel_loop3A_591 = vector.broadcast %parallel_loop3A_590 : i32 to vector<16xi32>
        %parallel_loop3A_592 = arith.constant 31 : i32
        %parallel_loop3A_593 = vector.broadcast %parallel_loop3A_592 : i32 to vector<16xi32>
        %parallel_loop3A_594 = tpu.vector_load_idx %arg7[%parallel_loop3A_591, %parallel_loop3A_593] : memref<128x33xf32, #tpu.memory_space<vmem>>[vector<16xi32>, vector<16xi32>], vector<16xf32>,
        %parallel_loop3A_595 = vector.bitcast %parallel_loop3A_594 : vector<16xf32> to vector<16xi32>
        %parallel_loop3A_596 = arith.constant 0 : i32
        %parallel_loop3A_597 = vector.broadcast %parallel_loop3A_596 : i32 to vector<16xi32>
        %parallel_loop3A_598 = arith.cmpi eq, %iota3A, %parallel_loop3A_597 : vector<16xi32>
        %parallel_loop3A_599 = arith.constant 0 : i32
        %parallel_loop3A_600 = vector.broadcast %parallel_loop3A_599 : i32 to vector<16xi32>
        %parallel_loop3A_601 = arith.select %parallel_loop3A_598, %parallel_loop3A_595, %parallel_loop3A_600 : vector<16xi1>, vector<16xi32>
        %parallel_loop3A_602 = arith.constant true
        %parallel_loop3A_603 = vector.broadcast %parallel_loop3A_602 : i1 to vector<16xi1>
        %parallel_loop3A_604 = tpu.scan <sum>, %parallel_loop3A_601 masked %parallel_loop3A_603 : vector<16xi32>, vector<16xi1> -> vector<16xi32>
        %parallel_loop3A_605 = vector.extract %parallel_loop3A_604[15] : i32 from vector<16xi32>
        %parallel_loop3A_606 = arith.subi %parallel_loop3A_605, %multiple_of3A_384 : i32
        %parallel_loop3A_607 = arith.constant 0.000000e+00 : f32
        %parallel_loop3A_608 = vector.broadcast %parallel_loop3A_607 : f32 to vector<16xf32>
        %parallel_loop3A_609 = arith.constant 0.000000e+00 : f32
        %parallel_loop3A_610 = vector.broadcast %parallel_loop3A_609 : f32 to vector<16xf32>
        %parallel_loop3A_611 = arith.constant 0.000000e+00 : f32
        %parallel_loop3A_612 = vector.broadcast %parallel_loop3A_611 : f32 to vector<16xf32>
        %parallel_loop3A_613 = arith.constant 0.000000e+00 : f32
        %parallel_loop3A_614 = vector.broadcast %parallel_loop3A_613 : f32 to vector<16xf32>
        %parallel_loop3A_615 = arith.constant 0 : i32
        %parallel_loop3A_616 = vector.broadcast %parallel_loop3A_615 : i32 to vector<16xi32>
        %parallel_loop3A_617 = tpu.vector_load_idx %arg7[%parallel_loop3A_591, %parallel_loop3A_616] : memref<128x33xf32, #tpu.memory_space<vmem>>[vector<16xi32>, vector<16xi32>], vector<16xf32>,
        %parallel_loop3A_618 = arith.constant 0 : i32
        %parallel_loop3A_619 = arith.addi %parallel_loop3A_606, %parallel_loop3A_618 : i32
        %parallel_loop3A_620 = arith.constant 0 : i32
        %parallel_loop3A_621 = arith.constant 271 : i32
        %parallel_loop3A_622 = arith.maxsi %parallel_loop3A_620, %parallel_loop3A_619 : i32
        %parallel_loop3A_623 = arith.minsi %parallel_loop3A_621, %parallel_loop3A_622 : i32
        %parallel_loop3A_624 = arith.index_cast %parallel_loop3A_623 : i32 to index
        %parallel_loop3A_625 = arith.constant 0 : index
        %parallel_loop3A_626 = tpu.vector_load %arg5[%parallel_loop3A_624, %parallel_loop3A_625] {strides = array<i32>} : memref<272x65xf32, #tpu.memory_space<vmem>>, vector<16xf32>,
        %parallel_loop3A_627 = arith.mulf %parallel_loop3A_617, %parallel_loop3A_626 : vector<16xf32>
        %parallel_loop3A_628 = arith.addf %parallel_loop3A_608, %parallel_loop3A_627 : vector<16xf32>
        %parallel_loop3A_629 = arith.index_cast %parallel_loop3A_623 : i32 to index
        %parallel_loop3A_630 = arith.constant 16 : index
        %parallel_loop3A_631 = tpu.vector_load %arg5[%parallel_loop3A_629, %parallel_loop3A_630] {strides = array<i32>} : memref<272x65xf32, #tpu.memory_space<vmem>>, vector<16xf32>,
        %parallel_loop3A_632 = arith.mulf %parallel_loop3A_617, %parallel_loop3A_631 : vector<16xf32>
        %parallel_loop3A_633 = arith.addf %parallel_loop3A_610, %parallel_loop3A_632 : vector<16xf32>
        %parallel_loop3A_634 = arith.index_cast %parallel_loop3A_623 : i32 to index
        %parallel_loop3A_635 = arith.constant 32 : index
        %parallel_loop3A_636 = tpu.vector_load %arg5[%parallel_loop3A_634, %parallel_loop3A_635] {strides = array<i32>} : memref<272x65xf32, #tpu.memory_space<vmem>>, vector<16xf32>,
        %parallel_loop3A_637 = arith.mulf %parallel_loop3A_617, %parallel_loop3A_636 : vector<16xf32>
        %parallel_loop3A_638 = arith.addf %parallel_loop3A_612, %parallel_loop3A_637 : vector<16xf32>
        %parallel_loop3A_639 = arith.index_cast %parallel_loop3A_623 : i32 to index
        %parallel_loop3A_640 = arith.constant 48 : index
        %parallel_loop3A_641 = tpu.vector_load %arg5[%parallel_loop3A_639, %parallel_loop3A_640] {strides = array<i32>} : memref<272x65xf32, #tpu.memory_space<vmem>>, vector<16xf32>,
        %parallel_loop3A_642 = arith.mulf %parallel_loop3A_617, %parallel_loop3A_641 : vector<16xf32>
        %parallel_loop3A_643 = arith.addf %parallel_loop3A_614, %parallel_loop3A_642 : vector<16xf32>
        %parallel_loop3A_644 = arith.constant 1 : i32
        %parallel_loop3A_645 = vector.broadcast %parallel_loop3A_644 : i32 to vector<16xi32>
        %parallel_loop3A_646 = tpu.vector_load_idx %arg7[%parallel_loop3A_591, %parallel_loop3A_645] : memref<128x33xf32, #tpu.memory_space<vmem>>[vector<16xi32>, vector<16xi32>], vector<16xf32>,
        %parallel_loop3A_647 = arith.constant 1 : i32
        %parallel_loop3A_648 = arith.addi %parallel_loop3A_606, %parallel_loop3A_647 : i32
        %parallel_loop3A_649 = arith.constant 0 : i32
        %parallel_loop3A_650 = arith.constant 271 : i32
        %parallel_loop3A_651 = arith.maxsi %parallel_loop3A_649, %parallel_loop3A_648 : i32
        %parallel_loop3A_652 = arith.minsi %parallel_loop3A_650, %parallel_loop3A_651 : i32
        %parallel_loop3A_653 = arith.index_cast %parallel_loop3A_652 : i32 to index
        %parallel_loop3A_654 = arith.constant 0 : index
        %parallel_loop3A_655 = tpu.vector_load %arg5[%parallel_loop3A_653, %parallel_loop3A_654] {strides = array<i32>} : memref<272x65xf32, #tpu.memory_space<vmem>>, vector<16xf32>,
        %parallel_loop3A_656 = arith.mulf %parallel_loop3A_646, %parallel_loop3A_655 : vector<16xf32>
        %parallel_loop3A_657 = arith.addf %parallel_loop3A_628, %parallel_loop3A_656 : vector<16xf32>
        %parallel_loop3A_658 = arith.index_cast %parallel_loop3A_652 : i32 to index
        %parallel_loop3A_659 = arith.constant 16 : index
        %parallel_loop3A_660 = tpu.vector_load %arg5[%parallel_loop3A_658, %parallel_loop3A_659] {strides = array<i32>} : memref<272x65xf32, #tpu.memory_space<vmem>>, vector<16xf32>,
        %parallel_loop3A_661 = arith.mulf %parallel_loop3A_646, %parallel_loop3A_660 : vector<16xf32>
        %parallel_loop3A_662 = arith.addf %parallel_loop3A_633, %parallel_loop3A_661 : vector<16xf32>
        %parallel_loop3A_663 = arith.index_cast %parallel_loop3A_652 : i32 to index
        %parallel_loop3A_664 = arith.constant 32 : index
        %parallel_loop3A_665 = tpu.vector_load %arg5[%parallel_loop3A_663, %parallel_loop3A_664] {strides = array<i32>} : memref<272x65xf32, #tpu.memory_space<vmem>>, vector<16xf32>,
        %parallel_loop3A_666 = arith.mulf %parallel_loop3A_646, %parallel_loop3A_665 : vector<16xf32>
        %parallel_loop3A_667 = arith.addf %parallel_loop3A_638, %parallel_loop3A_666 : vector<16xf32>
        %parallel_loop3A_668 = arith.index_cast %parallel_loop3A_652 : i32 to index
        %parallel_loop3A_669 = arith.constant 48 : index
        %parallel_loop3A_670 = tpu.vector_load %arg5[%parallel_loop3A_668, %parallel_loop3A_669] {strides = array<i32>} : memref<272x65xf32, #tpu.memory_space<vmem>>, vector<16xf32>,
        %parallel_loop3A_671 = arith.mulf %parallel_loop3A_646, %parallel_loop3A_670 : vector<16xf32>
        %parallel_loop3A_672 = arith.addf %parallel_loop3A_643, %parallel_loop3A_671 : vector<16xf32>
        %parallel_loop3A_673 = arith.constant 2 : i32
        %parallel_loop3A_674 = vector.broadcast %parallel_loop3A_673 : i32 to vector<16xi32>
        %parallel_loop3A_675 = tpu.vector_load_idx %arg7[%parallel_loop3A_591, %parallel_loop3A_674] : memref<128x33xf32, #tpu.memory_space<vmem>>[vector<16xi32>, vector<16xi32>], vector<16xf32>,
        %parallel_loop3A_676 = arith.constant 2 : i32
        %parallel_loop3A_677 = arith.addi %parallel_loop3A_606, %parallel_loop3A_676 : i32
        %parallel_loop3A_678 = arith.constant 0 : i32
        %parallel_loop3A_679 = arith.constant 271 : i32
        %parallel_loop3A_680 = arith.maxsi %parallel_loop3A_678, %parallel_loop3A_677 : i32
        %parallel_loop3A_681 = arith.minsi %parallel_loop3A_679, %parallel_loop3A_680 : i32
        %parallel_loop3A_682 = arith.index_cast %parallel_loop3A_681 : i32 to index
        %parallel_loop3A_683 = arith.constant 0 : index
        %parallel_loop3A_684 = tpu.vector_load %arg5[%parallel_loop3A_682, %parallel_loop3A_683] {strides = array<i32>} : memref<272x65xf32, #tpu.memory_space<vmem>>, vector<16xf32>,
        %parallel_loop3A_685 = arith.mulf %parallel_loop3A_675, %parallel_loop3A_684 : vector<16xf32>
        %parallel_loop3A_686 = arith.addf %parallel_loop3A_657, %parallel_loop3A_685 : vector<16xf32>
        %parallel_loop3A_687 = arith.index_cast %parallel_loop3A_681 : i32 to index
        %parallel_loop3A_688 = arith.constant 16 : index
        %parallel_loop3A_689 = tpu.vector_load %arg5[%parallel_loop3A_687, %parallel_loop3A_688] {strides = array<i32>} : memref<272x65xf32, #tpu.memory_space<vmem>>, vector<16xf32>,
        %parallel_loop3A_690 = arith.mulf %parallel_loop3A_675, %parallel_loop3A_689 : vector<16xf32>
        %parallel_loop3A_691 = arith.addf %parallel_loop3A_662, %parallel_loop3A_690 : vector<16xf32>
        %parallel_loop3A_692 = arith.index_cast %parallel_loop3A_681 : i32 to index
        %parallel_loop3A_693 = arith.constant 32 : index
        %parallel_loop3A_694 = tpu.vector_load %arg5[%parallel_loop3A_692, %parallel_loop3A_693] {strides = array<i32>} : memref<272x65xf32, #tpu.memory_space<vmem>>, vector<16xf32>,
        %parallel_loop3A_695 = arith.mulf %parallel_loop3A_675, %parallel_loop3A_694 : vector<16xf32>
        %parallel_loop3A_696 = arith.addf %parallel_loop3A_667, %parallel_loop3A_695 : vector<16xf32>
        %parallel_loop3A_697 = arith.index_cast %parallel_loop3A_681 : i32 to index
        %parallel_loop3A_698 = arith.constant 48 : index
        %parallel_loop3A_699 = tpu.vector_load %arg5[%parallel_loop3A_697, %parallel_loop3A_698] {strides = array<i32>} : memref<272x65xf32, #tpu.memory_space<vmem>>, vector<16xf32>,
        %parallel_loop3A_700 = arith.mulf %parallel_loop3A_675, %parallel_loop3A_699 : vector<16xf32>
        %parallel_loop3A_701 = arith.addf %parallel_loop3A_672, %parallel_loop3A_700 : vector<16xf32>
        %parallel_loop3A_702 = arith.constant 3 : i32
        %parallel_loop3A_703 = vector.broadcast %parallel_loop3A_702 : i32 to vector<16xi32>
        %parallel_loop3A_704 = tpu.vector_load_idx %arg7[%parallel_loop3A_591, %parallel_loop3A_703] : memref<128x33xf32, #tpu.memory_space<vmem>>[vector<16xi32>, vector<16xi32>], vector<16xf32>,
        %parallel_loop3A_705 = arith.constant 3 : i32
        %parallel_loop3A_706 = arith.addi %parallel_loop3A_606, %parallel_loop3A_705 : i32
        %parallel_loop3A_707 = arith.constant 0 : i32
        %parallel_loop3A_708 = arith.constant 271 : i32
        %parallel_loop3A_709 = arith.maxsi %parallel_loop3A_707, %parallel_loop3A_706 : i32
        %parallel_loop3A_710 = arith.minsi %parallel_loop3A_708, %parallel_loop3A_709 : i32
        %parallel_loop3A_711 = arith.index_cast %parallel_loop3A_710 : i32 to index
        %parallel_loop3A_712 = arith.constant 0 : index
        %parallel_loop3A_713 = tpu.vector_load %arg5[%parallel_loop3A_711, %parallel_loop3A_712] {strides = array<i32>} : memref<272x65xf32, #tpu.memory_space<vmem>>, vector<16xf32>,
        %parallel_loop3A_714 = arith.mulf %parallel_loop3A_704, %parallel_loop3A_713 : vector<16xf32>
        %parallel_loop3A_715 = arith.addf %parallel_loop3A_686, %parallel_loop3A_714 : vector<16xf32>
        %parallel_loop3A_716 = arith.index_cast %parallel_loop3A_710 : i32 to index
        %parallel_loop3A_717 = arith.constant 16 : index
        %parallel_loop3A_718 = tpu.vector_load %arg5[%parallel_loop3A_716, %parallel_loop3A_717] {strides = array<i32>} : memref<272x65xf32, #tpu.memory_space<vmem>>, vector<16xf32>,
        %parallel_loop3A_719 = arith.mulf %parallel_loop3A_704, %parallel_loop3A_718 : vector<16xf32>
        %parallel_loop3A_720 = arith.addf %parallel_loop3A_691, %parallel_loop3A_719 : vector<16xf32>
        %parallel_loop3A_721 = arith.index_cast %parallel_loop3A_710 : i32 to index
        %parallel_loop3A_722 = arith.constant 32 : index
        %parallel_loop3A_723 = tpu.vector_load %arg5[%parallel_loop3A_721, %parallel_loop3A_722] {strides = array<i32>} : memref<272x65xf32, #tpu.memory_space<vmem>>, vector<16xf32>,
        %parallel_loop3A_724 = arith.mulf %parallel_loop3A_704, %parallel_loop3A_723 : vector<16xf32>
        %parallel_loop3A_725 = arith.addf %parallel_loop3A_696, %parallel_loop3A_724 : vector<16xf32>
        %parallel_loop3A_726 = arith.index_cast %parallel_loop3A_710 : i32 to index
        %parallel_loop3A_727 = arith.constant 48 : index
        %parallel_loop3A_728 = tpu.vector_load %arg5[%parallel_loop3A_726, %parallel_loop3A_727] {strides = array<i32>} : memref<272x65xf32, #tpu.memory_space<vmem>>, vector<16xf32>,
        %parallel_loop3A_729 = arith.mulf %parallel_loop3A_704, %parallel_loop3A_728 : vector<16xf32>
        %parallel_loop3A_730 = arith.addf %parallel_loop3A_701, %parallel_loop3A_729 : vector<16xf32>
        %parallel_loop3A_731 = arith.constant 4 : i32
        %parallel_loop3A_732 = vector.broadcast %parallel_loop3A_731 : i32 to vector<16xi32>
        %parallel_loop3A_733 = tpu.vector_load_idx %arg7[%parallel_loop3A_591, %parallel_loop3A_732] : memref<128x33xf32, #tpu.memory_space<vmem>>[vector<16xi32>, vector<16xi32>], vector<16xf32>,
        %parallel_loop3A_734 = arith.constant 4 : i32
        %parallel_loop3A_735 = arith.addi %parallel_loop3A_606, %parallel_loop3A_734 : i32
        %parallel_loop3A_736 = arith.constant 0 : i32
        %parallel_loop3A_737 = arith.constant 271 : i32
        %parallel_loop3A_738 = arith.maxsi %parallel_loop3A_736, %parallel_loop3A_735 : i32
        %parallel_loop3A_739 = arith.minsi %parallel_loop3A_737, %parallel_loop3A_738 : i32
        %parallel_loop3A_740 = arith.index_cast %parallel_loop3A_739 : i32 to index
        %parallel_loop3A_741 = arith.constant 0 : index
        %parallel_loop3A_742 = tpu.vector_load %arg5[%parallel_loop3A_740, %parallel_loop3A_741] {strides = array<i32>} : memref<272x65xf32, #tpu.memory_space<vmem>>, vector<16xf32>,
        %parallel_loop3A_743 = arith.mulf %parallel_loop3A_733, %parallel_loop3A_742 : vector<16xf32>
        %parallel_loop3A_744 = arith.addf %parallel_loop3A_715, %parallel_loop3A_743 : vector<16xf32>
        %parallel_loop3A_745 = arith.index_cast %parallel_loop3A_739 : i32 to index
        %parallel_loop3A_746 = arith.constant 16 : index
        %parallel_loop3A_747 = tpu.vector_load %arg5[%parallel_loop3A_745, %parallel_loop3A_746] {strides = array<i32>} : memref<272x65xf32, #tpu.memory_space<vmem>>, vector<16xf32>,
        %parallel_loop3A_748 = arith.mulf %parallel_loop3A_733, %parallel_loop3A_747 : vector<16xf32>
        %parallel_loop3A_749 = arith.addf %parallel_loop3A_720, %parallel_loop3A_748 : vector<16xf32>
        %parallel_loop3A_750 = arith.index_cast %parallel_loop3A_739 : i32 to index
        %parallel_loop3A_751 = arith.constant 32 : index
        %parallel_loop3A_752 = tpu.vector_load %arg5[%parallel_loop3A_750, %parallel_loop3A_751] {strides = array<i32>} : memref<272x65xf32, #tpu.memory_space<vmem>>, vector<16xf32>,
        %parallel_loop3A_753 = arith.mulf %parallel_loop3A_733, %parallel_loop3A_752 : vector<16xf32>
        %parallel_loop3A_754 = arith.addf %parallel_loop3A_725, %parallel_loop3A_753 : vector<16xf32>
        %parallel_loop3A_755 = arith.index_cast %parallel_loop3A_739 : i32 to index
        %parallel_loop3A_756 = arith.constant 48 : index
        %parallel_loop3A_757 = tpu.vector_load %arg5[%parallel_loop3A_755, %parallel_loop3A_756] {strides = array<i32>} : memref<272x65xf32, #tpu.memory_space<vmem>>, vector<16xf32>,
        %parallel_loop3A_758 = arith.mulf %parallel_loop3A_733, %parallel_loop3A_757 : vector<16xf32>
        %parallel_loop3A_759 = arith.addf %parallel_loop3A_730, %parallel_loop3A_758 : vector<16xf32>
        %parallel_loop3A_760 = arith.constant 5 : i32
        %parallel_loop3A_761 = vector.broadcast %parallel_loop3A_760 : i32 to vector<16xi32>
        %parallel_loop3A_762 = tpu.vector_load_idx %arg7[%parallel_loop3A_591, %parallel_loop3A_761] : memref<128x33xf32, #tpu.memory_space<vmem>>[vector<16xi32>, vector<16xi32>], vector<16xf32>,
        %parallel_loop3A_763 = arith.constant 5 : i32
        %parallel_loop3A_764 = arith.addi %parallel_loop3A_606, %parallel_loop3A_763 : i32
        %parallel_loop3A_765 = arith.constant 0 : i32
        %parallel_loop3A_766 = arith.constant 271 : i32
        %parallel_loop3A_767 = arith.maxsi %parallel_loop3A_765, %parallel_loop3A_764 : i32
        %parallel_loop3A_768 = arith.minsi %parallel_loop3A_766, %parallel_loop3A_767 : i32
        %parallel_loop3A_769 = arith.index_cast %parallel_loop3A_768 : i32 to index
        %parallel_loop3A_770 = arith.constant 0 : index
        %parallel_loop3A_771 = tpu.vector_load %arg5[%parallel_loop3A_769, %parallel_loop3A_770] {strides = array<i32>} : memref<272x65xf32, #tpu.memory_space<vmem>>, vector<16xf32>,
        %parallel_loop3A_772 = arith.mulf %parallel_loop3A_762, %parallel_loop3A_771 : vector<16xf32>
        %parallel_loop3A_773 = arith.addf %parallel_loop3A_744, %parallel_loop3A_772 : vector<16xf32>
        %parallel_loop3A_774 = arith.index_cast %parallel_loop3A_768 : i32 to index
        %parallel_loop3A_775 = arith.constant 16 : index
        %parallel_loop3A_776 = tpu.vector_load %arg5[%parallel_loop3A_774, %parallel_loop3A_775] {strides = array<i32>} : memref<272x65xf32, #tpu.memory_space<vmem>>, vector<16xf32>,
        %parallel_loop3A_777 = arith.mulf %parallel_loop3A_762, %parallel_loop3A_776 : vector<16xf32>
        %parallel_loop3A_778 = arith.addf %parallel_loop3A_749, %parallel_loop3A_777 : vector<16xf32>
        %parallel_loop3A_779 = arith.index_cast %parallel_loop3A_768 : i32 to index
        %parallel_loop3A_780 = arith.constant 32 : index
        %parallel_loop3A_781 = tpu.vector_load %arg5[%parallel_loop3A_779, %parallel_loop3A_780] {strides = array<i32>} : memref<272x65xf32, #tpu.memory_space<vmem>>, vector<16xf32>,
        %parallel_loop3A_782 = arith.mulf %parallel_loop3A_762, %parallel_loop3A_781 : vector<16xf32>
        %parallel_loop3A_783 = arith.addf %parallel_loop3A_754, %parallel_loop3A_782 : vector<16xf32>
        %parallel_loop3A_784 = arith.index_cast %parallel_loop3A_768 : i32 to index
        %parallel_loop3A_785 = arith.constant 48 : index
        %parallel_loop3A_786 = tpu.vector_load %arg5[%parallel_loop3A_784, %parallel_loop3A_785] {strides = array<i32>} : memref<272x65xf32, #tpu.memory_space<vmem>>, vector<16xf32>,
        %parallel_loop3A_787 = arith.mulf %parallel_loop3A_762, %parallel_loop3A_786 : vector<16xf32>
        %parallel_loop3A_788 = arith.addf %parallel_loop3A_759, %parallel_loop3A_787 : vector<16xf32>
        %parallel_loop3A_789 = arith.constant 6 : i32
        %parallel_loop3A_790 = vector.broadcast %parallel_loop3A_789 : i32 to vector<16xi32>
        %parallel_loop3A_791 = tpu.vector_load_idx %arg7[%parallel_loop3A_591, %parallel_loop3A_790] : memref<128x33xf32, #tpu.memory_space<vmem>>[vector<16xi32>, vector<16xi32>], vector<16xf32>,
        %parallel_loop3A_792 = arith.constant 6 : i32
        %parallel_loop3A_793 = arith.addi %parallel_loop3A_606, %parallel_loop3A_792 : i32
        %parallel_loop3A_794 = arith.constant 0 : i32
        %parallel_loop3A_795 = arith.constant 271 : i32
        %parallel_loop3A_796 = arith.maxsi %parallel_loop3A_794, %parallel_loop3A_793 : i32
        %parallel_loop3A_797 = arith.minsi %parallel_loop3A_795, %parallel_loop3A_796 : i32
        %parallel_loop3A_798 = arith.index_cast %parallel_loop3A_797 : i32 to index
        %parallel_loop3A_799 = arith.constant 0 : index
        %parallel_loop3A_800 = tpu.vector_load %arg5[%parallel_loop3A_798, %parallel_loop3A_799] {strides = array<i32>} : memref<272x65xf32, #tpu.memory_space<vmem>>, vector<16xf32>,
        %parallel_loop3A_801 = arith.mulf %parallel_loop3A_791, %parallel_loop3A_800 : vector<16xf32>
        %parallel_loop3A_802 = arith.addf %parallel_loop3A_773, %parallel_loop3A_801 : vector<16xf32>
        %parallel_loop3A_803 = arith.index_cast %parallel_loop3A_797 : i32 to index
        %parallel_loop3A_804 = arith.constant 16 : index
        %parallel_loop3A_805 = tpu.vector_load %arg5[%parallel_loop3A_803, %parallel_loop3A_804] {strides = array<i32>} : memref<272x65xf32, #tpu.memory_space<vmem>>, vector<16xf32>,
        %parallel_loop3A_806 = arith.mulf %parallel_loop3A_791, %parallel_loop3A_805 : vector<16xf32>
        %parallel_loop3A_807 = arith.addf %parallel_loop3A_778, %parallel_loop3A_806 : vector<16xf32>
        %parallel_loop3A_808 = arith.index_cast %parallel_loop3A_797 : i32 to index
        %parallel_loop3A_809 = arith.constant 32 : index
        %parallel_loop3A_810 = tpu.vector_load %arg5[%parallel_loop3A_808, %parallel_loop3A_809] {strides = array<i32>} : memref<272x65xf32, #tpu.memory_space<vmem>>, vector<16xf32>,
        %parallel_loop3A_811 = arith.mulf %parallel_loop3A_791, %parallel_loop3A_810 : vector<16xf32>
        %parallel_loop3A_812 = arith.addf %parallel_loop3A_783, %parallel_loop3A_811 : vector<16xf32>
        %parallel_loop3A_813 = arith.index_cast %parallel_loop3A_797 : i32 to index
        %parallel_loop3A_814 = arith.constant 48 : index
        %parallel_loop3A_815 = tpu.vector_load %arg5[%parallel_loop3A_813, %parallel_loop3A_814] {strides = array<i32>} : memref<272x65xf32, #tpu.memory_space<vmem>>, vector<16xf32>,
        %parallel_loop3A_816 = arith.mulf %parallel_loop3A_791, %parallel_loop3A_815 : vector<16xf32>
        %parallel_loop3A_817 = arith.addf %parallel_loop3A_788, %parallel_loop3A_816 : vector<16xf32>
        %parallel_loop3A_818 = arith.constant 7 : i32
        %parallel_loop3A_819 = vector.broadcast %parallel_loop3A_818 : i32 to vector<16xi32>
        %parallel_loop3A_820 = tpu.vector_load_idx %arg7[%parallel_loop3A_591, %parallel_loop3A_819] : memref<128x33xf32, #tpu.memory_space<vmem>>[vector<16xi32>, vector<16xi32>], vector<16xf32>,
        %parallel_loop3A_821 = arith.constant 7 : i32
        %parallel_loop3A_822 = arith.addi %parallel_loop3A_606, %parallel_loop3A_821 : i32
        %parallel_loop3A_823 = arith.constant 0 : i32
        %parallel_loop3A_824 = arith.constant 271 : i32
        %parallel_loop3A_825 = arith.maxsi %parallel_loop3A_823, %parallel_loop3A_822 : i32
        %parallel_loop3A_826 = arith.minsi %parallel_loop3A_824, %parallel_loop3A_825 : i32
        %parallel_loop3A_827 = arith.index_cast %parallel_loop3A_826 : i32 to index
        %parallel_loop3A_828 = arith.constant 0 : index
        %parallel_loop3A_829 = tpu.vector_load %arg5[%parallel_loop3A_827, %parallel_loop3A_828] {strides = array<i32>} : memref<272x65xf32, #tpu.memory_space<vmem>>, vector<16xf32>,
        %parallel_loop3A_830 = arith.mulf %parallel_loop3A_820, %parallel_loop3A_829 : vector<16xf32>
        %parallel_loop3A_831 = arith.addf %parallel_loop3A_802, %parallel_loop3A_830 : vector<16xf32>
        %parallel_loop3A_832 = arith.index_cast %parallel_loop3A_826 : i32 to index
        %parallel_loop3A_833 = arith.constant 16 : index
        %parallel_loop3A_834 = tpu.vector_load %arg5[%parallel_loop3A_832, %parallel_loop3A_833] {strides = array<i32>} : memref<272x65xf32, #tpu.memory_space<vmem>>, vector<16xf32>,
        %parallel_loop3A_835 = arith.mulf %parallel_loop3A_820, %parallel_loop3A_834 : vector<16xf32>
        %parallel_loop3A_836 = arith.addf %parallel_loop3A_807, %parallel_loop3A_835 : vector<16xf32>
        %parallel_loop3A_837 = arith.index_cast %parallel_loop3A_826 : i32 to index
        %parallel_loop3A_838 = arith.constant 32 : index
        %parallel_loop3A_839 = tpu.vector_load %arg5[%parallel_loop3A_837, %parallel_loop3A_838] {strides = array<i32>} : memref<272x65xf32, #tpu.memory_space<vmem>>, vector<16xf32>,
        %parallel_loop3A_840 = arith.mulf %parallel_loop3A_820, %parallel_loop3A_839 : vector<16xf32>
        %parallel_loop3A_841 = arith.addf %parallel_loop3A_812, %parallel_loop3A_840 : vector<16xf32>
        %parallel_loop3A_842 = arith.index_cast %parallel_loop3A_826 : i32 to index
        %parallel_loop3A_843 = arith.constant 48 : index
        %parallel_loop3A_844 = tpu.vector_load %arg5[%parallel_loop3A_842, %parallel_loop3A_843] {strides = array<i32>} : memref<272x65xf32, #tpu.memory_space<vmem>>, vector<16xf32>,
        %parallel_loop3A_845 = arith.mulf %parallel_loop3A_820, %parallel_loop3A_844 : vector<16xf32>
        %parallel_loop3A_846 = arith.addf %parallel_loop3A_817, %parallel_loop3A_845 : vector<16xf32>
        %parallel_loop3A_847 = arith.constant 8 : i32
        %parallel_loop3A_848 = vector.broadcast %parallel_loop3A_847 : i32 to vector<16xi32>
        %parallel_loop3A_849 = tpu.vector_load_idx %arg7[%parallel_loop3A_591, %parallel_loop3A_848] : memref<128x33xf32, #tpu.memory_space<vmem>>[vector<16xi32>, vector<16xi32>], vector<16xf32>,
        %parallel_loop3A_850 = arith.constant 8 : i32
        %parallel_loop3A_851 = arith.addi %parallel_loop3A_606, %parallel_loop3A_850 : i32
        %parallel_loop3A_852 = arith.constant 0 : i32
        %parallel_loop3A_853 = arith.constant 271 : i32
        %parallel_loop3A_854 = arith.maxsi %parallel_loop3A_852, %parallel_loop3A_851 : i32
        %parallel_loop3A_855 = arith.minsi %parallel_loop3A_853, %parallel_loop3A_854 : i32
        %parallel_loop3A_856 = arith.index_cast %parallel_loop3A_855 : i32 to index
        %parallel_loop3A_857 = arith.constant 0 : index
        %parallel_loop3A_858 = tpu.vector_load %arg5[%parallel_loop3A_856, %parallel_loop3A_857] {strides = array<i32>} : memref<272x65xf32, #tpu.memory_space<vmem>>, vector<16xf32>,
        %parallel_loop3A_859 = arith.mulf %parallel_loop3A_849, %parallel_loop3A_858 : vector<16xf32>
        %parallel_loop3A_860 = arith.addf %parallel_loop3A_831, %parallel_loop3A_859 : vector<16xf32>
        %parallel_loop3A_861 = arith.index_cast %parallel_loop3A_855 : i32 to index
        %parallel_loop3A_862 = arith.constant 16 : index
        %parallel_loop3A_863 = tpu.vector_load %arg5[%parallel_loop3A_861, %parallel_loop3A_862] {strides = array<i32>} : memref<272x65xf32, #tpu.memory_space<vmem>>, vector<16xf32>,
        %parallel_loop3A_864 = arith.mulf %parallel_loop3A_849, %parallel_loop3A_863 : vector<16xf32>
        %parallel_loop3A_865 = arith.addf %parallel_loop3A_836, %parallel_loop3A_864 : vector<16xf32>
        %parallel_loop3A_866 = arith.index_cast %parallel_loop3A_855 : i32 to index
        %parallel_loop3A_867 = arith.constant 32 : index
        %parallel_loop3A_868 = tpu.vector_load %arg5[%parallel_loop3A_866, %parallel_loop3A_867] {strides = array<i32>} : memref<272x65xf32, #tpu.memory_space<vmem>>, vector<16xf32>,
        %parallel_loop3A_869 = arith.mulf %parallel_loop3A_849, %parallel_loop3A_868 : vector<16xf32>
        %parallel_loop3A_870 = arith.addf %parallel_loop3A_841, %parallel_loop3A_869 : vector<16xf32>
        %parallel_loop3A_871 = arith.index_cast %parallel_loop3A_855 : i32 to index
        %parallel_loop3A_872 = arith.constant 48 : index
        %parallel_loop3A_873 = tpu.vector_load %arg5[%parallel_loop3A_871, %parallel_loop3A_872] {strides = array<i32>} : memref<272x65xf32, #tpu.memory_space<vmem>>, vector<16xf32>,
        %parallel_loop3A_874 = arith.mulf %parallel_loop3A_849, %parallel_loop3A_873 : vector<16xf32>
        %parallel_loop3A_875 = arith.addf %parallel_loop3A_846, %parallel_loop3A_874 : vector<16xf32>
        %parallel_loop3A_876 = arith.constant 9 : i32
        %parallel_loop3A_877 = vector.broadcast %parallel_loop3A_876 : i32 to vector<16xi32>
        %parallel_loop3A_878 = tpu.vector_load_idx %arg7[%parallel_loop3A_591, %parallel_loop3A_877] : memref<128x33xf32, #tpu.memory_space<vmem>>[vector<16xi32>, vector<16xi32>], vector<16xf32>,
        %parallel_loop3A_879 = arith.constant 9 : i32
        %parallel_loop3A_880 = arith.addi %parallel_loop3A_606, %parallel_loop3A_879 : i32
        %parallel_loop3A_881 = arith.constant 0 : i32
        %parallel_loop3A_882 = arith.constant 271 : i32
        %parallel_loop3A_883 = arith.maxsi %parallel_loop3A_881, %parallel_loop3A_880 : i32
        %parallel_loop3A_884 = arith.minsi %parallel_loop3A_882, %parallel_loop3A_883 : i32
        %parallel_loop3A_885 = arith.index_cast %parallel_loop3A_884 : i32 to index
        %parallel_loop3A_886 = arith.constant 0 : index
        %parallel_loop3A_887 = tpu.vector_load %arg5[%parallel_loop3A_885, %parallel_loop3A_886] {strides = array<i32>} : memref<272x65xf32, #tpu.memory_space<vmem>>, vector<16xf32>,
        %parallel_loop3A_888 = arith.mulf %parallel_loop3A_878, %parallel_loop3A_887 : vector<16xf32>
        %parallel_loop3A_889 = arith.addf %parallel_loop3A_860, %parallel_loop3A_888 : vector<16xf32>
        %parallel_loop3A_890 = arith.index_cast %parallel_loop3A_884 : i32 to index
        %parallel_loop3A_891 = arith.constant 16 : index
        %parallel_loop3A_892 = tpu.vector_load %arg5[%parallel_loop3A_890, %parallel_loop3A_891] {strides = array<i32>} : memref<272x65xf32, #tpu.memory_space<vmem>>, vector<16xf32>,
        %parallel_loop3A_893 = arith.mulf %parallel_loop3A_878, %parallel_loop3A_892 : vector<16xf32>
        %parallel_loop3A_894 = arith.addf %parallel_loop3A_865, %parallel_loop3A_893 : vector<16xf32>
        %parallel_loop3A_895 = arith.index_cast %parallel_loop3A_884 : i32 to index
        %parallel_loop3A_896 = arith.constant 32 : index
        %parallel_loop3A_897 = tpu.vector_load %arg5[%parallel_loop3A_895, %parallel_loop3A_896] {strides = array<i32>} : memref<272x65xf32, #tpu.memory_space<vmem>>, vector<16xf32>,
        %parallel_loop3A_898 = arith.mulf %parallel_loop3A_878, %parallel_loop3A_897 : vector<16xf32>
        %parallel_loop3A_899 = arith.addf %parallel_loop3A_870, %parallel_loop3A_898 : vector<16xf32>
        %parallel_loop3A_900 = arith.index_cast %parallel_loop3A_884 : i32 to index
        %parallel_loop3A_901 = arith.constant 48 : index
        %parallel_loop3A_902 = tpu.vector_load %arg5[%parallel_loop3A_900, %parallel_loop3A_901] {strides = array<i32>} : memref<272x65xf32, #tpu.memory_space<vmem>>, vector<16xf32>,
        %parallel_loop3A_903 = arith.mulf %parallel_loop3A_878, %parallel_loop3A_902 : vector<16xf32>
        %parallel_loop3A_904 = arith.addf %parallel_loop3A_875, %parallel_loop3A_903 : vector<16xf32>
        %parallel_loop3A_905 = arith.constant 10 : i32
        %parallel_loop3A_906 = vector.broadcast %parallel_loop3A_905 : i32 to vector<16xi32>
        %parallel_loop3A_907 = tpu.vector_load_idx %arg7[%parallel_loop3A_591, %parallel_loop3A_906] : memref<128x33xf32, #tpu.memory_space<vmem>>[vector<16xi32>, vector<16xi32>], vector<16xf32>,
        %parallel_loop3A_908 = arith.constant 10 : i32
        %parallel_loop3A_909 = arith.addi %parallel_loop3A_606, %parallel_loop3A_908 : i32
        %parallel_loop3A_910 = arith.constant 0 : i32
        %parallel_loop3A_911 = arith.constant 271 : i32
        %parallel_loop3A_912 = arith.maxsi %parallel_loop3A_910, %parallel_loop3A_909 : i32
        %parallel_loop3A_913 = arith.minsi %parallel_loop3A_911, %parallel_loop3A_912 : i32
        %parallel_loop3A_914 = arith.index_cast %parallel_loop3A_913 : i32 to index
        %parallel_loop3A_915 = arith.constant 0 : index
        %parallel_loop3A_916 = tpu.vector_load %arg5[%parallel_loop3A_914, %parallel_loop3A_915] {strides = array<i32>} : memref<272x65xf32, #tpu.memory_space<vmem>>, vector<16xf32>,
        %parallel_loop3A_917 = arith.mulf %parallel_loop3A_907, %parallel_loop3A_916 : vector<16xf32>
        %parallel_loop3A_918 = arith.addf %parallel_loop3A_889, %parallel_loop3A_917 : vector<16xf32>
        %parallel_loop3A_919 = arith.index_cast %parallel_loop3A_913 : i32 to index
        %parallel_loop3A_920 = arith.constant 16 : index
        %parallel_loop3A_921 = tpu.vector_load %arg5[%parallel_loop3A_919, %parallel_loop3A_920] {strides = array<i32>} : memref<272x65xf32, #tpu.memory_space<vmem>>, vector<16xf32>,
        %parallel_loop3A_922 = arith.mulf %parallel_loop3A_907, %parallel_loop3A_921 : vector<16xf32>
        %parallel_loop3A_923 = arith.addf %parallel_loop3A_894, %parallel_loop3A_922 : vector<16xf32>
        %parallel_loop3A_924 = arith.index_cast %parallel_loop3A_913 : i32 to index
        %parallel_loop3A_925 = arith.constant 32 : index
        %parallel_loop3A_926 = tpu.vector_load %arg5[%parallel_loop3A_924, %parallel_loop3A_925] {strides = array<i32>} : memref<272x65xf32, #tpu.memory_space<vmem>>, vector<16xf32>,
        %parallel_loop3A_927 = arith.mulf %parallel_loop3A_907, %parallel_loop3A_926 : vector<16xf32>
        %parallel_loop3A_928 = arith.addf %parallel_loop3A_899, %parallel_loop3A_927 : vector<16xf32>
        %parallel_loop3A_929 = arith.index_cast %parallel_loop3A_913 : i32 to index
        %parallel_loop3A_930 = arith.constant 48 : index
        %parallel_loop3A_931 = tpu.vector_load %arg5[%parallel_loop3A_929, %parallel_loop3A_930] {strides = array<i32>} : memref<272x65xf32, #tpu.memory_space<vmem>>, vector<16xf32>,
        %parallel_loop3A_932 = arith.mulf %parallel_loop3A_907, %parallel_loop3A_931 : vector<16xf32>
        %parallel_loop3A_933 = arith.addf %parallel_loop3A_904, %parallel_loop3A_932 : vector<16xf32>
        %parallel_loop3A_934 = arith.constant 11 : i32
        %parallel_loop3A_935 = vector.broadcast %parallel_loop3A_934 : i32 to vector<16xi32>
        %parallel_loop3A_936 = tpu.vector_load_idx %arg7[%parallel_loop3A_591, %parallel_loop3A_935] : memref<128x33xf32, #tpu.memory_space<vmem>>[vector<16xi32>, vector<16xi32>], vector<16xf32>,
        %parallel_loop3A_937 = arith.constant 11 : i32
        %parallel_loop3A_938 = arith.addi %parallel_loop3A_606, %parallel_loop3A_937 : i32
        %parallel_loop3A_939 = arith.constant 0 : i32
        %parallel_loop3A_940 = arith.constant 271 : i32
        %parallel_loop3A_941 = arith.maxsi %parallel_loop3A_939, %parallel_loop3A_938 : i32
        %parallel_loop3A_942 = arith.minsi %parallel_loop3A_940, %parallel_loop3A_941 : i32
        %parallel_loop3A_943 = arith.index_cast %parallel_loop3A_942 : i32 to index
        %parallel_loop3A_944 = arith.constant 0 : index
        %parallel_loop3A_945 = tpu.vector_load %arg5[%parallel_loop3A_943, %parallel_loop3A_944] {strides = array<i32>} : memref<272x65xf32, #tpu.memory_space<vmem>>, vector<16xf32>,
        %parallel_loop3A_946 = arith.mulf %parallel_loop3A_936, %parallel_loop3A_945 : vector<16xf32>
        %parallel_loop3A_947 = arith.addf %parallel_loop3A_918, %parallel_loop3A_946 : vector<16xf32>
        %parallel_loop3A_948 = arith.index_cast %parallel_loop3A_942 : i32 to index
        %parallel_loop3A_949 = arith.constant 16 : index
        %parallel_loop3A_950 = tpu.vector_load %arg5[%parallel_loop3A_948, %parallel_loop3A_949] {strides = array<i32>} : memref<272x65xf32, #tpu.memory_space<vmem>>, vector<16xf32>,
        %parallel_loop3A_951 = arith.mulf %parallel_loop3A_936, %parallel_loop3A_950 : vector<16xf32>
        %parallel_loop3A_952 = arith.addf %parallel_loop3A_923, %parallel_loop3A_951 : vector<16xf32>
        %parallel_loop3A_953 = arith.index_cast %parallel_loop3A_942 : i32 to index
        %parallel_loop3A_954 = arith.constant 32 : index
        %parallel_loop3A_955 = tpu.vector_load %arg5[%parallel_loop3A_953, %parallel_loop3A_954] {strides = array<i32>} : memref<272x65xf32, #tpu.memory_space<vmem>>, vector<16xf32>,
        %parallel_loop3A_956 = arith.mulf %parallel_loop3A_936, %parallel_loop3A_955 : vector<16xf32>
        %parallel_loop3A_957 = arith.addf %parallel_loop3A_928, %parallel_loop3A_956 : vector<16xf32>
        %parallel_loop3A_958 = arith.index_cast %parallel_loop3A_942 : i32 to index
        %parallel_loop3A_959 = arith.constant 48 : index
        %parallel_loop3A_960 = tpu.vector_load %arg5[%parallel_loop3A_958, %parallel_loop3A_959] {strides = array<i32>} : memref<272x65xf32, #tpu.memory_space<vmem>>, vector<16xf32>,
        %parallel_loop3A_961 = arith.mulf %parallel_loop3A_936, %parallel_loop3A_960 : vector<16xf32>
        %parallel_loop3A_962 = arith.addf %parallel_loop3A_933, %parallel_loop3A_961 : vector<16xf32>
        %parallel_loop3A_963 = arith.constant 12 : i32
        %parallel_loop3A_964 = vector.broadcast %parallel_loop3A_963 : i32 to vector<16xi32>
        %parallel_loop3A_965 = tpu.vector_load_idx %arg7[%parallel_loop3A_591, %parallel_loop3A_964] : memref<128x33xf32, #tpu.memory_space<vmem>>[vector<16xi32>, vector<16xi32>], vector<16xf32>,
        %parallel_loop3A_966 = arith.constant 12 : i32
        %parallel_loop3A_967 = arith.addi %parallel_loop3A_606, %parallel_loop3A_966 : i32
        %parallel_loop3A_968 = arith.constant 0 : i32
        %parallel_loop3A_969 = arith.constant 271 : i32
        %parallel_loop3A_970 = arith.maxsi %parallel_loop3A_968, %parallel_loop3A_967 : i32
        %parallel_loop3A_971 = arith.minsi %parallel_loop3A_969, %parallel_loop3A_970 : i32
        %parallel_loop3A_972 = arith.index_cast %parallel_loop3A_971 : i32 to index
        %parallel_loop3A_973 = arith.constant 0 : index
        %parallel_loop3A_974 = tpu.vector_load %arg5[%parallel_loop3A_972, %parallel_loop3A_973] {strides = array<i32>} : memref<272x65xf32, #tpu.memory_space<vmem>>, vector<16xf32>,
        %parallel_loop3A_975 = arith.mulf %parallel_loop3A_965, %parallel_loop3A_974 : vector<16xf32>
        %parallel_loop3A_976 = arith.addf %parallel_loop3A_947, %parallel_loop3A_975 : vector<16xf32>
        %parallel_loop3A_977 = arith.index_cast %parallel_loop3A_971 : i32 to index
        %parallel_loop3A_978 = arith.constant 16 : index
        %parallel_loop3A_979 = tpu.vector_load %arg5[%parallel_loop3A_977, %parallel_loop3A_978] {strides = array<i32>} : memref<272x65xf32, #tpu.memory_space<vmem>>, vector<16xf32>,
        %parallel_loop3A_980 = arith.mulf %parallel_loop3A_965, %parallel_loop3A_979 : vector<16xf32>
        %parallel_loop3A_981 = arith.addf %parallel_loop3A_952, %parallel_loop3A_980 : vector<16xf32>
        %parallel_loop3A_982 = arith.index_cast %parallel_loop3A_971 : i32 to index
        %parallel_loop3A_983 = arith.constant 32 : index
        %parallel_loop3A_984 = tpu.vector_load %arg5[%parallel_loop3A_982, %parallel_loop3A_983] {strides = array<i32>} : memref<272x65xf32, #tpu.memory_space<vmem>>, vector<16xf32>,
        %parallel_loop3A_985 = arith.mulf %parallel_loop3A_965, %parallel_loop3A_984 : vector<16xf32>
        %parallel_loop3A_986 = arith.addf %parallel_loop3A_957, %parallel_loop3A_985 : vector<16xf32>
        %parallel_loop3A_987 = arith.index_cast %parallel_loop3A_971 : i32 to index
        %parallel_loop3A_988 = arith.constant 48 : index
        %parallel_loop3A_989 = tpu.vector_load %arg5[%parallel_loop3A_987, %parallel_loop3A_988] {strides = array<i32>} : memref<272x65xf32, #tpu.memory_space<vmem>>, vector<16xf32>,
        %parallel_loop3A_990 = arith.mulf %parallel_loop3A_965, %parallel_loop3A_989 : vector<16xf32>
        %parallel_loop3A_991 = arith.addf %parallel_loop3A_962, %parallel_loop3A_990 : vector<16xf32>
        %parallel_loop3A_992 = arith.constant 13 : i32
        %parallel_loop3A_993 = vector.broadcast %parallel_loop3A_992 : i32 to vector<16xi32>
        %parallel_loop3A_994 = tpu.vector_load_idx %arg7[%parallel_loop3A_591, %parallel_loop3A_993] : memref<128x33xf32, #tpu.memory_space<vmem>>[vector<16xi32>, vector<16xi32>], vector<16xf32>,
        %parallel_loop3A_995 = arith.constant 13 : i32
        %parallel_loop3A_996 = arith.addi %parallel_loop3A_606, %parallel_loop3A_995 : i32
        %parallel_loop3A_997 = arith.constant 0 : i32
        %parallel_loop3A_998 = arith.constant 271 : i32
        %parallel_loop3A_999 = arith.maxsi %parallel_loop3A_997, %parallel_loop3A_996 : i32
        %parallel_loop3A_1000 = arith.minsi %parallel_loop3A_998, %parallel_loop3A_999 : i32
        %parallel_loop3A_1001 = arith.index_cast %parallel_loop3A_1000 : i32 to index
        %parallel_loop3A_1002 = arith.constant 0 : index
        %parallel_loop3A_1003 = tpu.vector_load %arg5[%parallel_loop3A_1001, %parallel_loop3A_1002] {strides = array<i32>} : memref<272x65xf32, #tpu.memory_space<vmem>>, vector<16xf32>,
        %parallel_loop3A_1004 = arith.mulf %parallel_loop3A_994, %parallel_loop3A_1003 : vector<16xf32>
        %parallel_loop3A_1005 = arith.addf %parallel_loop3A_976, %parallel_loop3A_1004 : vector<16xf32>
        %parallel_loop3A_1006 = arith.index_cast %parallel_loop3A_1000 : i32 to index
        %parallel_loop3A_1007 = arith.constant 16 : index
        %parallel_loop3A_1008 = tpu.vector_load %arg5[%parallel_loop3A_1006, %parallel_loop3A_1007] {strides = array<i32>} : memref<272x65xf32, #tpu.memory_space<vmem>>, vector<16xf32>,
        %parallel_loop3A_1009 = arith.mulf %parallel_loop3A_994, %parallel_loop3A_1008 : vector<16xf32>
        %parallel_loop3A_1010 = arith.addf %parallel_loop3A_981, %parallel_loop3A_1009 : vector<16xf32>
        %parallel_loop3A_1011 = arith.index_cast %parallel_loop3A_1000 : i32 to index
        %parallel_loop3A_1012 = arith.constant 32 : index
        %parallel_loop3A_1013 = tpu.vector_load %arg5[%parallel_loop3A_1011, %parallel_loop3A_1012] {strides = array<i32>} : memref<272x65xf32, #tpu.memory_space<vmem>>, vector<16xf32>,
        %parallel_loop3A_1014 = arith.mulf %parallel_loop3A_994, %parallel_loop3A_1013 : vector<16xf32>
        %parallel_loop3A_1015 = arith.addf %parallel_loop3A_986, %parallel_loop3A_1014 : vector<16xf32>
        %parallel_loop3A_1016 = arith.index_cast %parallel_loop3A_1000 : i32 to index
        %parallel_loop3A_1017 = arith.constant 48 : index
        %parallel_loop3A_1018 = tpu.vector_load %arg5[%parallel_loop3A_1016, %parallel_loop3A_1017] {strides = array<i32>} : memref<272x65xf32, #tpu.memory_space<vmem>>, vector<16xf32>,
        %parallel_loop3A_1019 = arith.mulf %parallel_loop3A_994, %parallel_loop3A_1018 : vector<16xf32>
        %parallel_loop3A_1020 = arith.addf %parallel_loop3A_991, %parallel_loop3A_1019 : vector<16xf32>
        %parallel_loop3A_1021 = arith.constant 14 : i32
        %parallel_loop3A_1022 = vector.broadcast %parallel_loop3A_1021 : i32 to vector<16xi32>
        %parallel_loop3A_1023 = tpu.vector_load_idx %arg7[%parallel_loop3A_591, %parallel_loop3A_1022] : memref<128x33xf32, #tpu.memory_space<vmem>>[vector<16xi32>, vector<16xi32>], vector<16xf32>,
        %parallel_loop3A_1024 = arith.constant 14 : i32
        %parallel_loop3A_1025 = arith.addi %parallel_loop3A_606, %parallel_loop3A_1024 : i32
        %parallel_loop3A_1026 = arith.constant 0 : i32
        %parallel_loop3A_1027 = arith.constant 271 : i32
        %parallel_loop3A_1028 = arith.maxsi %parallel_loop3A_1026, %parallel_loop3A_1025 : i32
        %parallel_loop3A_1029 = arith.minsi %parallel_loop3A_1027, %parallel_loop3A_1028 : i32
        %parallel_loop3A_1030 = arith.index_cast %parallel_loop3A_1029 : i32 to index
        %parallel_loop3A_1031 = arith.constant 0 : index
        %parallel_loop3A_1032 = tpu.vector_load %arg5[%parallel_loop3A_1030, %parallel_loop3A_1031] {strides = array<i32>} : memref<272x65xf32, #tpu.memory_space<vmem>>, vector<16xf32>,
        %parallel_loop3A_1033 = arith.mulf %parallel_loop3A_1023, %parallel_loop3A_1032 : vector<16xf32>
        %parallel_loop3A_1034 = arith.addf %parallel_loop3A_1005, %parallel_loop3A_1033 : vector<16xf32>
        %parallel_loop3A_1035 = arith.index_cast %parallel_loop3A_1029 : i32 to index
        %parallel_loop3A_1036 = arith.constant 16 : index
        %parallel_loop3A_1037 = tpu.vector_load %arg5[%parallel_loop3A_1035, %parallel_loop3A_1036] {strides = array<i32>} : memref<272x65xf32, #tpu.memory_space<vmem>>, vector<16xf32>,
        %parallel_loop3A_1038 = arith.mulf %parallel_loop3A_1023, %parallel_loop3A_1037 : vector<16xf32>
        %parallel_loop3A_1039 = arith.addf %parallel_loop3A_1010, %parallel_loop3A_1038 : vector<16xf32>
        %parallel_loop3A_1040 = arith.index_cast %parallel_loop3A_1029 : i32 to index
        %parallel_loop3A_1041 = arith.constant 32 : index
        %parallel_loop3A_1042 = tpu.vector_load %arg5[%parallel_loop3A_1040, %parallel_loop3A_1041] {strides = array<i32>} : memref<272x65xf32, #tpu.memory_space<vmem>>, vector<16xf32>,
        %parallel_loop3A_1043 = arith.mulf %parallel_loop3A_1023, %parallel_loop3A_1042 : vector<16xf32>
        %parallel_loop3A_1044 = arith.addf %parallel_loop3A_1015, %parallel_loop3A_1043 : vector<16xf32>
        %parallel_loop3A_1045 = arith.index_cast %parallel_loop3A_1029 : i32 to index
        %parallel_loop3A_1046 = arith.constant 48 : index
        %parallel_loop3A_1047 = tpu.vector_load %arg5[%parallel_loop3A_1045, %parallel_loop3A_1046] {strides = array<i32>} : memref<272x65xf32, #tpu.memory_space<vmem>>, vector<16xf32>,
        %parallel_loop3A_1048 = arith.mulf %parallel_loop3A_1023, %parallel_loop3A_1047 : vector<16xf32>
        %parallel_loop3A_1049 = arith.addf %parallel_loop3A_1020, %parallel_loop3A_1048 : vector<16xf32>
        %parallel_loop3A_1050 = arith.constant 15 : i32
        %parallel_loop3A_1051 = vector.broadcast %parallel_loop3A_1050 : i32 to vector<16xi32>
        %parallel_loop3A_1052 = tpu.vector_load_idx %arg7[%parallel_loop3A_591, %parallel_loop3A_1051] : memref<128x33xf32, #tpu.memory_space<vmem>>[vector<16xi32>, vector<16xi32>], vector<16xf32>,
        %parallel_loop3A_1053 = arith.constant 15 : i32
        %parallel_loop3A_1054 = arith.addi %parallel_loop3A_606, %parallel_loop3A_1053 : i32
        %parallel_loop3A_1055 = arith.constant 0 : i32
        %parallel_loop3A_1056 = arith.constant 271 : i32
        %parallel_loop3A_1057 = arith.maxsi %parallel_loop3A_1055, %parallel_loop3A_1054 : i32
        %parallel_loop3A_1058 = arith.minsi %parallel_loop3A_1056, %parallel_loop3A_1057 : i32
        %parallel_loop3A_1059 = arith.index_cast %parallel_loop3A_1058 : i32 to index
        %parallel_loop3A_1060 = arith.constant 0 : index
        %parallel_loop3A_1061 = tpu.vector_load %arg5[%parallel_loop3A_1059, %parallel_loop3A_1060] {strides = array<i32>} : memref<272x65xf32, #tpu.memory_space<vmem>>, vector<16xf32>,
        %parallel_loop3A_1062 = arith.mulf %parallel_loop3A_1052, %parallel_loop3A_1061 : vector<16xf32>
        %parallel_loop3A_1063 = arith.addf %parallel_loop3A_1034, %parallel_loop3A_1062 : vector<16xf32>
        %parallel_loop3A_1064 = arith.index_cast %parallel_loop3A_1058 : i32 to index
        %parallel_loop3A_1065 = arith.constant 16 : index
        %parallel_loop3A_1066 = tpu.vector_load %arg5[%parallel_loop3A_1064, %parallel_loop3A_1065] {strides = array<i32>} : memref<272x65xf32, #tpu.memory_space<vmem>>, vector<16xf32>,
        %parallel_loop3A_1067 = arith.mulf %parallel_loop3A_1052, %parallel_loop3A_1066 : vector<16xf32>
        %parallel_loop3A_1068 = arith.addf %parallel_loop3A_1039, %parallel_loop3A_1067 : vector<16xf32>
        %parallel_loop3A_1069 = arith.index_cast %parallel_loop3A_1058 : i32 to index
        %parallel_loop3A_1070 = arith.constant 32 : index
        %parallel_loop3A_1071 = tpu.vector_load %arg5[%parallel_loop3A_1069, %parallel_loop3A_1070] {strides = array<i32>} : memref<272x65xf32, #tpu.memory_space<vmem>>, vector<16xf32>,
        %parallel_loop3A_1072 = arith.mulf %parallel_loop3A_1052, %parallel_loop3A_1071 : vector<16xf32>
        %parallel_loop3A_1073 = arith.addf %parallel_loop3A_1044, %parallel_loop3A_1072 : vector<16xf32>
        %parallel_loop3A_1074 = arith.index_cast %parallel_loop3A_1058 : i32 to index
        %parallel_loop3A_1075 = arith.constant 48 : index
        %parallel_loop3A_1076 = tpu.vector_load %arg5[%parallel_loop3A_1074, %parallel_loop3A_1075] {strides = array<i32>} : memref<272x65xf32, #tpu.memory_space<vmem>>, vector<16xf32>,
        %parallel_loop3A_1077 = arith.mulf %parallel_loop3A_1052, %parallel_loop3A_1076 : vector<16xf32>
        %parallel_loop3A_1078 = arith.addf %parallel_loop3A_1049, %parallel_loop3A_1077 : vector<16xf32>
        %parallel_loop3A_1079 = arith.constant 16 : i32
        %parallel_loop3A_1080 = vector.broadcast %parallel_loop3A_1079 : i32 to vector<16xi32>
        %parallel_loop3A_1081 = tpu.vector_load_idx %arg7[%parallel_loop3A_591, %parallel_loop3A_1080] : memref<128x33xf32, #tpu.memory_space<vmem>>[vector<16xi32>, vector<16xi32>], vector<16xf32>,
        %parallel_loop3A_1082 = arith.constant 16 : i32
        %parallel_loop3A_1083 = arith.addi %parallel_loop3A_606, %parallel_loop3A_1082 : i32
        %parallel_loop3A_1084 = arith.constant 0 : i32
        %parallel_loop3A_1085 = arith.constant 271 : i32
        %parallel_loop3A_1086 = arith.maxsi %parallel_loop3A_1084, %parallel_loop3A_1083 : i32
        %parallel_loop3A_1087 = arith.minsi %parallel_loop3A_1085, %parallel_loop3A_1086 : i32
        %parallel_loop3A_1088 = arith.index_cast %parallel_loop3A_1087 : i32 to index
        %parallel_loop3A_1089 = arith.constant 0 : index
        %parallel_loop3A_1090 = tpu.vector_load %arg5[%parallel_loop3A_1088, %parallel_loop3A_1089] {strides = array<i32>} : memref<272x65xf32, #tpu.memory_space<vmem>>, vector<16xf32>,
        %parallel_loop3A_1091 = arith.mulf %parallel_loop3A_1081, %parallel_loop3A_1090 : vector<16xf32>
        %parallel_loop3A_1092 = arith.addf %parallel_loop3A_1063, %parallel_loop3A_1091 : vector<16xf32>
        %parallel_loop3A_1093 = arith.index_cast %parallel_loop3A_1087 : i32 to index
        %parallel_loop3A_1094 = arith.constant 16 : index
        %parallel_loop3A_1095 = tpu.vector_load %arg5[%parallel_loop3A_1093, %parallel_loop3A_1094] {strides = array<i32>} : memref<272x65xf32, #tpu.memory_space<vmem>>, vector<16xf32>,
        %parallel_loop3A_1096 = arith.mulf %parallel_loop3A_1081, %parallel_loop3A_1095 : vector<16xf32>
        %parallel_loop3A_1097 = arith.addf %parallel_loop3A_1068, %parallel_loop3A_1096 : vector<16xf32>
        %parallel_loop3A_1098 = arith.index_cast %parallel_loop3A_1087 : i32 to index
        %parallel_loop3A_1099 = arith.constant 32 : index
        %parallel_loop3A_1100 = tpu.vector_load %arg5[%parallel_loop3A_1098, %parallel_loop3A_1099] {strides = array<i32>} : memref<272x65xf32, #tpu.memory_space<vmem>>, vector<16xf32>,
        %parallel_loop3A_1101 = arith.mulf %parallel_loop3A_1081, %parallel_loop3A_1100 : vector<16xf32>
        %parallel_loop3A_1102 = arith.addf %parallel_loop3A_1073, %parallel_loop3A_1101 : vector<16xf32>
        %parallel_loop3A_1103 = arith.index_cast %parallel_loop3A_1087 : i32 to index
        %parallel_loop3A_1104 = arith.constant 48 : index
        %parallel_loop3A_1105 = tpu.vector_load %arg5[%parallel_loop3A_1103, %parallel_loop3A_1104] {strides = array<i32>} : memref<272x65xf32, #tpu.memory_space<vmem>>, vector<16xf32>,
        %parallel_loop3A_1106 = arith.mulf %parallel_loop3A_1081, %parallel_loop3A_1105 : vector<16xf32>
        %parallel_loop3A_1107 = arith.addf %parallel_loop3A_1078, %parallel_loop3A_1106 : vector<16xf32>
        %parallel_loop3A_1108 = arith.index_cast %parallel_loop3A_590 : i32 to index
        %parallel_loop3A_1109 = arith.constant 0 : index
        %parallel_loop3A_1110 = tpu.vector_load %arg8[%parallel_loop3A_1108, %parallel_loop3A_1109] {strides = array<i32>} : memref<128x64xf32, #tpu.memory_space<vmem>>, vector<16xf32>,
        tpu.vector_store %arg8[%parallel_loop3A_1108, %parallel_loop3A_1109], %parallel_loop3A_1092 {strides = array<i32>} : memref<128x64xf32, #tpu.memory_space<vmem>>, vector<16xf32>,
        %parallel_loop3A_1111 = arith.index_cast %parallel_loop3A_590 : i32 to index
        %parallel_loop3A_1112 = arith.constant 16 : index
        %parallel_loop3A_1113 = tpu.vector_load %arg8[%parallel_loop3A_1111, %parallel_loop3A_1112] {strides = array<i32>} : memref<128x64xf32, #tpu.memory_space<vmem>>, vector<16xf32>,
        tpu.vector_store %arg8[%parallel_loop3A_1111, %parallel_loop3A_1112], %parallel_loop3A_1097 {strides = array<i32>} : memref<128x64xf32, #tpu.memory_space<vmem>>, vector<16xf32>,
        %parallel_loop3A_1114 = arith.index_cast %parallel_loop3A_590 : i32 to index
        %parallel_loop3A_1115 = arith.constant 32 : index
        %parallel_loop3A_1116 = tpu.vector_load %arg8[%parallel_loop3A_1114, %parallel_loop3A_1115] {strides = array<i32>} : memref<128x64xf32, #tpu.memory_space<vmem>>, vector<16xf32>,
        tpu.vector_store %arg8[%parallel_loop3A_1114, %parallel_loop3A_1115], %parallel_loop3A_1102 {strides = array<i32>} : memref<128x64xf32, #tpu.memory_space<vmem>>, vector<16xf32>,
        %parallel_loop3A_1117 = arith.index_cast %parallel_loop3A_590 : i32 to index
        %parallel_loop3A_1118 = arith.constant 48 : index
        %parallel_loop3A_1119 = tpu.vector_load %arg8[%parallel_loop3A_1117, %parallel_loop3A_1118] {strides = array<i32>} : memref<128x64xf32, #tpu.memory_space<vmem>>, vector<16xf32>,
        tpu.vector_store %arg8[%parallel_loop3A_1117, %parallel_loop3A_1118], %parallel_loop3A_1107 {strides = array<i32>} : memref<128x64xf32, #tpu.memory_space<vmem>>, vector<16xf32>,
      } {sc.loop_unroll_factor = 1 : i64, sc.parallel_access}
      "tpu.region"() ({
        %run_scoped3A = tpu.sem_alloc : memref<!tpu.dma_semaphore, #tpu.memory_space<semaphore_mem>>
        %dma_start3A_590 = arith.constant 0 : i32
        %dma_start3A_591 = tpu.memref_slice %arg4[%select_n3A_318, %select_n3A_358, %multiple_of3A_377, %dma_start3A_590] : memref<2x16x4096x64xf32, #tpu.memory_space<hbm>> -> memref<1x1x128x64xf32, #tpu.memory_space<hbm>>
        %dma_start3A_592 = tpu.memref_squeeze %dma_start3A_591 : memref<1x1x128x64xf32, #tpu.memory_space<hbm>> -> memref<128x64xf32, #tpu.memory_space<hbm>>
        %dma_start3A_593 = arith.constant 0 : i32
        %dma_start3A_594 = tpu.memref_slice %arg4[%select_n3A_318, %select_n3A_358, %multiple_of3A_377, %dma_start3A_593] : memref<2x16x4096x64xf32, #tpu.memory_space<hbm>> -> memref<1x1x128x64xf32, #tpu.memory_space<hbm>>
        %dma_start3A_595 = tpu.memref_squeeze %dma_start3A_594 : memref<1x1x128x64xf32, #tpu.memory_space<hbm>> -> memref<128x64xf32, #tpu.memory_space<hbm>>
        tpu.enqueue_dma source(%arg8 : memref<128x64xf32, #tpu.memory_space<vmem>>) target(%dma_start3A_595 : memref<128x64xf32, #tpu.memory_space<hbm>>) target_semaphore(%run_scoped3A : memref<!tpu.dma_semaphore, #tpu.memory_space<semaphore_mem>>)
        %dma_wait3A_596 = arith.constant 0 : i32
        %dma_wait3A_597 = tpu.memref_slice %arg4[%select_n3A_318, %select_n3A_358, %multiple_of3A_377, %dma_wait3A_596] : memref<2x16x4096x64xf32, #tpu.memory_space<hbm>> -> memref<1x1x128x64xf32, #tpu.memory_space<hbm>>
        %dma_wait3A_598 = tpu.memref_squeeze %dma_wait3A_597 : memref<1x1x128x64xf32, #tpu.memory_space<hbm>> -> memref<128x64xf32, #tpu.memory_space<hbm>>
        %dma_wait3A_599 = arith.constant 0 : i32
        %dma_wait3A_600 = tpu.memref_slice %arg4[%select_n3A_318, %select_n3A_358, %multiple_of3A_377, %dma_wait3A_599] : memref<2x16x4096x64xf32, #tpu.memory_space<hbm>> -> memref<1x1x128x64xf32, #tpu.memory_space<hbm>>
        %dma_wait3A_601 = tpu.memref_squeeze %dma_wait3A_600 : memref<1x1x128x64xf32, #tpu.memory_space<hbm>> -> memref<128x64xf32, #tpu.memory_space<hbm>>
        tpu.wait_dma2 semaphore(%run_scoped3A : memref<!tpu.dma_semaphore, #tpu.memory_space<semaphore_mem>>) src(%arg8 : memref<128x64xf32, #tpu.memory_space<vmem>>) dst(%dma_wait3A_601 : memref<128x64xf32, #tpu.memory_space<hbm>>)
        tpu.yield
      }) : () -> ()
      %add3A_387 = arith.constant 2 : i32
      %add3A_388 = arith.addi %mul3A_92, %add3A_387 : i32
      %lt3A_389 = arith.constant 32 : i32
      %lt3A_390 = arith.cmpi slt, %add3A_388, %lt3A_389 : i32
      %convert_element_type3A = arith.extui %lt3A_390 : i1 to i32
      %cond3A = arith.constant 0 : i32
      %cond3A_391 = arith.cmpi ne, %convert_element_type3A, %cond3A : i32
      scf.if %cond3A_391 {
        %add3A_590 = arith.constant 2 : i32
        %add3A_591 = arith.addi %mul3A_92, %add3A_590 : i32
        %mul3A_592 = arith.constant 32 : i32
        %mul3A_593 = arith.muli %add3A_591, %mul3A_592 : i32
        %add3A_594 = arith.addi %mul3A_593, %add3A : i32
        %jit3A_595 = arith.constant 512 : i32
        %div3A_596 = arith.divsi %add3A_594, %jit3A_595 : i32
        %sign3A_597 = arith.constant 0 : i32
        %sign3A_598 = arith.cmpi sgt, %add3A_594, %sign3A_597 : i32
        %sign3A_599 = arith.extui %sign3A_598 : i1 to i32
        %sign3A_600 = arith.constant 0 : i32
        %sign3A_601 = arith.cmpi slt, %add3A_594, %sign3A_600 : i32
        %sign3A_602 = arith.extui %sign3A_601 : i1 to i32
        %sign3A_603 = arith.subi %sign3A_599, %sign3A_602 : i32
        %sign3A_604 = arith.constant 0 : i32
        %sign3A_605 = arith.cmpi sgt, %jit3A_595, %sign3A_604 : i32
        %sign3A_606 = arith.extui %sign3A_605 : i1 to i32
        %sign3A_607 = arith.constant 0 : i32
        %sign3A_608 = arith.cmpi slt, %jit3A_595, %sign3A_607 : i32
        %sign3A_609 = arith.extui %sign3A_608 : i1 to i32
        %sign3A_610 = arith.subi %sign3A_606, %sign3A_609 : i32
        %ne3A_611 = arith.cmpi ne, %sign3A_603, %sign3A_610 : i32
        %rem3A_612 = arith.remsi %add3A_594, %jit3A_595 : i32
        %ne3A_613 = arith.constant 0 : i32
        %ne3A_614 = arith.cmpi ne, %rem3A_612, %ne3A_613 : i32
        %and3A_615 = arith.andi %ne3A_611, %ne3A_614 : i1
        %sub3A_616 = arith.constant 1 : i32
        %sub3A_617 = arith.subi %div3A_596, %sub3A_616 : i32
        %select_n3A_618 = arith.select %and3A_615, %sub3A_617, %div3A_596 : i32
        %jit3A_619 = arith.constant 512 : i32
        %eq3A_620 = arith.constant 0 : i32
        %eq3A_621 = arith.cmpi eq, %jit3A_619, %eq3A_620 : i32
        %jit3A_622 = arith.constant 1 : i32
        %select_n3A_623 = arith.select %eq3A_621, %jit3A_622, %jit3A_619 : i32
        %rem3A_624 = arith.remsi %add3A_594, %select_n3A_623 : i32
        %ne3A_625 = arith.constant 0 : i32
        %ne3A_626 = arith.cmpi ne, %rem3A_624, %ne3A_625 : i32
        %lt3A_627 = arith.constant 0 : i32
        %lt3A_628 = arith.cmpi slt, %rem3A_624, %lt3A_627 : i32
        %lt3A_629 = arith.constant 0 : i32
        %lt3A_630 = arith.cmpi slt, %select_n3A_623, %lt3A_629 : i32
        %ne3A_631 = arith.xori %lt3A_628, %lt3A_630 : i1
        %and3A_632 = arith.andi %ne3A_631, %ne3A_626 : i1
        %add3A_633 = arith.addi %rem3A_624, %select_n3A_623 : i32
        %select_n3A_634 = arith.select %and3A_632, %add3A_633, %rem3A_624 : i32
        %jit3A_635 = arith.constant 32 : i32
        %div3A_636 = arith.divsi %select_n3A_634, %jit3A_635 : i32
        %sign3A_637 = arith.constant 0 : i32
        %sign3A_638 = arith.cmpi sgt, %select_n3A_634, %sign3A_637 : i32
        %sign3A_639 = arith.extui %sign3A_638 : i1 to i32
        %sign3A_640 = arith.constant 0 : i32
        %sign3A_641 = arith.cmpi slt, %select_n3A_634, %sign3A_640 : i32
        %sign3A_642 = arith.extui %sign3A_641 : i1 to i32
        %sign3A_643 = arith.subi %sign3A_639, %sign3A_642 : i32
        %sign3A_644 = arith.constant 0 : i32
        %sign3A_645 = arith.cmpi sgt, %jit3A_635, %sign3A_644 : i32
        %sign3A_646 = arith.extui %sign3A_645 : i1 to i32
        %sign3A_647 = arith.constant 0 : i32
        %sign3A_648 = arith.cmpi slt, %jit3A_635, %sign3A_647 : i32
        %sign3A_649 = arith.extui %sign3A_648 : i1 to i32
        %sign3A_650 = arith.subi %sign3A_646, %sign3A_649 : i32
        %ne3A_651 = arith.cmpi ne, %sign3A_643, %sign3A_650 : i32
        %rem3A_652 = arith.remsi %select_n3A_634, %jit3A_635 : i32
        %ne3A_653 = arith.constant 0 : i32
        %ne3A_654 = arith.cmpi ne, %rem3A_652, %ne3A_653 : i32
        %and3A_655 = arith.andi %ne3A_651, %ne3A_654 : i1
        %sub3A_656 = arith.constant 1 : i32
        %sub3A_657 = arith.subi %div3A_636, %sub3A_656 : i32
        %select_n3A_658 = arith.select %and3A_655, %sub3A_657, %div3A_636 : i32
        %jit3A_659 = arith.constant 32 : i32
        %eq3A_660 = arith.constant 0 : i32
        %eq3A_661 = arith.cmpi eq, %jit3A_659, %eq3A_660 : i32
        %jit3A_662 = arith.constant 1 : i32
        %select_n3A_663 = arith.select %eq3A_661, %jit3A_662, %jit3A_659 : i32
        %rem3A_664 = arith.remsi %select_n3A_634, %select_n3A_663 : i32
        %ne3A_665 = arith.constant 0 : i32
        %ne3A_666 = arith.cmpi ne, %rem3A_664, %ne3A_665 : i32
        %lt3A_667 = arith.constant 0 : i32
        %lt3A_668 = arith.cmpi slt, %rem3A_664, %lt3A_667 : i32
        %lt3A_669 = arith.constant 0 : i32
        %lt3A_670 = arith.cmpi slt, %select_n3A_663, %lt3A_669 : i32
        %ne3A_671 = arith.xori %lt3A_668, %lt3A_670 : i1
        %and3A_672 = arith.andi %ne3A_671, %ne3A_666 : i1
        %add3A_673 = arith.addi %rem3A_664, %select_n3A_663 : i32
        %select_n3A_674 = arith.select %and3A_672, %add3A_673, %rem3A_664 : i32
        %mul3A_675 = arith.constant 128 : i32
        %mul3A_676 = arith.muli %select_n3A_674, %mul3A_675 : i32
        %multiple_of3A_677 = tpu.assume_multiple %mul3A_676, 128 : i32
        %sub3A_678 = arith.constant 72 : i32
        %sub3A_679 = arith.subi %multiple_of3A_677, %sub3A_678 : i32
        %jit3A_680 = arith.constant 0 : i32
        %jit3A_681 = arith.constant 3824 : i32
        %max3A_682 = arith.maxsi %jit3A_680, %sub3A_679 : i32
        %min3A_683 = arith.minsi %jit3A_681, %max3A_682 : i32
        %multiple_of3A_684 = tpu.assume_multiple %min3A_683, 8 : i32
        %dma_start3A_685 = arith.constant 0 : i32
        %dma_start3A_686 = tpu.memref_slice %arg2[%select_n3A_618, %select_n3A_658, %multiple_of3A_684, %dma_start3A_685] : memref<2x16x4096x65xf32, #tpu.memory_space<hbm>> -> memref<1x1x272x65xf32, #tpu.memory_space<hbm>>
        %dma_start3A_687 = tpu.memref_squeeze %dma_start3A_686 : memref<1x1x272x65xf32, #tpu.memory_space<hbm>> -> memref<272x65xf32, #tpu.memory_space<hbm>>
        %dma_start3A_688 = arith.constant 0 : i32
        %dma_start3A_689 = tpu.memref_slice %arg2[%select_n3A_618, %select_n3A_658, %multiple_of3A_684, %dma_start3A_688] : memref<2x16x4096x65xf32, #tpu.memory_space<hbm>> -> memref<1x1x272x65xf32, #tpu.memory_space<hbm>>
        %dma_start3A_690 = tpu.memref_squeeze %dma_start3A_689 : memref<1x1x272x65xf32, #tpu.memory_space<hbm>> -> memref<272x65xf32, #tpu.memory_space<hbm>>
        tpu.enqueue_dma source(%dma_start3A_690 : memref<272x65xf32, #tpu.memory_space<hbm>>) target(%arg5 : memref<272x65xf32, #tpu.memory_space<vmem>>) target_semaphore(%arg9 : memref<!tpu.dma_semaphore, #tpu.memory_space<semaphore_mem>>)
      } else {
      }
      %add3A_392 = arith.constant 1 : i32
      %add3A_393 = arith.addi %mul3A_92, %add3A_392 : i32
      %mul3A_394 = arith.constant 32 : i32
      %mul3A_395 = arith.muli %add3A_393, %mul3A_394 : i32
      %add3A_396 = arith.addi %mul3A_395, %add3A : i32
      %jit3A_397 = arith.constant 512 : i32
      %div3A_398 = arith.divsi %add3A_396, %jit3A_397 : i32
      %sign3A_399 = arith.constant 0 : i32
      %sign3A_400 = arith.cmpi sgt, %add3A_396, %sign3A_399 : i32
      %sign3A_401 = arith.extui %sign3A_400 : i1 to i32
      %sign3A_402 = arith.constant 0 : i32
      %sign3A_403 = arith.cmpi slt, %add3A_396, %sign3A_402 : i32
      %sign3A_404 = arith.extui %sign3A_403 : i1 to i32
      %sign3A_405 = arith.subi %sign3A_401, %sign3A_404 : i32
      %sign3A_406 = arith.constant 0 : i32
      %sign3A_407 = arith.cmpi sgt, %jit3A_397, %sign3A_406 : i32
      %sign3A_408 = arith.extui %sign3A_407 : i1 to i32
      %sign3A_409 = arith.constant 0 : i32
      %sign3A_410 = arith.cmpi slt, %jit3A_397, %sign3A_409 : i32
      %sign3A_411 = arith.extui %sign3A_410 : i1 to i32
      %sign3A_412 = arith.subi %sign3A_408, %sign3A_411 : i32
      %ne3A_413 = arith.cmpi ne, %sign3A_405, %sign3A_412 : i32
      %rem3A_414 = arith.remsi %add3A_396, %jit3A_397 : i32
      %ne3A_415 = arith.constant 0 : i32
      %ne3A_416 = arith.cmpi ne, %rem3A_414, %ne3A_415 : i32
      %and3A_417 = arith.andi %ne3A_413, %ne3A_416 : i1
      %sub3A_418 = arith.constant 1 : i32
      %sub3A_419 = arith.subi %div3A_398, %sub3A_418 : i32
      %select_n3A_420 = arith.select %and3A_417, %sub3A_419, %div3A_398 : i32
      %jit3A_421 = arith.constant 512 : i32
      %eq3A_422 = arith.constant 0 : i32
      %eq3A_423 = arith.cmpi eq, %jit3A_421, %eq3A_422 : i32
      %jit3A_424 = arith.constant 1 : i32
      %select_n3A_425 = arith.select %eq3A_423, %jit3A_424, %jit3A_421 : i32
      %rem3A_426 = arith.remsi %add3A_396, %select_n3A_425 : i32
      %ne3A_427 = arith.constant 0 : i32
      %ne3A_428 = arith.cmpi ne, %rem3A_426, %ne3A_427 : i32
      %lt3A_429 = arith.constant 0 : i32
      %lt3A_430 = arith.cmpi slt, %rem3A_426, %lt3A_429 : i32
      %lt3A_431 = arith.constant 0 : i32
      %lt3A_432 = arith.cmpi slt, %select_n3A_425, %lt3A_431 : i32
      %ne3A_433 = arith.xori %lt3A_430, %lt3A_432 : i1
      %and3A_434 = arith.andi %ne3A_433, %ne3A_428 : i1
      %add3A_435 = arith.addi %rem3A_426, %select_n3A_425 : i32
      %select_n3A_436 = arith.select %and3A_434, %add3A_435, %rem3A_426 : i32
      %jit3A_437 = arith.constant 32 : i32
      %div3A_438 = arith.divsi %select_n3A_436, %jit3A_437 : i32
      %sign3A_439 = arith.constant 0 : i32
      %sign3A_440 = arith.cmpi sgt, %select_n3A_436, %sign3A_439 : i32
      %sign3A_441 = arith.extui %sign3A_440 : i1 to i32
      %sign3A_442 = arith.constant 0 : i32
      %sign3A_443 = arith.cmpi slt, %select_n3A_436, %sign3A_442 : i32
      %sign3A_444 = arith.extui %sign3A_443 : i1 to i32
      %sign3A_445 = arith.subi %sign3A_441, %sign3A_444 : i32
      %sign3A_446 = arith.constant 0 : i32
      %sign3A_447 = arith.cmpi sgt, %jit3A_437, %sign3A_446 : i32
      %sign3A_448 = arith.extui %sign3A_447 : i1 to i32
      %sign3A_449 = arith.constant 0 : i32
      %sign3A_450 = arith.cmpi slt, %jit3A_437, %sign3A_449 : i32
      %sign3A_451 = arith.extui %sign3A_450 : i1 to i32
      %sign3A_452 = arith.subi %sign3A_448, %sign3A_451 : i32
      %ne3A_453 = arith.cmpi ne, %sign3A_445, %sign3A_452 : i32
      %rem3A_454 = arith.remsi %select_n3A_436, %jit3A_437 : i32
      %ne3A_455 = arith.constant 0 : i32
      %ne3A_456 = arith.cmpi ne, %rem3A_454, %ne3A_455 : i32
      %and3A_457 = arith.andi %ne3A_453, %ne3A_456 : i1
      %sub3A_458 = arith.constant 1 : i32
      %sub3A_459 = arith.subi %div3A_438, %sub3A_458 : i32
      %select_n3A_460 = arith.select %and3A_457, %sub3A_459, %div3A_438 : i32
      %jit3A_461 = arith.constant 32 : i32
      %eq3A_462 = arith.constant 0 : i32
      %eq3A_463 = arith.cmpi eq, %jit3A_461, %eq3A_462 : i32
      %jit3A_464 = arith.constant 1 : i32
      %select_n3A_465 = arith.select %eq3A_463, %jit3A_464, %jit3A_461 : i32
      %rem3A_466 = arith.remsi %select_n3A_436, %select_n3A_465 : i32
      %ne3A_467 = arith.constant 0 : i32
      %ne3A_468 = arith.cmpi ne, %rem3A_466, %ne3A_467 : i32
      %lt3A_469 = arith.constant 0 : i32
      %lt3A_470 = arith.cmpi slt, %rem3A_466, %lt3A_469 : i32
      %lt3A_471 = arith.constant 0 : i32
      %lt3A_472 = arith.cmpi slt, %select_n3A_465, %lt3A_471 : i32
      %ne3A_473 = arith.xori %lt3A_470, %lt3A_472 : i1
      %and3A_474 = arith.andi %ne3A_473, %ne3A_468 : i1
      %add3A_475 = arith.addi %rem3A_466, %select_n3A_465 : i32
      %select_n3A_476 = arith.select %and3A_474, %add3A_475, %rem3A_466 : i32
      %mul3A_477 = arith.constant 128 : i32
      %mul3A_478 = arith.muli %select_n3A_476, %mul3A_477 : i32
      %multiple_of3A_479 = tpu.assume_multiple %mul3A_478, 128 : i32
      %sub3A_480 = arith.constant 72 : i32
      %sub3A_481 = arith.subi %multiple_of3A_479, %sub3A_480 : i32
      %jit3A_482 = arith.constant 0 : i32
      %jit3A_483 = arith.constant 3824 : i32
      %max3A_484 = arith.maxsi %jit3A_482, %sub3A_481 : i32
      %min3A_485 = arith.minsi %jit3A_483, %max3A_484 : i32
      %multiple_of3A_486 = tpu.assume_multiple %min3A_485, 8 : i32
      %dma_wait3A_487 = arith.constant 0 : i32
      %dma_wait3A_488 = tpu.memref_slice %arg2[%select_n3A_420, %select_n3A_460, %multiple_of3A_486, %dma_wait3A_487] : memref<2x16x4096x65xf32, #tpu.memory_space<hbm>> -> memref<1x1x272x65xf32, #tpu.memory_space<hbm>>
      %dma_wait3A_489 = tpu.memref_squeeze %dma_wait3A_488 : memref<1x1x272x65xf32, #tpu.memory_space<hbm>> -> memref<272x65xf32, #tpu.memory_space<hbm>>
      %dma_wait3A_490 = arith.constant 0 : i32
      %dma_wait3A_491 = tpu.memref_slice %arg2[%select_n3A_420, %select_n3A_460, %multiple_of3A_486, %dma_wait3A_490] : memref<2x16x4096x65xf32, #tpu.memory_space<hbm>> -> memref<1x1x272x65xf32, #tpu.memory_space<hbm>>
      %dma_wait3A_492 = tpu.memref_squeeze %dma_wait3A_491 : memref<1x1x272x65xf32, #tpu.memory_space<hbm>> -> memref<272x65xf32, #tpu.memory_space<hbm>>
      tpu.wait_dma2 semaphore(%arg10 : memref<!tpu.dma_semaphore, #tpu.memory_space<semaphore_mem>>) src(%dma_wait3A_492 : memref<272x65xf32, #tpu.memory_space<hbm>>) dst(%arg6 : memref<272x65xf32, #tpu.memory_space<vmem>>)
      %mul3A_493 = arith.constant 32 : i32
      %mul3A_494 = arith.muli %add3A_393, %mul3A_493 : i32
      %add3A_495 = arith.addi %mul3A_494, %add3A : i32
      %jit3A_496 = arith.constant 512 : i32
      %div3A_497 = arith.divsi %add3A_495, %jit3A_496 : i32
      %sign3A_498 = arith.constant 0 : i32
      %sign3A_499 = arith.cmpi sgt, %add3A_495, %sign3A_498 : i32
      %sign3A_500 = arith.extui %sign3A_499 : i1 to i32
      %sign3A_501 = arith.constant 0 : i32
      %sign3A_502 = arith.cmpi slt, %add3A_495, %sign3A_501 : i32
      %sign3A_503 = arith.extui %sign3A_502 : i1 to i32
      %sign3A_504 = arith.subi %sign3A_500, %sign3A_503 : i32
      %sign3A_505 = arith.constant 0 : i32
      %sign3A_506 = arith.cmpi sgt, %jit3A_496, %sign3A_505 : i32
      %sign3A_507 = arith.extui %sign3A_506 : i1 to i32
      %sign3A_508 = arith.constant 0 : i32
      %sign3A_509 = arith.cmpi slt, %jit3A_496, %sign3A_508 : i32
      %sign3A_510 = arith.extui %sign3A_509 : i1 to i32
      %sign3A_511 = arith.subi %sign3A_507, %sign3A_510 : i32
      %ne3A_512 = arith.cmpi ne, %sign3A_504, %sign3A_511 : i32
      %rem3A_513 = arith.remsi %add3A_495, %jit3A_496 : i32
      %ne3A_514 = arith.constant 0 : i32
      %ne3A_515 = arith.cmpi ne, %rem3A_513, %ne3A_514 : i32
      %and3A_516 = arith.andi %ne3A_512, %ne3A_515 : i1
      %sub3A_517 = arith.constant 1 : i32
      %sub3A_518 = arith.subi %div3A_497, %sub3A_517 : i32
      %select_n3A_519 = arith.select %and3A_516, %sub3A_518, %div3A_497 : i32
      %jit3A_520 = arith.constant 512 : i32
      %eq3A_521 = arith.constant 0 : i32
      %eq3A_522 = arith.cmpi eq, %jit3A_520, %eq3A_521 : i32
      %jit3A_523 = arith.constant 1 : i32
      %select_n3A_524 = arith.select %eq3A_522, %jit3A_523, %jit3A_520 : i32
      %rem3A_525 = arith.remsi %add3A_495, %select_n3A_524 : i32
      %ne3A_526 = arith.constant 0 : i32
      %ne3A_527 = arith.cmpi ne, %rem3A_525, %ne3A_526 : i32
      %lt3A_528 = arith.constant 0 : i32
      %lt3A_529 = arith.cmpi slt, %rem3A_525, %lt3A_528 : i32
      %lt3A_530 = arith.constant 0 : i32
      %lt3A_531 = arith.cmpi slt, %select_n3A_524, %lt3A_530 : i32
      %ne3A_532 = arith.xori %lt3A_529, %lt3A_531 : i1
      %and3A_533 = arith.andi %ne3A_532, %ne3A_527 : i1
      %add3A_534 = arith.addi %rem3A_525, %select_n3A_524 : i32
      %select_n3A_535 = arith.select %and3A_533, %add3A_534, %rem3A_525 : i32
      %jit3A_536 = arith.constant 32 : i32
      %div3A_537 = arith.divsi %select_n3A_535, %jit3A_536 : i32
      %sign3A_538 = arith.constant 0 : i32
      %sign3A_539 = arith.cmpi sgt, %select_n3A_535, %sign3A_538 : i32
      %sign3A_540 = arith.extui %sign3A_539 : i1 to i32
      %sign3A_541 = arith.constant 0 : i32
      %sign3A_542 = arith.cmpi slt, %select_n3A_535, %sign3A_541 : i32
      %sign3A_543 = arith.extui %sign3A_542 : i1 to i32
      %sign3A_544 = arith.subi %sign3A_540, %sign3A_543 : i32
      %sign3A_545 = arith.constant 0 : i32
      %sign3A_546 = arith.cmpi sgt, %jit3A_536, %sign3A_545 : i32
      %sign3A_547 = arith.extui %sign3A_546 : i1 to i32
      %sign3A_548 = arith.constant 0 : i32
      %sign3A_549 = arith.cmpi slt, %jit3A_536, %sign3A_548 : i32
      %sign3A_550 = arith.extui %sign3A_549 : i1 to i32
      %sign3A_551 = arith.subi %sign3A_547, %sign3A_550 : i32
      %ne3A_552 = arith.cmpi ne, %sign3A_544, %sign3A_551 : i32
      %rem3A_553 = arith.remsi %select_n3A_535, %jit3A_536 : i32
      %ne3A_554 = arith.constant 0 : i32
      %ne3A_555 = arith.cmpi ne, %rem3A_553, %ne3A_554 : i32
      %and3A_556 = arith.andi %ne3A_552, %ne3A_555 : i1
      %sub3A_557 = arith.constant 1 : i32
      %sub3A_558 = arith.subi %div3A_537, %sub3A_557 : i32
      %select_n3A_559 = arith.select %and3A_556, %sub3A_558, %div3A_537 : i32
      %jit3A_560 = arith.constant 32 : i32
      %eq3A_561 = arith.constant 0 : i32
      %eq3A_562 = arith.cmpi eq, %jit3A_560, %eq3A_561 : i32
      %jit3A_563 = arith.constant 1 : i32
      %select_n3A_564 = arith.select %eq3A_562, %jit3A_563, %jit3A_560 : i32
      %rem3A_565 = arith.remsi %select_n3A_535, %select_n3A_564 : i32
      %ne3A_566 = arith.constant 0 : i32
      %ne3A_567 = arith.cmpi ne, %rem3A_565, %ne3A_566 : i32
      %lt3A_568 = arith.constant 0 : i32
      %lt3A_569 = arith.cmpi slt, %rem3A_565, %lt3A_568 : i32
      %lt3A_570 = arith.constant 0 : i32
      %lt3A_571 = arith.cmpi slt, %select_n3A_564, %lt3A_570 : i32
      %ne3A_572 = arith.xori %lt3A_569, %lt3A_571 : i1
      %and3A_573 = arith.andi %ne3A_572, %ne3A_567 : i1
      %add3A_574 = arith.addi %rem3A_565, %select_n3A_564 : i32
      %select_n3A_575 = arith.select %and3A_573, %add3A_574, %rem3A_565 : i32
      %mul3A_576 = arith.constant 128 : i32
      %mul3A_577 = arith.muli %select_n3A_575, %mul3A_576 : i32
      %multiple_of3A_578 = tpu.assume_multiple %mul3A_577, 128 : i32
      %sub3A_579 = arith.constant 72 : i32
      %sub3A_580 = arith.subi %multiple_of3A_578, %sub3A_579 : i32
      %jit3A_581 = arith.constant 0 : i32
      %jit3A_582 = arith.constant 3824 : i32
      %max3A_583 = arith.maxsi %jit3A_581, %sub3A_580 : i32
      %min3A_584 = arith.minsi %jit3A_582, %max3A_583 : i32
      %multiple_of3A_585 = tpu.assume_multiple %min3A_584, 8 : i32
      "tpu.region"() ({
        %run_scoped3A = tpu.sem_alloc : memref<!tpu.dma_semaphore, #tpu.memory_space<semaphore_mem>>
        %dma_start3A_590 = arith.constant 0 : i32
        %dma_start3A_591 = tpu.memref_slice %arg3[%select_n3A_519, %select_n3A_559, %multiple_of3A_578, %dma_start3A_590] : memref<2x16x4096x33xf32, #tpu.memory_space<hbm>> -> memref<1x1x128x33xf32, #tpu.memory_space<hbm>>
        %dma_start3A_592 = tpu.memref_squeeze %dma_start3A_591 : memref<1x1x128x33xf32, #tpu.memory_space<hbm>> -> memref<128x33xf32, #tpu.memory_space<hbm>>
        %dma_start3A_593 = arith.constant 0 : i32
        %dma_start3A_594 = tpu.memref_slice %arg3[%select_n3A_519, %select_n3A_559, %multiple_of3A_578, %dma_start3A_593] : memref<2x16x4096x33xf32, #tpu.memory_space<hbm>> -> memref<1x1x128x33xf32, #tpu.memory_space<hbm>>
        %dma_start3A_595 = tpu.memref_squeeze %dma_start3A_594 : memref<1x1x128x33xf32, #tpu.memory_space<hbm>> -> memref<128x33xf32, #tpu.memory_space<hbm>>
        tpu.enqueue_dma source(%dma_start3A_595 : memref<128x33xf32, #tpu.memory_space<hbm>>) target(%arg7 : memref<128x33xf32, #tpu.memory_space<vmem>>) target_semaphore(%run_scoped3A : memref<!tpu.dma_semaphore, #tpu.memory_space<semaphore_mem>>)
        %dma_wait3A_596 = arith.constant 0 : i32
        %dma_wait3A_597 = tpu.memref_slice %arg3[%select_n3A_519, %select_n3A_559, %multiple_of3A_578, %dma_wait3A_596] : memref<2x16x4096x33xf32, #tpu.memory_space<hbm>> -> memref<1x1x128x33xf32, #tpu.memory_space<hbm>>
        %dma_wait3A_598 = tpu.memref_squeeze %dma_wait3A_597 : memref<1x1x128x33xf32, #tpu.memory_space<hbm>> -> memref<128x33xf32, #tpu.memory_space<hbm>>
        %dma_wait3A_599 = arith.constant 0 : i32
        %dma_wait3A_600 = tpu.memref_slice %arg3[%select_n3A_519, %select_n3A_559, %multiple_of3A_578, %dma_wait3A_599] : memref<2x16x4096x33xf32, #tpu.memory_space<hbm>> -> memref<1x1x128x33xf32, #tpu.memory_space<hbm>>
        %dma_wait3A_601 = tpu.memref_squeeze %dma_wait3A_600 : memref<1x1x128x33xf32, #tpu.memory_space<hbm>> -> memref<128x33xf32, #tpu.memory_space<hbm>>
        tpu.wait_dma2 semaphore(%run_scoped3A : memref<!tpu.dma_semaphore, #tpu.memory_space<semaphore_mem>>) src(%dma_wait3A_601 : memref<128x33xf32, #tpu.memory_space<hbm>>) dst(%arg7 : memref<128x33xf32, #tpu.memory_space<vmem>>)
        tpu.yield
      }) : () -> ()
      %iota3A_586 = tpu.iota {dimensions = array<i32: 0>} : vector<16xi32>
      %parallel_loop3A_587 = arith.constant 0 : i32
      %parallel_loop3A_588 = arith.constant 128 : i32
      %parallel_loop3A_589 = arith.constant 1 : i32
      scf.for %parallel_loop3A_590 = %parallel_loop3A_587 to %parallel_loop3A_588 step %parallel_loop3A_589  : i32 {
        %parallel_loop3A_591 = vector.broadcast %parallel_loop3A_590 : i32 to vector<16xi32>
        %parallel_loop3A_592 = arith.constant 31 : i32
        %parallel_loop3A_593 = vector.broadcast %parallel_loop3A_592 : i32 to vector<16xi32>
        %parallel_loop3A_594 = tpu.vector_load_idx %arg7[%parallel_loop3A_591, %parallel_loop3A_593] : memref<128x33xf32, #tpu.memory_space<vmem>>[vector<16xi32>, vector<16xi32>], vector<16xf32>,
        %parallel_loop3A_595 = vector.bitcast %parallel_loop3A_594 : vector<16xf32> to vector<16xi32>
        %parallel_loop3A_596 = arith.constant 0 : i32
        %parallel_loop3A_597 = vector.broadcast %parallel_loop3A_596 : i32 to vector<16xi32>
        %parallel_loop3A_598 = arith.cmpi eq, %iota3A_586, %parallel_loop3A_597 : vector<16xi32>
        %parallel_loop3A_599 = arith.constant 0 : i32
        %parallel_loop3A_600 = vector.broadcast %parallel_loop3A_599 : i32 to vector<16xi32>
        %parallel_loop3A_601 = arith.select %parallel_loop3A_598, %parallel_loop3A_595, %parallel_loop3A_600 : vector<16xi1>, vector<16xi32>
        %parallel_loop3A_602 = arith.constant true
        %parallel_loop3A_603 = vector.broadcast %parallel_loop3A_602 : i1 to vector<16xi1>
        %parallel_loop3A_604 = tpu.scan <sum>, %parallel_loop3A_601 masked %parallel_loop3A_603 : vector<16xi32>, vector<16xi1> -> vector<16xi32>
        %parallel_loop3A_605 = vector.extract %parallel_loop3A_604[15] : i32 from vector<16xi32>
        %parallel_loop3A_606 = arith.subi %parallel_loop3A_605, %multiple_of3A_585 : i32
        %parallel_loop3A_607 = arith.constant 0.000000e+00 : f32
        %parallel_loop3A_608 = vector.broadcast %parallel_loop3A_607 : f32 to vector<16xf32>
        %parallel_loop3A_609 = arith.constant 0.000000e+00 : f32
        %parallel_loop3A_610 = vector.broadcast %parallel_loop3A_609 : f32 to vector<16xf32>
        %parallel_loop3A_611 = arith.constant 0.000000e+00 : f32
        %parallel_loop3A_612 = vector.broadcast %parallel_loop3A_611 : f32 to vector<16xf32>
        %parallel_loop3A_613 = arith.constant 0.000000e+00 : f32
        %parallel_loop3A_614 = vector.broadcast %parallel_loop3A_613 : f32 to vector<16xf32>
        %parallel_loop3A_615 = arith.constant 0 : i32
        %parallel_loop3A_616 = vector.broadcast %parallel_loop3A_615 : i32 to vector<16xi32>
        %parallel_loop3A_617 = tpu.vector_load_idx %arg7[%parallel_loop3A_591, %parallel_loop3A_616] : memref<128x33xf32, #tpu.memory_space<vmem>>[vector<16xi32>, vector<16xi32>], vector<16xf32>,
        %parallel_loop3A_618 = arith.constant 0 : i32
        %parallel_loop3A_619 = arith.addi %parallel_loop3A_606, %parallel_loop3A_618 : i32
        %parallel_loop3A_620 = arith.constant 0 : i32
        %parallel_loop3A_621 = arith.constant 271 : i32
        %parallel_loop3A_622 = arith.maxsi %parallel_loop3A_620, %parallel_loop3A_619 : i32
        %parallel_loop3A_623 = arith.minsi %parallel_loop3A_621, %parallel_loop3A_622 : i32
        %parallel_loop3A_624 = arith.index_cast %parallel_loop3A_623 : i32 to index
        %parallel_loop3A_625 = arith.constant 0 : index
        %parallel_loop3A_626 = tpu.vector_load %arg6[%parallel_loop3A_624, %parallel_loop3A_625] {strides = array<i32>} : memref<272x65xf32, #tpu.memory_space<vmem>>, vector<16xf32>,
        %parallel_loop3A_627 = arith.mulf %parallel_loop3A_617, %parallel_loop3A_626 : vector<16xf32>
        %parallel_loop3A_628 = arith.addf %parallel_loop3A_608, %parallel_loop3A_627 : vector<16xf32>
        %parallel_loop3A_629 = arith.index_cast %parallel_loop3A_623 : i32 to index
        %parallel_loop3A_630 = arith.constant 16 : index
        %parallel_loop3A_631 = tpu.vector_load %arg6[%parallel_loop3A_629, %parallel_loop3A_630] {strides = array<i32>} : memref<272x65xf32, #tpu.memory_space<vmem>>, vector<16xf32>,
        %parallel_loop3A_632 = arith.mulf %parallel_loop3A_617, %parallel_loop3A_631 : vector<16xf32>
        %parallel_loop3A_633 = arith.addf %parallel_loop3A_610, %parallel_loop3A_632 : vector<16xf32>
        %parallel_loop3A_634 = arith.index_cast %parallel_loop3A_623 : i32 to index
        %parallel_loop3A_635 = arith.constant 32 : index
        %parallel_loop3A_636 = tpu.vector_load %arg6[%parallel_loop3A_634, %parallel_loop3A_635] {strides = array<i32>} : memref<272x65xf32, #tpu.memory_space<vmem>>, vector<16xf32>,
        %parallel_loop3A_637 = arith.mulf %parallel_loop3A_617, %parallel_loop3A_636 : vector<16xf32>
        %parallel_loop3A_638 = arith.addf %parallel_loop3A_612, %parallel_loop3A_637 : vector<16xf32>
        %parallel_loop3A_639 = arith.index_cast %parallel_loop3A_623 : i32 to index
        %parallel_loop3A_640 = arith.constant 48 : index
        %parallel_loop3A_641 = tpu.vector_load %arg6[%parallel_loop3A_639, %parallel_loop3A_640] {strides = array<i32>} : memref<272x65xf32, #tpu.memory_space<vmem>>, vector<16xf32>,
        %parallel_loop3A_642 = arith.mulf %parallel_loop3A_617, %parallel_loop3A_641 : vector<16xf32>
        %parallel_loop3A_643 = arith.addf %parallel_loop3A_614, %parallel_loop3A_642 : vector<16xf32>
        %parallel_loop3A_644 = arith.constant 1 : i32
        %parallel_loop3A_645 = vector.broadcast %parallel_loop3A_644 : i32 to vector<16xi32>
        %parallel_loop3A_646 = tpu.vector_load_idx %arg7[%parallel_loop3A_591, %parallel_loop3A_645] : memref<128x33xf32, #tpu.memory_space<vmem>>[vector<16xi32>, vector<16xi32>], vector<16xf32>,
        %parallel_loop3A_647 = arith.constant 1 : i32
        %parallel_loop3A_648 = arith.addi %parallel_loop3A_606, %parallel_loop3A_647 : i32
        %parallel_loop3A_649 = arith.constant 0 : i32
        %parallel_loop3A_650 = arith.constant 271 : i32
        %parallel_loop3A_651 = arith.maxsi %parallel_loop3A_649, %parallel_loop3A_648 : i32
        %parallel_loop3A_652 = arith.minsi %parallel_loop3A_650, %parallel_loop3A_651 : i32
        %parallel_loop3A_653 = arith.index_cast %parallel_loop3A_652 : i32 to index
        %parallel_loop3A_654 = arith.constant 0 : index
        %parallel_loop3A_655 = tpu.vector_load %arg6[%parallel_loop3A_653, %parallel_loop3A_654] {strides = array<i32>} : memref<272x65xf32, #tpu.memory_space<vmem>>, vector<16xf32>,
        %parallel_loop3A_656 = arith.mulf %parallel_loop3A_646, %parallel_loop3A_655 : vector<16xf32>
        %parallel_loop3A_657 = arith.addf %parallel_loop3A_628, %parallel_loop3A_656 : vector<16xf32>
        %parallel_loop3A_658 = arith.index_cast %parallel_loop3A_652 : i32 to index
        %parallel_loop3A_659 = arith.constant 16 : index
        %parallel_loop3A_660 = tpu.vector_load %arg6[%parallel_loop3A_658, %parallel_loop3A_659] {strides = array<i32>} : memref<272x65xf32, #tpu.memory_space<vmem>>, vector<16xf32>,
        %parallel_loop3A_661 = arith.mulf %parallel_loop3A_646, %parallel_loop3A_660 : vector<16xf32>
        %parallel_loop3A_662 = arith.addf %parallel_loop3A_633, %parallel_loop3A_661 : vector<16xf32>
        %parallel_loop3A_663 = arith.index_cast %parallel_loop3A_652 : i32 to index
        %parallel_loop3A_664 = arith.constant 32 : index
        %parallel_loop3A_665 = tpu.vector_load %arg6[%parallel_loop3A_663, %parallel_loop3A_664] {strides = array<i32>} : memref<272x65xf32, #tpu.memory_space<vmem>>, vector<16xf32>,
        %parallel_loop3A_666 = arith.mulf %parallel_loop3A_646, %parallel_loop3A_665 : vector<16xf32>
        %parallel_loop3A_667 = arith.addf %parallel_loop3A_638, %parallel_loop3A_666 : vector<16xf32>
        %parallel_loop3A_668 = arith.index_cast %parallel_loop3A_652 : i32 to index
        %parallel_loop3A_669 = arith.constant 48 : index
        %parallel_loop3A_670 = tpu.vector_load %arg6[%parallel_loop3A_668, %parallel_loop3A_669] {strides = array<i32>} : memref<272x65xf32, #tpu.memory_space<vmem>>, vector<16xf32>,
        %parallel_loop3A_671 = arith.mulf %parallel_loop3A_646, %parallel_loop3A_670 : vector<16xf32>
        %parallel_loop3A_672 = arith.addf %parallel_loop3A_643, %parallel_loop3A_671 : vector<16xf32>
        %parallel_loop3A_673 = arith.constant 2 : i32
        %parallel_loop3A_674 = vector.broadcast %parallel_loop3A_673 : i32 to vector<16xi32>
        %parallel_loop3A_675 = tpu.vector_load_idx %arg7[%parallel_loop3A_591, %parallel_loop3A_674] : memref<128x33xf32, #tpu.memory_space<vmem>>[vector<16xi32>, vector<16xi32>], vector<16xf32>,
        %parallel_loop3A_676 = arith.constant 2 : i32
        %parallel_loop3A_677 = arith.addi %parallel_loop3A_606, %parallel_loop3A_676 : i32
        %parallel_loop3A_678 = arith.constant 0 : i32
        %parallel_loop3A_679 = arith.constant 271 : i32
        %parallel_loop3A_680 = arith.maxsi %parallel_loop3A_678, %parallel_loop3A_677 : i32
        %parallel_loop3A_681 = arith.minsi %parallel_loop3A_679, %parallel_loop3A_680 : i32
        %parallel_loop3A_682 = arith.index_cast %parallel_loop3A_681 : i32 to index
        %parallel_loop3A_683 = arith.constant 0 : index
        %parallel_loop3A_684 = tpu.vector_load %arg6[%parallel_loop3A_682, %parallel_loop3A_683] {strides = array<i32>} : memref<272x65xf32, #tpu.memory_space<vmem>>, vector<16xf32>,
        %parallel_loop3A_685 = arith.mulf %parallel_loop3A_675, %parallel_loop3A_684 : vector<16xf32>
        %parallel_loop3A_686 = arith.addf %parallel_loop3A_657, %parallel_loop3A_685 : vector<16xf32>
        %parallel_loop3A_687 = arith.index_cast %parallel_loop3A_681 : i32 to index
        %parallel_loop3A_688 = arith.constant 16 : index
        %parallel_loop3A_689 = tpu.vector_load %arg6[%parallel_loop3A_687, %parallel_loop3A_688] {strides = array<i32>} : memref<272x65xf32, #tpu.memory_space<vmem>>, vector<16xf32>,
        %parallel_loop3A_690 = arith.mulf %parallel_loop3A_675, %parallel_loop3A_689 : vector<16xf32>
        %parallel_loop3A_691 = arith.addf %parallel_loop3A_662, %parallel_loop3A_690 : vector<16xf32>
        %parallel_loop3A_692 = arith.index_cast %parallel_loop3A_681 : i32 to index
        %parallel_loop3A_693 = arith.constant 32 : index
        %parallel_loop3A_694 = tpu.vector_load %arg6[%parallel_loop3A_692, %parallel_loop3A_693] {strides = array<i32>} : memref<272x65xf32, #tpu.memory_space<vmem>>, vector<16xf32>,
        %parallel_loop3A_695 = arith.mulf %parallel_loop3A_675, %parallel_loop3A_694 : vector<16xf32>
        %parallel_loop3A_696 = arith.addf %parallel_loop3A_667, %parallel_loop3A_695 : vector<16xf32>
        %parallel_loop3A_697 = arith.index_cast %parallel_loop3A_681 : i32 to index
        %parallel_loop3A_698 = arith.constant 48 : index
        %parallel_loop3A_699 = tpu.vector_load %arg6[%parallel_loop3A_697, %parallel_loop3A_698] {strides = array<i32>} : memref<272x65xf32, #tpu.memory_space<vmem>>, vector<16xf32>,
        %parallel_loop3A_700 = arith.mulf %parallel_loop3A_675, %parallel_loop3A_699 : vector<16xf32>
        %parallel_loop3A_701 = arith.addf %parallel_loop3A_672, %parallel_loop3A_700 : vector<16xf32>
        %parallel_loop3A_702 = arith.constant 3 : i32
        %parallel_loop3A_703 = vector.broadcast %parallel_loop3A_702 : i32 to vector<16xi32>
        %parallel_loop3A_704 = tpu.vector_load_idx %arg7[%parallel_loop3A_591, %parallel_loop3A_703] : memref<128x33xf32, #tpu.memory_space<vmem>>[vector<16xi32>, vector<16xi32>], vector<16xf32>,
        %parallel_loop3A_705 = arith.constant 3 : i32
        %parallel_loop3A_706 = arith.addi %parallel_loop3A_606, %parallel_loop3A_705 : i32
        %parallel_loop3A_707 = arith.constant 0 : i32
        %parallel_loop3A_708 = arith.constant 271 : i32
        %parallel_loop3A_709 = arith.maxsi %parallel_loop3A_707, %parallel_loop3A_706 : i32
        %parallel_loop3A_710 = arith.minsi %parallel_loop3A_708, %parallel_loop3A_709 : i32
        %parallel_loop3A_711 = arith.index_cast %parallel_loop3A_710 : i32 to index
        %parallel_loop3A_712 = arith.constant 0 : index
        %parallel_loop3A_713 = tpu.vector_load %arg6[%parallel_loop3A_711, %parallel_loop3A_712] {strides = array<i32>} : memref<272x65xf32, #tpu.memory_space<vmem>>, vector<16xf32>,
        %parallel_loop3A_714 = arith.mulf %parallel_loop3A_704, %parallel_loop3A_713 : vector<16xf32>
        %parallel_loop3A_715 = arith.addf %parallel_loop3A_686, %parallel_loop3A_714 : vector<16xf32>
        %parallel_loop3A_716 = arith.index_cast %parallel_loop3A_710 : i32 to index
        %parallel_loop3A_717 = arith.constant 16 : index
        %parallel_loop3A_718 = tpu.vector_load %arg6[%parallel_loop3A_716, %parallel_loop3A_717] {strides = array<i32>} : memref<272x65xf32, #tpu.memory_space<vmem>>, vector<16xf32>,
        %parallel_loop3A_719 = arith.mulf %parallel_loop3A_704, %parallel_loop3A_718 : vector<16xf32>
        %parallel_loop3A_720 = arith.addf %parallel_loop3A_691, %parallel_loop3A_719 : vector<16xf32>
        %parallel_loop3A_721 = arith.index_cast %parallel_loop3A_710 : i32 to index
        %parallel_loop3A_722 = arith.constant 32 : index
        %parallel_loop3A_723 = tpu.vector_load %arg6[%parallel_loop3A_721, %parallel_loop3A_722] {strides = array<i32>} : memref<272x65xf32, #tpu.memory_space<vmem>>, vector<16xf32>,
        %parallel_loop3A_724 = arith.mulf %parallel_loop3A_704, %parallel_loop3A_723 : vector<16xf32>
        %parallel_loop3A_725 = arith.addf %parallel_loop3A_696, %parallel_loop3A_724 : vector<16xf32>
        %parallel_loop3A_726 = arith.index_cast %parallel_loop3A_710 : i32 to index
        %parallel_loop3A_727 = arith.constant 48 : index
        %parallel_loop3A_728 = tpu.vector_load %arg6[%parallel_loop3A_726, %parallel_loop3A_727] {strides = array<i32>} : memref<272x65xf32, #tpu.memory_space<vmem>>, vector<16xf32>,
        %parallel_loop3A_729 = arith.mulf %parallel_loop3A_704, %parallel_loop3A_728 : vector<16xf32>
        %parallel_loop3A_730 = arith.addf %parallel_loop3A_701, %parallel_loop3A_729 : vector<16xf32>
        %parallel_loop3A_731 = arith.constant 4 : i32
        %parallel_loop3A_732 = vector.broadcast %parallel_loop3A_731 : i32 to vector<16xi32>
        %parallel_loop3A_733 = tpu.vector_load_idx %arg7[%parallel_loop3A_591, %parallel_loop3A_732] : memref<128x33xf32, #tpu.memory_space<vmem>>[vector<16xi32>, vector<16xi32>], vector<16xf32>,
        %parallel_loop3A_734 = arith.constant 4 : i32
        %parallel_loop3A_735 = arith.addi %parallel_loop3A_606, %parallel_loop3A_734 : i32
        %parallel_loop3A_736 = arith.constant 0 : i32
        %parallel_loop3A_737 = arith.constant 271 : i32
        %parallel_loop3A_738 = arith.maxsi %parallel_loop3A_736, %parallel_loop3A_735 : i32
        %parallel_loop3A_739 = arith.minsi %parallel_loop3A_737, %parallel_loop3A_738 : i32
        %parallel_loop3A_740 = arith.index_cast %parallel_loop3A_739 : i32 to index
        %parallel_loop3A_741 = arith.constant 0 : index
        %parallel_loop3A_742 = tpu.vector_load %arg6[%parallel_loop3A_740, %parallel_loop3A_741] {strides = array<i32>} : memref<272x65xf32, #tpu.memory_space<vmem>>, vector<16xf32>,
        %parallel_loop3A_743 = arith.mulf %parallel_loop3A_733, %parallel_loop3A_742 : vector<16xf32>
        %parallel_loop3A_744 = arith.addf %parallel_loop3A_715, %parallel_loop3A_743 : vector<16xf32>
        %parallel_loop3A_745 = arith.index_cast %parallel_loop3A_739 : i32 to index
        %parallel_loop3A_746 = arith.constant 16 : index
        %parallel_loop3A_747 = tpu.vector_load %arg6[%parallel_loop3A_745, %parallel_loop3A_746] {strides = array<i32>} : memref<272x65xf32, #tpu.memory_space<vmem>>, vector<16xf32>,
        %parallel_loop3A_748 = arith.mulf %parallel_loop3A_733, %parallel_loop3A_747 : vector<16xf32>
        %parallel_loop3A_749 = arith.addf %parallel_loop3A_720, %parallel_loop3A_748 : vector<16xf32>
        %parallel_loop3A_750 = arith.index_cast %parallel_loop3A_739 : i32 to index
        %parallel_loop3A_751 = arith.constant 32 : index
        %parallel_loop3A_752 = tpu.vector_load %arg6[%parallel_loop3A_750, %parallel_loop3A_751] {strides = array<i32>} : memref<272x65xf32, #tpu.memory_space<vmem>>, vector<16xf32>,
        %parallel_loop3A_753 = arith.mulf %parallel_loop3A_733, %parallel_loop3A_752 : vector<16xf32>
        %parallel_loop3A_754 = arith.addf %parallel_loop3A_725, %parallel_loop3A_753 : vector<16xf32>
        %parallel_loop3A_755 = arith.index_cast %parallel_loop3A_739 : i32 to index
        %parallel_loop3A_756 = arith.constant 48 : index
        %parallel_loop3A_757 = tpu.vector_load %arg6[%parallel_loop3A_755, %parallel_loop3A_756] {strides = array<i32>} : memref<272x65xf32, #tpu.memory_space<vmem>>, vector<16xf32>,
        %parallel_loop3A_758 = arith.mulf %parallel_loop3A_733, %parallel_loop3A_757 : vector<16xf32>
        %parallel_loop3A_759 = arith.addf %parallel_loop3A_730, %parallel_loop3A_758 : vector<16xf32>
        %parallel_loop3A_760 = arith.constant 5 : i32
        %parallel_loop3A_761 = vector.broadcast %parallel_loop3A_760 : i32 to vector<16xi32>
        %parallel_loop3A_762 = tpu.vector_load_idx %arg7[%parallel_loop3A_591, %parallel_loop3A_761] : memref<128x33xf32, #tpu.memory_space<vmem>>[vector<16xi32>, vector<16xi32>], vector<16xf32>,
        %parallel_loop3A_763 = arith.constant 5 : i32
        %parallel_loop3A_764 = arith.addi %parallel_loop3A_606, %parallel_loop3A_763 : i32
        %parallel_loop3A_765 = arith.constant 0 : i32
        %parallel_loop3A_766 = arith.constant 271 : i32
        %parallel_loop3A_767 = arith.maxsi %parallel_loop3A_765, %parallel_loop3A_764 : i32
        %parallel_loop3A_768 = arith.minsi %parallel_loop3A_766, %parallel_loop3A_767 : i32
        %parallel_loop3A_769 = arith.index_cast %parallel_loop3A_768 : i32 to index
        %parallel_loop3A_770 = arith.constant 0 : index
        %parallel_loop3A_771 = tpu.vector_load %arg6[%parallel_loop3A_769, %parallel_loop3A_770] {strides = array<i32>} : memref<272x65xf32, #tpu.memory_space<vmem>>, vector<16xf32>,
        %parallel_loop3A_772 = arith.mulf %parallel_loop3A_762, %parallel_loop3A_771 : vector<16xf32>
        %parallel_loop3A_773 = arith.addf %parallel_loop3A_744, %parallel_loop3A_772 : vector<16xf32>
        %parallel_loop3A_774 = arith.index_cast %parallel_loop3A_768 : i32 to index
        %parallel_loop3A_775 = arith.constant 16 : index
        %parallel_loop3A_776 = tpu.vector_load %arg6[%parallel_loop3A_774, %parallel_loop3A_775] {strides = array<i32>} : memref<272x65xf32, #tpu.memory_space<vmem>>, vector<16xf32>,
        %parallel_loop3A_777 = arith.mulf %parallel_loop3A_762, %parallel_loop3A_776 : vector<16xf32>
        %parallel_loop3A_778 = arith.addf %parallel_loop3A_749, %parallel_loop3A_777 : vector<16xf32>
        %parallel_loop3A_779 = arith.index_cast %parallel_loop3A_768 : i32 to index
        %parallel_loop3A_780 = arith.constant 32 : index
        %parallel_loop3A_781 = tpu.vector_load %arg6[%parallel_loop3A_779, %parallel_loop3A_780] {strides = array<i32>} : memref<272x65xf32, #tpu.memory_space<vmem>>, vector<16xf32>,
        %parallel_loop3A_782 = arith.mulf %parallel_loop3A_762, %parallel_loop3A_781 : vector<16xf32>
        %parallel_loop3A_783 = arith.addf %parallel_loop3A_754, %parallel_loop3A_782 : vector<16xf32>
        %parallel_loop3A_784 = arith.index_cast %parallel_loop3A_768 : i32 to index
        %parallel_loop3A_785 = arith.constant 48 : index
        %parallel_loop3A_786 = tpu.vector_load %arg6[%parallel_loop3A_784, %parallel_loop3A_785] {strides = array<i32>} : memref<272x65xf32, #tpu.memory_space<vmem>>, vector<16xf32>,
        %parallel_loop3A_787 = arith.mulf %parallel_loop3A_762, %parallel_loop3A_786 : vector<16xf32>
        %parallel_loop3A_788 = arith.addf %parallel_loop3A_759, %parallel_loop3A_787 : vector<16xf32>
        %parallel_loop3A_789 = arith.constant 6 : i32
        %parallel_loop3A_790 = vector.broadcast %parallel_loop3A_789 : i32 to vector<16xi32>
        %parallel_loop3A_791 = tpu.vector_load_idx %arg7[%parallel_loop3A_591, %parallel_loop3A_790] : memref<128x33xf32, #tpu.memory_space<vmem>>[vector<16xi32>, vector<16xi32>], vector<16xf32>,
        %parallel_loop3A_792 = arith.constant 6 : i32
        %parallel_loop3A_793 = arith.addi %parallel_loop3A_606, %parallel_loop3A_792 : i32
        %parallel_loop3A_794 = arith.constant 0 : i32
        %parallel_loop3A_795 = arith.constant 271 : i32
        %parallel_loop3A_796 = arith.maxsi %parallel_loop3A_794, %parallel_loop3A_793 : i32
        %parallel_loop3A_797 = arith.minsi %parallel_loop3A_795, %parallel_loop3A_796 : i32
        %parallel_loop3A_798 = arith.index_cast %parallel_loop3A_797 : i32 to index
        %parallel_loop3A_799 = arith.constant 0 : index
        %parallel_loop3A_800 = tpu.vector_load %arg6[%parallel_loop3A_798, %parallel_loop3A_799] {strides = array<i32>} : memref<272x65xf32, #tpu.memory_space<vmem>>, vector<16xf32>,
        %parallel_loop3A_801 = arith.mulf %parallel_loop3A_791, %parallel_loop3A_800 : vector<16xf32>
        %parallel_loop3A_802 = arith.addf %parallel_loop3A_773, %parallel_loop3A_801 : vector<16xf32>
        %parallel_loop3A_803 = arith.index_cast %parallel_loop3A_797 : i32 to index
        %parallel_loop3A_804 = arith.constant 16 : index
        %parallel_loop3A_805 = tpu.vector_load %arg6[%parallel_loop3A_803, %parallel_loop3A_804] {strides = array<i32>} : memref<272x65xf32, #tpu.memory_space<vmem>>, vector<16xf32>,
        %parallel_loop3A_806 = arith.mulf %parallel_loop3A_791, %parallel_loop3A_805 : vector<16xf32>
        %parallel_loop3A_807 = arith.addf %parallel_loop3A_778, %parallel_loop3A_806 : vector<16xf32>
        %parallel_loop3A_808 = arith.index_cast %parallel_loop3A_797 : i32 to index
        %parallel_loop3A_809 = arith.constant 32 : index
        %parallel_loop3A_810 = tpu.vector_load %arg6[%parallel_loop3A_808, %parallel_loop3A_809] {strides = array<i32>} : memref<272x65xf32, #tpu.memory_space<vmem>>, vector<16xf32>,
        %parallel_loop3A_811 = arith.mulf %parallel_loop3A_791, %parallel_loop3A_810 : vector<16xf32>
        %parallel_loop3A_812 = arith.addf %parallel_loop3A_783, %parallel_loop3A_811 : vector<16xf32>
        %parallel_loop3A_813 = arith.index_cast %parallel_loop3A_797 : i32 to index
        %parallel_loop3A_814 = arith.constant 48 : index
        %parallel_loop3A_815 = tpu.vector_load %arg6[%parallel_loop3A_813, %parallel_loop3A_814] {strides = array<i32>} : memref<272x65xf32, #tpu.memory_space<vmem>>, vector<16xf32>,
        %parallel_loop3A_816 = arith.mulf %parallel_loop3A_791, %parallel_loop3A_815 : vector<16xf32>
        %parallel_loop3A_817 = arith.addf %parallel_loop3A_788, %parallel_loop3A_816 : vector<16xf32>
        %parallel_loop3A_818 = arith.constant 7 : i32
        %parallel_loop3A_819 = vector.broadcast %parallel_loop3A_818 : i32 to vector<16xi32>
        %parallel_loop3A_820 = tpu.vector_load_idx %arg7[%parallel_loop3A_591, %parallel_loop3A_819] : memref<128x33xf32, #tpu.memory_space<vmem>>[vector<16xi32>, vector<16xi32>], vector<16xf32>,
        %parallel_loop3A_821 = arith.constant 7 : i32
        %parallel_loop3A_822 = arith.addi %parallel_loop3A_606, %parallel_loop3A_821 : i32
        %parallel_loop3A_823 = arith.constant 0 : i32
        %parallel_loop3A_824 = arith.constant 271 : i32
        %parallel_loop3A_825 = arith.maxsi %parallel_loop3A_823, %parallel_loop3A_822 : i32
        %parallel_loop3A_826 = arith.minsi %parallel_loop3A_824, %parallel_loop3A_825 : i32
        %parallel_loop3A_827 = arith.index_cast %parallel_loop3A_826 : i32 to index
        %parallel_loop3A_828 = arith.constant 0 : index
        %parallel_loop3A_829 = tpu.vector_load %arg6[%parallel_loop3A_827, %parallel_loop3A_828] {strides = array<i32>} : memref<272x65xf32, #tpu.memory_space<vmem>>, vector<16xf32>,
        %parallel_loop3A_830 = arith.mulf %parallel_loop3A_820, %parallel_loop3A_829 : vector<16xf32>
        %parallel_loop3A_831 = arith.addf %parallel_loop3A_802, %parallel_loop3A_830 : vector<16xf32>
        %parallel_loop3A_832 = arith.index_cast %parallel_loop3A_826 : i32 to index
        %parallel_loop3A_833 = arith.constant 16 : index
        %parallel_loop3A_834 = tpu.vector_load %arg6[%parallel_loop3A_832, %parallel_loop3A_833] {strides = array<i32>} : memref<272x65xf32, #tpu.memory_space<vmem>>, vector<16xf32>,
        %parallel_loop3A_835 = arith.mulf %parallel_loop3A_820, %parallel_loop3A_834 : vector<16xf32>
        %parallel_loop3A_836 = arith.addf %parallel_loop3A_807, %parallel_loop3A_835 : vector<16xf32>
        %parallel_loop3A_837 = arith.index_cast %parallel_loop3A_826 : i32 to index
        %parallel_loop3A_838 = arith.constant 32 : index
        %parallel_loop3A_839 = tpu.vector_load %arg6[%parallel_loop3A_837, %parallel_loop3A_838] {strides = array<i32>} : memref<272x65xf32, #tpu.memory_space<vmem>>, vector<16xf32>,
        %parallel_loop3A_840 = arith.mulf %parallel_loop3A_820, %parallel_loop3A_839 : vector<16xf32>
        %parallel_loop3A_841 = arith.addf %parallel_loop3A_812, %parallel_loop3A_840 : vector<16xf32>
        %parallel_loop3A_842 = arith.index_cast %parallel_loop3A_826 : i32 to index
        %parallel_loop3A_843 = arith.constant 48 : index
        %parallel_loop3A_844 = tpu.vector_load %arg6[%parallel_loop3A_842, %parallel_loop3A_843] {strides = array<i32>} : memref<272x65xf32, #tpu.memory_space<vmem>>, vector<16xf32>,
        %parallel_loop3A_845 = arith.mulf %parallel_loop3A_820, %parallel_loop3A_844 : vector<16xf32>
        %parallel_loop3A_846 = arith.addf %parallel_loop3A_817, %parallel_loop3A_845 : vector<16xf32>
        %parallel_loop3A_847 = arith.constant 8 : i32
        %parallel_loop3A_848 = vector.broadcast %parallel_loop3A_847 : i32 to vector<16xi32>
        %parallel_loop3A_849 = tpu.vector_load_idx %arg7[%parallel_loop3A_591, %parallel_loop3A_848] : memref<128x33xf32, #tpu.memory_space<vmem>>[vector<16xi32>, vector<16xi32>], vector<16xf32>,
        %parallel_loop3A_850 = arith.constant 8 : i32
        %parallel_loop3A_851 = arith.addi %parallel_loop3A_606, %parallel_loop3A_850 : i32
        %parallel_loop3A_852 = arith.constant 0 : i32
        %parallel_loop3A_853 = arith.constant 271 : i32
        %parallel_loop3A_854 = arith.maxsi %parallel_loop3A_852, %parallel_loop3A_851 : i32
        %parallel_loop3A_855 = arith.minsi %parallel_loop3A_853, %parallel_loop3A_854 : i32
        %parallel_loop3A_856 = arith.index_cast %parallel_loop3A_855 : i32 to index
        %parallel_loop3A_857 = arith.constant 0 : index
        %parallel_loop3A_858 = tpu.vector_load %arg6[%parallel_loop3A_856, %parallel_loop3A_857] {strides = array<i32>} : memref<272x65xf32, #tpu.memory_space<vmem>>, vector<16xf32>,
        %parallel_loop3A_859 = arith.mulf %parallel_loop3A_849, %parallel_loop3A_858 : vector<16xf32>
        %parallel_loop3A_860 = arith.addf %parallel_loop3A_831, %parallel_loop3A_859 : vector<16xf32>
        %parallel_loop3A_861 = arith.index_cast %parallel_loop3A_855 : i32 to index
        %parallel_loop3A_862 = arith.constant 16 : index
        %parallel_loop3A_863 = tpu.vector_load %arg6[%parallel_loop3A_861, %parallel_loop3A_862] {strides = array<i32>} : memref<272x65xf32, #tpu.memory_space<vmem>>, vector<16xf32>,
        %parallel_loop3A_864 = arith.mulf %parallel_loop3A_849, %parallel_loop3A_863 : vector<16xf32>
        %parallel_loop3A_865 = arith.addf %parallel_loop3A_836, %parallel_loop3A_864 : vector<16xf32>
        %parallel_loop3A_866 = arith.index_cast %parallel_loop3A_855 : i32 to index
        %parallel_loop3A_867 = arith.constant 32 : index
        %parallel_loop3A_868 = tpu.vector_load %arg6[%parallel_loop3A_866, %parallel_loop3A_867] {strides = array<i32>} : memref<272x65xf32, #tpu.memory_space<vmem>>, vector<16xf32>,
        %parallel_loop3A_869 = arith.mulf %parallel_loop3A_849, %parallel_loop3A_868 : vector<16xf32>
        %parallel_loop3A_870 = arith.addf %parallel_loop3A_841, %parallel_loop3A_869 : vector<16xf32>
        %parallel_loop3A_871 = arith.index_cast %parallel_loop3A_855 : i32 to index
        %parallel_loop3A_872 = arith.constant 48 : index
        %parallel_loop3A_873 = tpu.vector_load %arg6[%parallel_loop3A_871, %parallel_loop3A_872] {strides = array<i32>} : memref<272x65xf32, #tpu.memory_space<vmem>>, vector<16xf32>,
        %parallel_loop3A_874 = arith.mulf %parallel_loop3A_849, %parallel_loop3A_873 : vector<16xf32>
        %parallel_loop3A_875 = arith.addf %parallel_loop3A_846, %parallel_loop3A_874 : vector<16xf32>
        %parallel_loop3A_876 = arith.constant 9 : i32
        %parallel_loop3A_877 = vector.broadcast %parallel_loop3A_876 : i32 to vector<16xi32>
        %parallel_loop3A_878 = tpu.vector_load_idx %arg7[%parallel_loop3A_591, %parallel_loop3A_877] : memref<128x33xf32, #tpu.memory_space<vmem>>[vector<16xi32>, vector<16xi32>], vector<16xf32>,
        %parallel_loop3A_879 = arith.constant 9 : i32
        %parallel_loop3A_880 = arith.addi %parallel_loop3A_606, %parallel_loop3A_879 : i32
        %parallel_loop3A_881 = arith.constant 0 : i32
        %parallel_loop3A_882 = arith.constant 271 : i32
        %parallel_loop3A_883 = arith.maxsi %parallel_loop3A_881, %parallel_loop3A_880 : i32
        %parallel_loop3A_884 = arith.minsi %parallel_loop3A_882, %parallel_loop3A_883 : i32
        %parallel_loop3A_885 = arith.index_cast %parallel_loop3A_884 : i32 to index
        %parallel_loop3A_886 = arith.constant 0 : index
        %parallel_loop3A_887 = tpu.vector_load %arg6[%parallel_loop3A_885, %parallel_loop3A_886] {strides = array<i32>} : memref<272x65xf32, #tpu.memory_space<vmem>>, vector<16xf32>,
        %parallel_loop3A_888 = arith.mulf %parallel_loop3A_878, %parallel_loop3A_887 : vector<16xf32>
        %parallel_loop3A_889 = arith.addf %parallel_loop3A_860, %parallel_loop3A_888 : vector<16xf32>
        %parallel_loop3A_890 = arith.index_cast %parallel_loop3A_884 : i32 to index
        %parallel_loop3A_891 = arith.constant 16 : index
        %parallel_loop3A_892 = tpu.vector_load %arg6[%parallel_loop3A_890, %parallel_loop3A_891] {strides = array<i32>} : memref<272x65xf32, #tpu.memory_space<vmem>>, vector<16xf32>,
        %parallel_loop3A_893 = arith.mulf %parallel_loop3A_878, %parallel_loop3A_892 : vector<16xf32>
        %parallel_loop3A_894 = arith.addf %parallel_loop3A_865, %parallel_loop3A_893 : vector<16xf32>
        %parallel_loop3A_895 = arith.index_cast %parallel_loop3A_884 : i32 to index
        %parallel_loop3A_896 = arith.constant 32 : index
        %parallel_loop3A_897 = tpu.vector_load %arg6[%parallel_loop3A_895, %parallel_loop3A_896] {strides = array<i32>} : memref<272x65xf32, #tpu.memory_space<vmem>>, vector<16xf32>,
        %parallel_loop3A_898 = arith.mulf %parallel_loop3A_878, %parallel_loop3A_897 : vector<16xf32>
        %parallel_loop3A_899 = arith.addf %parallel_loop3A_870, %parallel_loop3A_898 : vector<16xf32>
        %parallel_loop3A_900 = arith.index_cast %parallel_loop3A_884 : i32 to index
        %parallel_loop3A_901 = arith.constant 48 : index
        %parallel_loop3A_902 = tpu.vector_load %arg6[%parallel_loop3A_900, %parallel_loop3A_901] {strides = array<i32>} : memref<272x65xf32, #tpu.memory_space<vmem>>, vector<16xf32>,
        %parallel_loop3A_903 = arith.mulf %parallel_loop3A_878, %parallel_loop3A_902 : vector<16xf32>
        %parallel_loop3A_904 = arith.addf %parallel_loop3A_875, %parallel_loop3A_903 : vector<16xf32>
        %parallel_loop3A_905 = arith.constant 10 : i32
        %parallel_loop3A_906 = vector.broadcast %parallel_loop3A_905 : i32 to vector<16xi32>
        %parallel_loop3A_907 = tpu.vector_load_idx %arg7[%parallel_loop3A_591, %parallel_loop3A_906] : memref<128x33xf32, #tpu.memory_space<vmem>>[vector<16xi32>, vector<16xi32>], vector<16xf32>,
        %parallel_loop3A_908 = arith.constant 10 : i32
        %parallel_loop3A_909 = arith.addi %parallel_loop3A_606, %parallel_loop3A_908 : i32
        %parallel_loop3A_910 = arith.constant 0 : i32
        %parallel_loop3A_911 = arith.constant 271 : i32
        %parallel_loop3A_912 = arith.maxsi %parallel_loop3A_910, %parallel_loop3A_909 : i32
        %parallel_loop3A_913 = arith.minsi %parallel_loop3A_911, %parallel_loop3A_912 : i32
        %parallel_loop3A_914 = arith.index_cast %parallel_loop3A_913 : i32 to index
        %parallel_loop3A_915 = arith.constant 0 : index
        %parallel_loop3A_916 = tpu.vector_load %arg6[%parallel_loop3A_914, %parallel_loop3A_915] {strides = array<i32>} : memref<272x65xf32, #tpu.memory_space<vmem>>, vector<16xf32>,
        %parallel_loop3A_917 = arith.mulf %parallel_loop3A_907, %parallel_loop3A_916 : vector<16xf32>
        %parallel_loop3A_918 = arith.addf %parallel_loop3A_889, %parallel_loop3A_917 : vector<16xf32>
        %parallel_loop3A_919 = arith.index_cast %parallel_loop3A_913 : i32 to index
        %parallel_loop3A_920 = arith.constant 16 : index
        %parallel_loop3A_921 = tpu.vector_load %arg6[%parallel_loop3A_919, %parallel_loop3A_920] {strides = array<i32>} : memref<272x65xf32, #tpu.memory_space<vmem>>, vector<16xf32>,
        %parallel_loop3A_922 = arith.mulf %parallel_loop3A_907, %parallel_loop3A_921 : vector<16xf32>
        %parallel_loop3A_923 = arith.addf %parallel_loop3A_894, %parallel_loop3A_922 : vector<16xf32>
        %parallel_loop3A_924 = arith.index_cast %parallel_loop3A_913 : i32 to index
        %parallel_loop3A_925 = arith.constant 32 : index
        %parallel_loop3A_926 = tpu.vector_load %arg6[%parallel_loop3A_924, %parallel_loop3A_925] {strides = array<i32>} : memref<272x65xf32, #tpu.memory_space<vmem>>, vector<16xf32>,
        %parallel_loop3A_927 = arith.mulf %parallel_loop3A_907, %parallel_loop3A_926 : vector<16xf32>
        %parallel_loop3A_928 = arith.addf %parallel_loop3A_899, %parallel_loop3A_927 : vector<16xf32>
        %parallel_loop3A_929 = arith.index_cast %parallel_loop3A_913 : i32 to index
        %parallel_loop3A_930 = arith.constant 48 : index
        %parallel_loop3A_931 = tpu.vector_load %arg6[%parallel_loop3A_929, %parallel_loop3A_930] {strides = array<i32>} : memref<272x65xf32, #tpu.memory_space<vmem>>, vector<16xf32>,
        %parallel_loop3A_932 = arith.mulf %parallel_loop3A_907, %parallel_loop3A_931 : vector<16xf32>
        %parallel_loop3A_933 = arith.addf %parallel_loop3A_904, %parallel_loop3A_932 : vector<16xf32>
        %parallel_loop3A_934 = arith.constant 11 : i32
        %parallel_loop3A_935 = vector.broadcast %parallel_loop3A_934 : i32 to vector<16xi32>
        %parallel_loop3A_936 = tpu.vector_load_idx %arg7[%parallel_loop3A_591, %parallel_loop3A_935] : memref<128x33xf32, #tpu.memory_space<vmem>>[vector<16xi32>, vector<16xi32>], vector<16xf32>,
        %parallel_loop3A_937 = arith.constant 11 : i32
        %parallel_loop3A_938 = arith.addi %parallel_loop3A_606, %parallel_loop3A_937 : i32
        %parallel_loop3A_939 = arith.constant 0 : i32
        %parallel_loop3A_940 = arith.constant 271 : i32
        %parallel_loop3A_941 = arith.maxsi %parallel_loop3A_939, %parallel_loop3A_938 : i32
        %parallel_loop3A_942 = arith.minsi %parallel_loop3A_940, %parallel_loop3A_941 : i32
        %parallel_loop3A_943 = arith.index_cast %parallel_loop3A_942 : i32 to index
        %parallel_loop3A_944 = arith.constant 0 : index
        %parallel_loop3A_945 = tpu.vector_load %arg6[%parallel_loop3A_943, %parallel_loop3A_944] {strides = array<i32>} : memref<272x65xf32, #tpu.memory_space<vmem>>, vector<16xf32>,
        %parallel_loop3A_946 = arith.mulf %parallel_loop3A_936, %parallel_loop3A_945 : vector<16xf32>
        %parallel_loop3A_947 = arith.addf %parallel_loop3A_918, %parallel_loop3A_946 : vector<16xf32>
        %parallel_loop3A_948 = arith.index_cast %parallel_loop3A_942 : i32 to index
        %parallel_loop3A_949 = arith.constant 16 : index
        %parallel_loop3A_950 = tpu.vector_load %arg6[%parallel_loop3A_948, %parallel_loop3A_949] {strides = array<i32>} : memref<272x65xf32, #tpu.memory_space<vmem>>, vector<16xf32>,
        %parallel_loop3A_951 = arith.mulf %parallel_loop3A_936, %parallel_loop3A_950 : vector<16xf32>
        %parallel_loop3A_952 = arith.addf %parallel_loop3A_923, %parallel_loop3A_951 : vector<16xf32>
        %parallel_loop3A_953 = arith.index_cast %parallel_loop3A_942 : i32 to index
        %parallel_loop3A_954 = arith.constant 32 : index
        %parallel_loop3A_955 = tpu.vector_load %arg6[%parallel_loop3A_953, %parallel_loop3A_954] {strides = array<i32>} : memref<272x65xf32, #tpu.memory_space<vmem>>, vector<16xf32>,
        %parallel_loop3A_956 = arith.mulf %parallel_loop3A_936, %parallel_loop3A_955 : vector<16xf32>
        %parallel_loop3A_957 = arith.addf %parallel_loop3A_928, %parallel_loop3A_956 : vector<16xf32>
        %parallel_loop3A_958 = arith.index_cast %parallel_loop3A_942 : i32 to index
        %parallel_loop3A_959 = arith.constant 48 : index
        %parallel_loop3A_960 = tpu.vector_load %arg6[%parallel_loop3A_958, %parallel_loop3A_959] {strides = array<i32>} : memref<272x65xf32, #tpu.memory_space<vmem>>, vector<16xf32>,
        %parallel_loop3A_961 = arith.mulf %parallel_loop3A_936, %parallel_loop3A_960 : vector<16xf32>
        %parallel_loop3A_962 = arith.addf %parallel_loop3A_933, %parallel_loop3A_961 : vector<16xf32>
        %parallel_loop3A_963 = arith.constant 12 : i32
        %parallel_loop3A_964 = vector.broadcast %parallel_loop3A_963 : i32 to vector<16xi32>
        %parallel_loop3A_965 = tpu.vector_load_idx %arg7[%parallel_loop3A_591, %parallel_loop3A_964] : memref<128x33xf32, #tpu.memory_space<vmem>>[vector<16xi32>, vector<16xi32>], vector<16xf32>,
        %parallel_loop3A_966 = arith.constant 12 : i32
        %parallel_loop3A_967 = arith.addi %parallel_loop3A_606, %parallel_loop3A_966 : i32
        %parallel_loop3A_968 = arith.constant 0 : i32
        %parallel_loop3A_969 = arith.constant 271 : i32
        %parallel_loop3A_970 = arith.maxsi %parallel_loop3A_968, %parallel_loop3A_967 : i32
        %parallel_loop3A_971 = arith.minsi %parallel_loop3A_969, %parallel_loop3A_970 : i32
        %parallel_loop3A_972 = arith.index_cast %parallel_loop3A_971 : i32 to index
        %parallel_loop3A_973 = arith.constant 0 : index
        %parallel_loop3A_974 = tpu.vector_load %arg6[%parallel_loop3A_972, %parallel_loop3A_973] {strides = array<i32>} : memref<272x65xf32, #tpu.memory_space<vmem>>, vector<16xf32>,
        %parallel_loop3A_975 = arith.mulf %parallel_loop3A_965, %parallel_loop3A_974 : vector<16xf32>
        %parallel_loop3A_976 = arith.addf %parallel_loop3A_947, %parallel_loop3A_975 : vector<16xf32>
        %parallel_loop3A_977 = arith.index_cast %parallel_loop3A_971 : i32 to index
        %parallel_loop3A_978 = arith.constant 16 : index
        %parallel_loop3A_979 = tpu.vector_load %arg6[%parallel_loop3A_977, %parallel_loop3A_978] {strides = array<i32>} : memref<272x65xf32, #tpu.memory_space<vmem>>, vector<16xf32>,
        %parallel_loop3A_980 = arith.mulf %parallel_loop3A_965, %parallel_loop3A_979 : vector<16xf32>
        %parallel_loop3A_981 = arith.addf %parallel_loop3A_952, %parallel_loop3A_980 : vector<16xf32>
        %parallel_loop3A_982 = arith.index_cast %parallel_loop3A_971 : i32 to index
        %parallel_loop3A_983 = arith.constant 32 : index
        %parallel_loop3A_984 = tpu.vector_load %arg6[%parallel_loop3A_982, %parallel_loop3A_983] {strides = array<i32>} : memref<272x65xf32, #tpu.memory_space<vmem>>, vector<16xf32>,
        %parallel_loop3A_985 = arith.mulf %parallel_loop3A_965, %parallel_loop3A_984 : vector<16xf32>
        %parallel_loop3A_986 = arith.addf %parallel_loop3A_957, %parallel_loop3A_985 : vector<16xf32>
        %parallel_loop3A_987 = arith.index_cast %parallel_loop3A_971 : i32 to index
        %parallel_loop3A_988 = arith.constant 48 : index
        %parallel_loop3A_989 = tpu.vector_load %arg6[%parallel_loop3A_987, %parallel_loop3A_988] {strides = array<i32>} : memref<272x65xf32, #tpu.memory_space<vmem>>, vector<16xf32>,
        %parallel_loop3A_990 = arith.mulf %parallel_loop3A_965, %parallel_loop3A_989 : vector<16xf32>
        %parallel_loop3A_991 = arith.addf %parallel_loop3A_962, %parallel_loop3A_990 : vector<16xf32>
        %parallel_loop3A_992 = arith.constant 13 : i32
        %parallel_loop3A_993 = vector.broadcast %parallel_loop3A_992 : i32 to vector<16xi32>
        %parallel_loop3A_994 = tpu.vector_load_idx %arg7[%parallel_loop3A_591, %parallel_loop3A_993] : memref<128x33xf32, #tpu.memory_space<vmem>>[vector<16xi32>, vector<16xi32>], vector<16xf32>,
        %parallel_loop3A_995 = arith.constant 13 : i32
        %parallel_loop3A_996 = arith.addi %parallel_loop3A_606, %parallel_loop3A_995 : i32
        %parallel_loop3A_997 = arith.constant 0 : i32
        %parallel_loop3A_998 = arith.constant 271 : i32
        %parallel_loop3A_999 = arith.maxsi %parallel_loop3A_997, %parallel_loop3A_996 : i32
        %parallel_loop3A_1000 = arith.minsi %parallel_loop3A_998, %parallel_loop3A_999 : i32
        %parallel_loop3A_1001 = arith.index_cast %parallel_loop3A_1000 : i32 to index
        %parallel_loop3A_1002 = arith.constant 0 : index
        %parallel_loop3A_1003 = tpu.vector_load %arg6[%parallel_loop3A_1001, %parallel_loop3A_1002] {strides = array<i32>} : memref<272x65xf32, #tpu.memory_space<vmem>>, vector<16xf32>,
        %parallel_loop3A_1004 = arith.mulf %parallel_loop3A_994, %parallel_loop3A_1003 : vector<16xf32>
        %parallel_loop3A_1005 = arith.addf %parallel_loop3A_976, %parallel_loop3A_1004 : vector<16xf32>
        %parallel_loop3A_1006 = arith.index_cast %parallel_loop3A_1000 : i32 to index
        %parallel_loop3A_1007 = arith.constant 16 : index
        %parallel_loop3A_1008 = tpu.vector_load %arg6[%parallel_loop3A_1006, %parallel_loop3A_1007] {strides = array<i32>} : memref<272x65xf32, #tpu.memory_space<vmem>>, vector<16xf32>,
        %parallel_loop3A_1009 = arith.mulf %parallel_loop3A_994, %parallel_loop3A_1008 : vector<16xf32>
        %parallel_loop3A_1010 = arith.addf %parallel_loop3A_981, %parallel_loop3A_1009 : vector<16xf32>
        %parallel_loop3A_1011 = arith.index_cast %parallel_loop3A_1000 : i32 to index
        %parallel_loop3A_1012 = arith.constant 32 : index
        %parallel_loop3A_1013 = tpu.vector_load %arg6[%parallel_loop3A_1011, %parallel_loop3A_1012] {strides = array<i32>} : memref<272x65xf32, #tpu.memory_space<vmem>>, vector<16xf32>,
        %parallel_loop3A_1014 = arith.mulf %parallel_loop3A_994, %parallel_loop3A_1013 : vector<16xf32>
        %parallel_loop3A_1015 = arith.addf %parallel_loop3A_986, %parallel_loop3A_1014 : vector<16xf32>
        %parallel_loop3A_1016 = arith.index_cast %parallel_loop3A_1000 : i32 to index
        %parallel_loop3A_1017 = arith.constant 48 : index
        %parallel_loop3A_1018 = tpu.vector_load %arg6[%parallel_loop3A_1016, %parallel_loop3A_1017] {strides = array<i32>} : memref<272x65xf32, #tpu.memory_space<vmem>>, vector<16xf32>,
        %parallel_loop3A_1019 = arith.mulf %parallel_loop3A_994, %parallel_loop3A_1018 : vector<16xf32>
        %parallel_loop3A_1020 = arith.addf %parallel_loop3A_991, %parallel_loop3A_1019 : vector<16xf32>
        %parallel_loop3A_1021 = arith.constant 14 : i32
        %parallel_loop3A_1022 = vector.broadcast %parallel_loop3A_1021 : i32 to vector<16xi32>
        %parallel_loop3A_1023 = tpu.vector_load_idx %arg7[%parallel_loop3A_591, %parallel_loop3A_1022] : memref<128x33xf32, #tpu.memory_space<vmem>>[vector<16xi32>, vector<16xi32>], vector<16xf32>,
        %parallel_loop3A_1024 = arith.constant 14 : i32
        %parallel_loop3A_1025 = arith.addi %parallel_loop3A_606, %parallel_loop3A_1024 : i32
        %parallel_loop3A_1026 = arith.constant 0 : i32
        %parallel_loop3A_1027 = arith.constant 271 : i32
        %parallel_loop3A_1028 = arith.maxsi %parallel_loop3A_1026, %parallel_loop3A_1025 : i32
        %parallel_loop3A_1029 = arith.minsi %parallel_loop3A_1027, %parallel_loop3A_1028 : i32
        %parallel_loop3A_1030 = arith.index_cast %parallel_loop3A_1029 : i32 to index
        %parallel_loop3A_1031 = arith.constant 0 : index
        %parallel_loop3A_1032 = tpu.vector_load %arg6[%parallel_loop3A_1030, %parallel_loop3A_1031] {strides = array<i32>} : memref<272x65xf32, #tpu.memory_space<vmem>>, vector<16xf32>,
        %parallel_loop3A_1033 = arith.mulf %parallel_loop3A_1023, %parallel_loop3A_1032 : vector<16xf32>
        %parallel_loop3A_1034 = arith.addf %parallel_loop3A_1005, %parallel_loop3A_1033 : vector<16xf32>
        %parallel_loop3A_1035 = arith.index_cast %parallel_loop3A_1029 : i32 to index
        %parallel_loop3A_1036 = arith.constant 16 : index
        %parallel_loop3A_1037 = tpu.vector_load %arg6[%parallel_loop3A_1035, %parallel_loop3A_1036] {strides = array<i32>} : memref<272x65xf32, #tpu.memory_space<vmem>>, vector<16xf32>,
        %parallel_loop3A_1038 = arith.mulf %parallel_loop3A_1023, %parallel_loop3A_1037 : vector<16xf32>
        %parallel_loop3A_1039 = arith.addf %parallel_loop3A_1010, %parallel_loop3A_1038 : vector<16xf32>
        %parallel_loop3A_1040 = arith.index_cast %parallel_loop3A_1029 : i32 to index
        %parallel_loop3A_1041 = arith.constant 32 : index
        %parallel_loop3A_1042 = tpu.vector_load %arg6[%parallel_loop3A_1040, %parallel_loop3A_1041] {strides = array<i32>} : memref<272x65xf32, #tpu.memory_space<vmem>>, vector<16xf32>,
        %parallel_loop3A_1043 = arith.mulf %parallel_loop3A_1023, %parallel_loop3A_1042 : vector<16xf32>
        %parallel_loop3A_1044 = arith.addf %parallel_loop3A_1015, %parallel_loop3A_1043 : vector<16xf32>
        %parallel_loop3A_1045 = arith.index_cast %parallel_loop3A_1029 : i32 to index
        %parallel_loop3A_1046 = arith.constant 48 : index
        %parallel_loop3A_1047 = tpu.vector_load %arg6[%parallel_loop3A_1045, %parallel_loop3A_1046] {strides = array<i32>} : memref<272x65xf32, #tpu.memory_space<vmem>>, vector<16xf32>,
        %parallel_loop3A_1048 = arith.mulf %parallel_loop3A_1023, %parallel_loop3A_1047 : vector<16xf32>
        %parallel_loop3A_1049 = arith.addf %parallel_loop3A_1020, %parallel_loop3A_1048 : vector<16xf32>
        %parallel_loop3A_1050 = arith.constant 15 : i32
        %parallel_loop3A_1051 = vector.broadcast %parallel_loop3A_1050 : i32 to vector<16xi32>
        %parallel_loop3A_1052 = tpu.vector_load_idx %arg7[%parallel_loop3A_591, %parallel_loop3A_1051] : memref<128x33xf32, #tpu.memory_space<vmem>>[vector<16xi32>, vector<16xi32>], vector<16xf32>,
        %parallel_loop3A_1053 = arith.constant 15 : i32
        %parallel_loop3A_1054 = arith.addi %parallel_loop3A_606, %parallel_loop3A_1053 : i32
        %parallel_loop3A_1055 = arith.constant 0 : i32
        %parallel_loop3A_1056 = arith.constant 271 : i32
        %parallel_loop3A_1057 = arith.maxsi %parallel_loop3A_1055, %parallel_loop3A_1054 : i32
        %parallel_loop3A_1058 = arith.minsi %parallel_loop3A_1056, %parallel_loop3A_1057 : i32
        %parallel_loop3A_1059 = arith.index_cast %parallel_loop3A_1058 : i32 to index
        %parallel_loop3A_1060 = arith.constant 0 : index
        %parallel_loop3A_1061 = tpu.vector_load %arg6[%parallel_loop3A_1059, %parallel_loop3A_1060] {strides = array<i32>} : memref<272x65xf32, #tpu.memory_space<vmem>>, vector<16xf32>,
        %parallel_loop3A_1062 = arith.mulf %parallel_loop3A_1052, %parallel_loop3A_1061 : vector<16xf32>
        %parallel_loop3A_1063 = arith.addf %parallel_loop3A_1034, %parallel_loop3A_1062 : vector<16xf32>
        %parallel_loop3A_1064 = arith.index_cast %parallel_loop3A_1058 : i32 to index
        %parallel_loop3A_1065 = arith.constant 16 : index
        %parallel_loop3A_1066 = tpu.vector_load %arg6[%parallel_loop3A_1064, %parallel_loop3A_1065] {strides = array<i32>} : memref<272x65xf32, #tpu.memory_space<vmem>>, vector<16xf32>,
        %parallel_loop3A_1067 = arith.mulf %parallel_loop3A_1052, %parallel_loop3A_1066 : vector<16xf32>
        %parallel_loop3A_1068 = arith.addf %parallel_loop3A_1039, %parallel_loop3A_1067 : vector<16xf32>
        %parallel_loop3A_1069 = arith.index_cast %parallel_loop3A_1058 : i32 to index
        %parallel_loop3A_1070 = arith.constant 32 : index
        %parallel_loop3A_1071 = tpu.vector_load %arg6[%parallel_loop3A_1069, %parallel_loop3A_1070] {strides = array<i32>} : memref<272x65xf32, #tpu.memory_space<vmem>>, vector<16xf32>,
        %parallel_loop3A_1072 = arith.mulf %parallel_loop3A_1052, %parallel_loop3A_1071 : vector<16xf32>
        %parallel_loop3A_1073 = arith.addf %parallel_loop3A_1044, %parallel_loop3A_1072 : vector<16xf32>
        %parallel_loop3A_1074 = arith.index_cast %parallel_loop3A_1058 : i32 to index
        %parallel_loop3A_1075 = arith.constant 48 : index
        %parallel_loop3A_1076 = tpu.vector_load %arg6[%parallel_loop3A_1074, %parallel_loop3A_1075] {strides = array<i32>} : memref<272x65xf32, #tpu.memory_space<vmem>>, vector<16xf32>,
        %parallel_loop3A_1077 = arith.mulf %parallel_loop3A_1052, %parallel_loop3A_1076 : vector<16xf32>
        %parallel_loop3A_1078 = arith.addf %parallel_loop3A_1049, %parallel_loop3A_1077 : vector<16xf32>
        %parallel_loop3A_1079 = arith.constant 16 : i32
        %parallel_loop3A_1080 = vector.broadcast %parallel_loop3A_1079 : i32 to vector<16xi32>
        %parallel_loop3A_1081 = tpu.vector_load_idx %arg7[%parallel_loop3A_591, %parallel_loop3A_1080] : memref<128x33xf32, #tpu.memory_space<vmem>>[vector<16xi32>, vector<16xi32>], vector<16xf32>,
        %parallel_loop3A_1082 = arith.constant 16 : i32
        %parallel_loop3A_1083 = arith.addi %parallel_loop3A_606, %parallel_loop3A_1082 : i32
        %parallel_loop3A_1084 = arith.constant 0 : i32
        %parallel_loop3A_1085 = arith.constant 271 : i32
        %parallel_loop3A_1086 = arith.maxsi %parallel_loop3A_1084, %parallel_loop3A_1083 : i32
        %parallel_loop3A_1087 = arith.minsi %parallel_loop3A_1085, %parallel_loop3A_1086 : i32
        %parallel_loop3A_1088 = arith.index_cast %parallel_loop3A_1087 : i32 to index
        %parallel_loop3A_1089 = arith.constant 0 : index
        %parallel_loop3A_1090 = tpu.vector_load %arg6[%parallel_loop3A_1088, %parallel_loop3A_1089] {strides = array<i32>} : memref<272x65xf32, #tpu.memory_space<vmem>>, vector<16xf32>,
        %parallel_loop3A_1091 = arith.mulf %parallel_loop3A_1081, %parallel_loop3A_1090 : vector<16xf32>
        %parallel_loop3A_1092 = arith.addf %parallel_loop3A_1063, %parallel_loop3A_1091 : vector<16xf32>
        %parallel_loop3A_1093 = arith.index_cast %parallel_loop3A_1087 : i32 to index
        %parallel_loop3A_1094 = arith.constant 16 : index
        %parallel_loop3A_1095 = tpu.vector_load %arg6[%parallel_loop3A_1093, %parallel_loop3A_1094] {strides = array<i32>} : memref<272x65xf32, #tpu.memory_space<vmem>>, vector<16xf32>,
        %parallel_loop3A_1096 = arith.mulf %parallel_loop3A_1081, %parallel_loop3A_1095 : vector<16xf32>
        %parallel_loop3A_1097 = arith.addf %parallel_loop3A_1068, %parallel_loop3A_1096 : vector<16xf32>
        %parallel_loop3A_1098 = arith.index_cast %parallel_loop3A_1087 : i32 to index
        %parallel_loop3A_1099 = arith.constant 32 : index
        %parallel_loop3A_1100 = tpu.vector_load %arg6[%parallel_loop3A_1098, %parallel_loop3A_1099] {strides = array<i32>} : memref<272x65xf32, #tpu.memory_space<vmem>>, vector<16xf32>,
        %parallel_loop3A_1101 = arith.mulf %parallel_loop3A_1081, %parallel_loop3A_1100 : vector<16xf32>
        %parallel_loop3A_1102 = arith.addf %parallel_loop3A_1073, %parallel_loop3A_1101 : vector<16xf32>
        %parallel_loop3A_1103 = arith.index_cast %parallel_loop3A_1087 : i32 to index
        %parallel_loop3A_1104 = arith.constant 48 : index
        %parallel_loop3A_1105 = tpu.vector_load %arg6[%parallel_loop3A_1103, %parallel_loop3A_1104] {strides = array<i32>} : memref<272x65xf32, #tpu.memory_space<vmem>>, vector<16xf32>,
        %parallel_loop3A_1106 = arith.mulf %parallel_loop3A_1081, %parallel_loop3A_1105 : vector<16xf32>
        %parallel_loop3A_1107 = arith.addf %parallel_loop3A_1078, %parallel_loop3A_1106 : vector<16xf32>
        %parallel_loop3A_1108 = arith.index_cast %parallel_loop3A_590 : i32 to index
        %parallel_loop3A_1109 = arith.constant 0 : index
        %parallel_loop3A_1110 = tpu.vector_load %arg8[%parallel_loop3A_1108, %parallel_loop3A_1109] {strides = array<i32>} : memref<128x64xf32, #tpu.memory_space<vmem>>, vector<16xf32>,
        tpu.vector_store %arg8[%parallel_loop3A_1108, %parallel_loop3A_1109], %parallel_loop3A_1092 {strides = array<i32>} : memref<128x64xf32, #tpu.memory_space<vmem>>, vector<16xf32>,
        %parallel_loop3A_1111 = arith.index_cast %parallel_loop3A_590 : i32 to index
        %parallel_loop3A_1112 = arith.constant 16 : index
        %parallel_loop3A_1113 = tpu.vector_load %arg8[%parallel_loop3A_1111, %parallel_loop3A_1112] {strides = array<i32>} : memref<128x64xf32, #tpu.memory_space<vmem>>, vector<16xf32>,
        tpu.vector_store %arg8[%parallel_loop3A_1111, %parallel_loop3A_1112], %parallel_loop3A_1097 {strides = array<i32>} : memref<128x64xf32, #tpu.memory_space<vmem>>, vector<16xf32>,
        %parallel_loop3A_1114 = arith.index_cast %parallel_loop3A_590 : i32 to index
        %parallel_loop3A_1115 = arith.constant 32 : index
        %parallel_loop3A_1116 = tpu.vector_load %arg8[%parallel_loop3A_1114, %parallel_loop3A_1115] {strides = array<i32>} : memref<128x64xf32, #tpu.memory_space<vmem>>, vector<16xf32>,
        tpu.vector_store %arg8[%parallel_loop3A_1114, %parallel_loop3A_1115], %parallel_loop3A_1102 {strides = array<i32>} : memref<128x64xf32, #tpu.memory_space<vmem>>, vector<16xf32>,
        %parallel_loop3A_1117 = arith.index_cast %parallel_loop3A_590 : i32 to index
        %parallel_loop3A_1118 = arith.constant 48 : index
        %parallel_loop3A_1119 = tpu.vector_load %arg8[%parallel_loop3A_1117, %parallel_loop3A_1118] {strides = array<i32>} : memref<128x64xf32, #tpu.memory_space<vmem>>, vector<16xf32>,
        tpu.vector_store %arg8[%parallel_loop3A_1117, %parallel_loop3A_1118], %parallel_loop3A_1107 {strides = array<i32>} : memref<128x64xf32, #tpu.memory_space<vmem>>, vector<16xf32>,
      } {sc.loop_unroll_factor = 1 : i64, sc.parallel_access}
      "tpu.region"() ({
        %run_scoped3A = tpu.sem_alloc : memref<!tpu.dma_semaphore, #tpu.memory_space<semaphore_mem>>
        %dma_start3A_590 = arith.constant 0 : i32
        %dma_start3A_591 = tpu.memref_slice %arg4[%select_n3A_519, %select_n3A_559, %multiple_of3A_578, %dma_start3A_590] : memref<2x16x4096x64xf32, #tpu.memory_space<hbm>> -> memref<1x1x128x64xf32, #tpu.memory_space<hbm>>
        %dma_start3A_592 = tpu.memref_squeeze %dma_start3A_591 : memref<1x1x128x64xf32, #tpu.memory_space<hbm>> -> memref<128x64xf32, #tpu.memory_space<hbm>>
        %dma_start3A_593 = arith.constant 0 : i32
        %dma_start3A_594 = tpu.memref_slice %arg4[%select_n3A_519, %select_n3A_559, %multiple_of3A_578, %dma_start3A_593] : memref<2x16x4096x64xf32, #tpu.memory_space<hbm>> -> memref<1x1x128x64xf32, #tpu.memory_space<hbm>>
        %dma_start3A_595 = tpu.memref_squeeze %dma_start3A_594 : memref<1x1x128x64xf32, #tpu.memory_space<hbm>> -> memref<128x64xf32, #tpu.memory_space<hbm>>
        tpu.enqueue_dma source(%arg8 : memref<128x64xf32, #tpu.memory_space<vmem>>) target(%dma_start3A_595 : memref<128x64xf32, #tpu.memory_space<hbm>>) target_semaphore(%run_scoped3A : memref<!tpu.dma_semaphore, #tpu.memory_space<semaphore_mem>>)
        %dma_wait3A_596 = arith.constant 0 : i32
        %dma_wait3A_597 = tpu.memref_slice %arg4[%select_n3A_519, %select_n3A_559, %multiple_of3A_578, %dma_wait3A_596] : memref<2x16x4096x64xf32, #tpu.memory_space<hbm>> -> memref<1x1x128x64xf32, #tpu.memory_space<hbm>>
        %dma_wait3A_598 = tpu.memref_squeeze %dma_wait3A_597 : memref<1x1x128x64xf32, #tpu.memory_space<hbm>> -> memref<128x64xf32, #tpu.memory_space<hbm>>
        %dma_wait3A_599 = arith.constant 0 : i32
        %dma_wait3A_600 = tpu.memref_slice %arg4[%select_n3A_519, %select_n3A_559, %multiple_of3A_578, %dma_wait3A_599] : memref<2x16x4096x64xf32, #tpu.memory_space<hbm>> -> memref<1x1x128x64xf32, #tpu.memory_space<hbm>>
        %dma_wait3A_601 = tpu.memref_squeeze %dma_wait3A_600 : memref<1x1x128x64xf32, #tpu.memory_space<hbm>> -> memref<128x64xf32, #tpu.memory_space<hbm>>
        tpu.wait_dma2 semaphore(%run_scoped3A : memref<!tpu.dma_semaphore, #tpu.memory_space<semaphore_mem>>) src(%arg8 : memref<128x64xf32, #tpu.memory_space<vmem>>) dst(%dma_wait3A_601 : memref<128x64xf32, #tpu.memory_space<hbm>>)
        tpu.yield
      }) : () -> ()
    }
    %scan3A_89 = arith.constant 16 : i32
    return
  }
}

module attributes {stable_mosaic.version = 14 : i64} {
  func.func @_stage1_body(%arg0: i32, %arg1: memref<256x1024xf32, #tpu.memory_space<vmem>>, %arg2: memref<1024x1280xf32, #tpu.memory_space<vmem>>, %arg3: memref<1024x32xf32, #tpu.memory_space<vmem>>, %arg4: memref<1x1312xf32, #tpu.memory_space<vmem>>, %arg5: memref<1x288xf32, #tpu.memory_space<vmem>>, %arg6: memref<256x1024xf32, #tpu.memory_space<vmem>>, %arg7: memref<256x16x32xf32, #tpu.memory_space<vmem>>) attributes {dimension_semantics = [#tpu.dimension_semantics<arbitrary>], iteration_bounds = array<i64: 32>, scalar_prefetch = 0 : i64, scratch_operands = 0 : i64, tpu.core_type = #tpu.core_type<tc>, window_params = [{transform_indices = @transform_0, window_bounds = array<i64: 256, 1024>}, {pipeline_mode = #tpu.pipeline_mode<synchronous>, transform_indices = @transform_1, window_bounds = array<i64: 1024, 1280>}, {pipeline_mode = #tpu.pipeline_mode<synchronous>, transform_indices = @transform_2, window_bounds = array<i64: 1024, 32>}, {pipeline_mode = #tpu.pipeline_mode<synchronous>, transform_indices = @transform_3, window_bounds = array<i64: 1, 1312>}, {pipeline_mode = #tpu.pipeline_mode<synchronous>, transform_indices = @transform_4, window_bounds = array<i64: 1, 288>}, {transform_indices = @transform_5, window_bounds = array<i64: 256, 1024>}, {transform_indices = @transform_6, window_bounds = array<i64: 256, 16, 32>}]} {
    %get3A = arith.constant 0 : index
    %get3A_0 = arith.constant 0 : index
    %get3A_1 = vector.load %arg1[%get3A, %get3A_0] : memref<256x1024xf32, #tpu.memory_space<vmem>>, vector<256x1024xf32>
    %get3A_2 = arith.constant 0 : index
    %get3A_3 = arith.constant 0 : index
    %get3A_4 = vector.load %arg2[%get3A_2, %get3A_3] : memref<1024x1280xf32, #tpu.memory_space<vmem>>, vector<1024x1280xf32>
    %dot_general3A = arith.constant dense<0.000000e+00> : vector<256x1280xf32>
    %dot_general3A_5 = tpu.matmul %get3A_1, %get3A_4, %dot_general3A {dimension_numbers = #tpu.dot_dimension_numbers<[1], [0], [0], [1], [0, 0, 1, 1], [], []>, transpose_lhs_hint = false} : vector<256x1024xf32>, vector<1024x1280xf32>, vector<256x1280xf32> -> vector<256x1280xf32>
    %get3A_6 = arith.constant 0 : index
    %get3A_7 = arith.constant 0 : index
    %get3A_8 = vector.load %arg3[%get3A_6, %get3A_7] : memref<1024x32xf32, #tpu.memory_space<vmem>>, vector<1024x32xf32>
    %dot_general3A_9 = arith.constant dense<0.000000e+00> : vector<256x32xf32>
    %dot_general3A_10 = tpu.matmul %get3A_1, %get3A_8, %dot_general3A_9 {dimension_numbers = #tpu.dot_dimension_numbers<[1], [0], [0], [1], [0, 0, 1, 1], [], []>, transpose_lhs_hint = false} : vector<256x1024xf32>, vector<1024x32xf32>, vector<256x32xf32> -> vector<256x32xf32>
    %slice3A = vector.extract_strided_slice %dot_general3A_5 {offsets = [0, 0], sizes = [256, 1024], strides = [1, 1]} : vector<256x1280xf32> to vector<256x1024xf32>
    %get3A_11 = arith.constant 0 : index
    %get3A_12 = arith.constant 0 : index
    %get3A_13 = vector.load %arg4[%get3A_11, %get3A_12] : memref<1x1312xf32, #tpu.memory_space<vmem>>, vector<1x1024xf32>
    %get3A_14 = vector.shape_cast %get3A_13 : vector<1x1024xf32> to vector<1024xf32>
    %broadcast_in_dim3A = vector.shape_cast %get3A_14 : vector<1024xf32> to vector<1x1024xf32>
    %add3A = vector.broadcast %broadcast_in_dim3A : vector<1x1024xf32> to vector<256x1024xf32>
    %add3A_15 = arith.addf %slice3A, %add3A : vector<256x1024xf32>
    %slice3A_16 = vector.extract_strided_slice %dot_general3A_5 {offsets = [0, 1024], sizes = [256, 256], strides = [1, 1]} : vector<256x1280xf32> to vector<256x256xf32>
    %get3A_17 = arith.constant 0 : index
    %get3A_18 = arith.constant 1024 : index
    %get3A_19 = vector.load %arg4[%get3A_17, %get3A_18] : memref<1x1312xf32, #tpu.memory_space<vmem>>, vector<1x256xf32>
    %get3A_20 = vector.shape_cast %get3A_19 : vector<1x256xf32> to vector<256xf32>
    %broadcast_in_dim3A_21 = vector.shape_cast %get3A_20 : vector<256xf32> to vector<1x256xf32>
    %add3A_22 = vector.broadcast %broadcast_in_dim3A_21 : vector<1x256xf32> to vector<256x256xf32>
    %add3A_23 = arith.addf %slice3A_16, %add3A_22 : vector<256x256xf32>
    %slice3A_24 = vector.extract_strided_slice %dot_general3A_10 {offsets = [0, 0], sizes = [256, 16], strides = [1, 1]} : vector<256x32xf32> to vector<256x16xf32>
    %get3A_25 = arith.constant 0 : index
    %get3A_26 = arith.constant 1280 : index
    %get3A_27 = vector.load %arg4[%get3A_25, %get3A_26] : memref<1x1312xf32, #tpu.memory_space<vmem>>, vector<1x16xf32>
    %get3A_28 = vector.shape_cast %get3A_27 : vector<1x16xf32> to vector<16xf32>
    %broadcast_in_dim3A_29 = vector.shape_cast %get3A_28 : vector<16xf32> to vector<1x16xf32>
    %add3A_30 = vector.broadcast %broadcast_in_dim3A_29 : vector<1x16xf32> to vector<256x16xf32>
    %add3A_31 = arith.addf %slice3A_24, %add3A_30 : vector<256x16xf32>
    %slice3A_32 = vector.extract_strided_slice %dot_general3A_10 {offsets = [0, 16], sizes = [256, 16], strides = [1, 1]} : vector<256x32xf32> to vector<256x16xf32>
    %get3A_33 = arith.constant 0 : index
    %get3A_34 = arith.constant 1296 : index
    %get3A_35 = vector.load %arg4[%get3A_33, %get3A_34] : memref<1x1312xf32, #tpu.memory_space<vmem>>, vector<1x16xf32>
    %get3A_36 = vector.shape_cast %get3A_35 : vector<1x16xf32> to vector<16xf32>
    %broadcast_in_dim3A_37 = vector.shape_cast %get3A_36 : vector<16xf32> to vector<1x16xf32>
    %add3A_38 = vector.broadcast %broadcast_in_dim3A_37 : vector<1x16xf32> to vector<256x16xf32>
    %add3A_39 = arith.addf %slice3A_32, %add3A_38 : vector<256x16xf32>
    %swap3A = arith.constant 0 : index
    %swap3A_40 = arith.constant 0 : index
    %swap3A_41 = vector.load %arg6[%swap3A, %swap3A_40] : memref<256x1024xf32, #tpu.memory_space<vmem>>, vector<256x1024xf32>
    tpu.vector_store %arg6[%swap3A, %swap3A_40], %add3A_15 {strides = array<i32>} : memref<256x1024xf32, #tpu.memory_space<vmem>>, vector<256x1024xf32>,
    %mul3A = arith.mulf %add3A_23, %add3A_23 : vector<256x256xf32>
    %reduce_sum3A = arith.constant dense<0.000000e+00> : vector<256xf32>
    %reduce_sum3A_42 = vector.multi_reduction <add>, %mul3A, %reduce_sum3A [1] : vector<256x256xf32> to vector<256xf32>
    %broadcast_in_dim3A_43 = vector.shape_cast %reduce_sum3A_42 : vector<256xf32> to vector<256x1xf32>
    %div3A = arith.constant 2.560000e+02 : f32
    %div3A_44 = vector.broadcast %div3A : f32 to vector<256x1xf32>
    %div3A_45 = arith.divf %broadcast_in_dim3A_43, %div3A_44 : vector<256x1xf32>
    %sqrt3A = math.sqrt %div3A_45 : vector<256x1xf32>
    %add3A_46 = arith.constant 9.99999997E-7 : f32
    %add3A_47 = vector.broadcast %add3A_46 : f32 to vector<256x1xf32>
    %add3A_48 = arith.addf %sqrt3A, %add3A_47 : vector<256x1xf32>
    %div3A_49 = vector.broadcast %add3A_48 : vector<256x1xf32> to vector<256x256xf32>
    %div3A_50 = arith.divf %add3A_23, %div3A_49 : vector<256x256xf32>
    %get3A_51 = arith.constant 0 : index
    %get3A_52 = arith.constant 0 : index
    %get3A_53 = vector.load %arg5[%get3A_51, %get3A_52] : memref<1x288xf32, #tpu.memory_space<vmem>>, vector<1x256xf32>
    %get3A_54 = vector.shape_cast %get3A_53 : vector<1x256xf32> to vector<256xf32>
    %broadcast_in_dim3A_55 = vector.shape_cast %get3A_54 : vector<256xf32> to vector<1x256xf32>
    %mul3A_56 = vector.broadcast %broadcast_in_dim3A_55 : vector<1x256xf32> to vector<256x256xf32>
    %mul3A_57 = arith.mulf %div3A_50, %mul3A_56 : vector<256x256xf32>
    %mul3A_58 = arith.mulf %add3A_31, %add3A_31 : vector<256x16xf32>
    %reduce_sum3A_59 = arith.constant dense<0.000000e+00> : vector<256xf32>
    %reduce_sum3A_60 = vector.multi_reduction <add>, %mul3A_58, %reduce_sum3A_59 [1] : vector<256x16xf32> to vector<256xf32>
    %broadcast_in_dim3A_61 = vector.shape_cast %reduce_sum3A_60 : vector<256xf32> to vector<256x1xf32>
    %div3A_62 = arith.constant 1.600000e+01 : f32
    %div3A_63 = vector.broadcast %div3A_62 : f32 to vector<256x1xf32>
    %div3A_64 = arith.divf %broadcast_in_dim3A_61, %div3A_63 : vector<256x1xf32>
    %sqrt3A_65 = math.sqrt %div3A_64 : vector<256x1xf32>
    %add3A_66 = arith.constant 9.99999997E-7 : f32
    %add3A_67 = vector.broadcast %add3A_66 : f32 to vector<256x1xf32>
    %add3A_68 = arith.addf %sqrt3A_65, %add3A_67 : vector<256x1xf32>
    %div3A_69 = vector.broadcast %add3A_68 : vector<256x1xf32> to vector<256x16xf32>
    %div3A_70 = arith.divf %add3A_31, %div3A_69 : vector<256x16xf32>
    %get3A_71 = arith.constant 0 : index
    %get3A_72 = arith.constant 256 : index
    %get3A_73 = vector.load %arg5[%get3A_71, %get3A_72] : memref<1x288xf32, #tpu.memory_space<vmem>>, vector<1x16xf32>
    %get3A_74 = vector.shape_cast %get3A_73 : vector<1x16xf32> to vector<16xf32>
    %broadcast_in_dim3A_75 = vector.shape_cast %get3A_74 : vector<16xf32> to vector<1x16xf32>
    %mul3A_76 = vector.broadcast %broadcast_in_dim3A_75 : vector<1x16xf32> to vector<256x16xf32>
    %mul3A_77 = arith.mulf %div3A_70, %mul3A_76 : vector<256x16xf32>
    %mul3A_78 = arith.mulf %add3A_39, %add3A_39 : vector<256x16xf32>
    %reduce_sum3A_79 = arith.constant dense<0.000000e+00> : vector<256xf32>
    %reduce_sum3A_80 = vector.multi_reduction <add>, %mul3A_78, %reduce_sum3A_79 [1] : vector<256x16xf32> to vector<256xf32>
    %broadcast_in_dim3A_81 = vector.shape_cast %reduce_sum3A_80 : vector<256xf32> to vector<256x1xf32>
    %div3A_82 = arith.constant 1.600000e+01 : f32
    %div3A_83 = vector.broadcast %div3A_82 : f32 to vector<256x1xf32>
    %div3A_84 = arith.divf %broadcast_in_dim3A_81, %div3A_83 : vector<256x1xf32>
    %sqrt3A_85 = math.sqrt %div3A_84 : vector<256x1xf32>
    %add3A_86 = arith.constant 9.99999997E-7 : f32
    %add3A_87 = vector.broadcast %add3A_86 : f32 to vector<256x1xf32>
    %add3A_88 = arith.addf %sqrt3A_85, %add3A_87 : vector<256x1xf32>
    %div3A_89 = vector.broadcast %add3A_88 : vector<256x1xf32> to vector<256x16xf32>
    %div3A_90 = arith.divf %add3A_39, %div3A_89 : vector<256x16xf32>
    %get3A_91 = arith.constant 0 : index
    %get3A_92 = arith.constant 272 : index
    %get3A_93 = vector.load %arg5[%get3A_91, %get3A_92] : memref<1x288xf32, #tpu.memory_space<vmem>>, vector<1x16xf32>
    %get3A_94 = vector.shape_cast %get3A_93 : vector<1x16xf32> to vector<16xf32>
    %broadcast_in_dim3A_95 = vector.shape_cast %get3A_94 : vector<16xf32> to vector<1x16xf32>
    %mul3A_96 = vector.broadcast %broadcast_in_dim3A_95 : vector<1x16xf32> to vector<256x16xf32>
    %mul3A_97 = arith.mulf %div3A_90, %mul3A_96 : vector<256x16xf32>
    %logistic3A = arith.negf %mul3A_77 : vector<256x16xf32>
    %logistic3A_98 = math.exp %logistic3A : vector<256x16xf32>
    %logistic3A_99 = arith.constant 1.000000e+00 : f32
    %logistic3A_100 = vector.broadcast %logistic3A_99 : f32 to vector<256x16xf32>
    %logistic3A_101 = arith.addf %logistic3A_100, %logistic3A_98 : vector<256x16xf32>
    %logistic3A_102 = arith.divf %logistic3A_100, %logistic3A_101 : vector<256x16xf32>
    %mul3A_103 = arith.constant 6.000000e+00 : f32
    %mul3A_104 = vector.broadcast %mul3A_103 : f32 to vector<256x16xf32>
    %mul3A_105 = arith.mulf %mul3A_104, %logistic3A_102 : vector<256x16xf32>
    %add3A_106 = arith.constant 2.000000e+00 : f32
    %add3A_107 = vector.broadcast %add3A_106 : f32 to vector<256x16xf32>
    %add3A_108 = arith.addf %add3A_107, %mul3A_105 : vector<256x16xf32>
    %tanh3A = math.tanh %mul3A_97 : vector<256x16xf32>
    %mul3A_109 = arith.constant 6.400000e+01 : f32
    %mul3A_110 = vector.broadcast %mul3A_109 : f32 to vector<256x16xf32>
    %mul3A_111 = arith.mulf %tanh3A, %mul3A_110 : vector<256x16xf32>
    %logistic3A_112 = arith.negf %mul3A_57 : vector<256x256xf32>
    %logistic3A_113 = math.exp %logistic3A_112 : vector<256x256xf32>
    %logistic3A_114 = arith.constant 1.000000e+00 : f32
    %logistic3A_115 = vector.broadcast %logistic3A_114 : f32 to vector<256x256xf32>
    %logistic3A_116 = arith.addf %logistic3A_115, %logistic3A_113 : vector<256x256xf32>
    %logistic3A_117 = arith.divf %logistic3A_115, %logistic3A_116 : vector<256x256xf32>
    %mul3A_118 = arith.mulf %mul3A_57, %logistic3A_117 : vector<256x256xf32>
    %reshape3A = vector.shape_cast %mul3A_118 : vector<256x256xf32> to vector<256x16x16xf32>
    %broadcast_in_dim3A_119 = arith.constant 0.000000e+00 : f32
    %broadcast_in_dim3A_120 = vector.broadcast %broadcast_in_dim3A_119 : f32 to vector<256x16x16xf32>
    %concatenate3A = tpu.concatenate %reshape3A, %broadcast_in_dim3A_120 in 2 : vector<256x16x16xf32>, vector<256x16x16xf32> -> vector<256x16x32xf32>
    %iota3A = tpu.iota {dimensions = array<i32: 2>} : vector<256x16x32xi32>
    %sub3A = arith.constant 8 : i32
    %sub3A_121 = vector.broadcast %sub3A : i32 to vector<256x16x32xi32>
    %sub3A_122 = arith.subi %iota3A, %sub3A_121 : vector<256x16x32xi32>
    %abs3A = math.absi %sub3A_122 : vector<256x16x32xi32>
    %convert_element_type3A = arith.sitofp %abs3A : vector<256x16x32xi32> to vector<256x16x32xf32>
    %broadcast_in_dim3A_123 = vector.shape_cast %add3A_108 : vector<256x16xf32> to vector<256x16x1xf32>
    %sub3A_124 = vector.broadcast %broadcast_in_dim3A_123 : vector<256x16x1xf32> to vector<256x16x32xf32>
    %sub3A_125 = arith.subf %sub3A_124, %convert_element_type3A : vector<256x16x32xf32>
    %logistic3A_126 = arith.negf %sub3A_125 : vector<256x16x32xf32>
    %logistic3A_127 = math.exp %logistic3A_126 : vector<256x16x32xf32>
    %logistic3A_128 = arith.constant 1.000000e+00 : f32
    %logistic3A_129 = vector.broadcast %logistic3A_128 : f32 to vector<256x16x32xf32>
    %logistic3A_130 = arith.addf %logistic3A_129, %logistic3A_127 : vector<256x16x32xf32>
    %logistic3A_131 = arith.divf %logistic3A_129, %logistic3A_130 : vector<256x16x32xf32>
    %mul3A_132 = arith.mulf %concatenate3A, %logistic3A_131 : vector<256x16x32xf32>
    %floor3A = math.floor %mul3A_111 : vector<256x16xf32>
    %sub3A_133 = arith.subf %mul3A_111, %floor3A : vector<256x16xf32>
    %convert_element_type3A_134 = arith.fptosi %floor3A : vector<256x16xf32> to vector<256x16xi32>
    %sub3A_135 = arith.constant 1.000000e+00 : f32
    %sub3A_136 = vector.broadcast %sub3A_135 : f32 to vector<256x16xf32>
    %sub3A_137 = arith.subf %sub3A_136, %sub3A_133 : vector<256x16xf32>
    %broadcast_in_dim3A_138 = vector.shape_cast %sub3A_137 : vector<256x16xf32> to vector<256x16x1xf32>
    %mul3A_139 = vector.broadcast %broadcast_in_dim3A_138 : vector<256x16x1xf32> to vector<256x16x32xf32>
    %mul3A_140 = arith.mulf %mul3A_139, %mul3A_132 : vector<256x16x32xf32>
    %broadcast_in_dim3A_141 = vector.shape_cast %sub3A_133 : vector<256x16xf32> to vector<256x16x1xf32>
    %slice3A_142 = vector.extract_strided_slice %mul3A_132 {offsets = [0, 0, 31], sizes = [256, 16, 1], strides = [1, 1, 1]} : vector<256x16x32xf32> to vector<256x16x1xf32>
    %slice3A_143 = vector.extract_strided_slice %mul3A_132 {offsets = [0, 0, 0], sizes = [256, 16, 31], strides = [1, 1, 1]} : vector<256x16x32xf32> to vector<256x16x31xf32>
    %concatenate3A_144 = tpu.concatenate %slice3A_142, %slice3A_143 in 2 : vector<256x16x1xf32>, vector<256x16x31xf32> -> vector<256x16x32xf32>
    %mul3A_145 = vector.broadcast %broadcast_in_dim3A_141 : vector<256x16x1xf32> to vector<256x16x32xf32>
    %mul3A_146 = arith.mulf %mul3A_145, %concatenate3A_144 : vector<256x16x32xf32>
    %add3A_147 = arith.addf %mul3A_140, %mul3A_146 : vector<256x16x32xf32>
    %mul3A_148 = arith.constant 256 : i32
    %mul3A_149 = arith.muli %arg0, %mul3A_148 : i32
    %jit3A = arith.constant 4096 : i32
    %eq3A = arith.constant 0 : i32
    %eq3A_150 = arith.cmpi eq, %jit3A, %eq3A : i32
    %jit3A_151 = arith.constant 1 : i32
    %select_n3A = arith.select %eq3A_150, %jit3A_151, %jit3A : i32
    %rem3A = arith.remsi %mul3A_149, %select_n3A : i32
    %ne3A = arith.constant 0 : i32
    %ne3A_152 = arith.cmpi ne, %rem3A, %ne3A : i32
    %lt3A = arith.constant 0 : i32
    %lt3A_153 = arith.cmpi slt, %rem3A, %lt3A : i32
    %lt3A_154 = arith.constant 0 : i32
    %lt3A_155 = arith.cmpi slt, %select_n3A, %lt3A_154 : i32
    %ne3A_156 = arith.xori %lt3A_153, %lt3A_155 : i1
    %and3A = arith.andi %ne3A_156, %ne3A_152 : i1
    %add3A_157 = arith.addi %rem3A, %select_n3A : i32
    %select_n3A_158 = arith.select %and3A, %add3A_157, %rem3A : i32
    %iota3A_159 = tpu.iota {dimensions = array<i32: 0>} : vector<256x16xi32>
    %add3A_160 = vector.broadcast %select_n3A_158 : i32 to vector<256x16xi32>
    %add3A_161 = arith.addi %add3A_160, %iota3A_159 : vector<256x16xi32>
    %add3A_162 = arith.addi %add3A_161, %convert_element_type3A_134 : vector<256x16xi32>
    %sub3A_163 = arith.constant 8 : i32
    %sub3A_164 = vector.broadcast %sub3A_163 : i32 to vector<256x16xi32>
    %sub3A_165 = arith.subi %add3A_162, %sub3A_164 : vector<256x16xi32>
    %broadcast_in_dim3A_166 = vector.shape_cast %sub3A_165 : vector<256x16xi32> to vector<256x16x1xi32>
    %add3A_167 = vector.broadcast %broadcast_in_dim3A_166 : vector<256x16x1xi32> to vector<256x16x32xi32>
    %add3A_168 = arith.addi %add3A_167, %iota3A : vector<256x16x32xi32>
    %ge3A = arith.constant 0 : i32
    %ge3A_169 = vector.broadcast %ge3A : i32 to vector<256x16x32xi32>
    %ge3A_170 = arith.cmpi sge, %add3A_168, %ge3A_169 : vector<256x16x32xi32>
    %lt3A_171 = arith.constant 4096 : i32
    %lt3A_172 = vector.broadcast %lt3A_171 : i32 to vector<256x16x32xi32>
    %lt3A_173 = arith.cmpi slt, %add3A_168, %lt3A_172 : vector<256x16x32xi32>
    %and3A_174 = arith.andi %ge3A_170, %lt3A_173 : vector<256x16x32xi1>
    %jit3A_175 = arith.constant 0.000000e+00 : f32
    %broadcast_in_dim3A_176 = vector.broadcast %jit3A_175 : f32 to vector<256x16x32xf32>
    %select_n3A_177 = arith.select %and3A_174, %add3A_147, %broadcast_in_dim3A_176 : vector<256x16x32xi1>, vector<256x16x32xf32>
    %bitcast_convert_type3A = tpu.bitcast %sub3A_165 : vector<256x16xi32> -> vector<256x16xf32>
    %broadcast_in_dim3A_178 = vector.shape_cast %bitcast_convert_type3A : vector<256x16xf32> to vector<256x16x1xf32>
    %eq3A_179 = arith.constant 31 : i32
    %eq3A_180 = vector.broadcast %eq3A_179 : i32 to vector<256x16x32xi32>
    %eq3A_181 = arith.cmpi eq, %iota3A, %eq3A_180 : vector<256x16x32xi32>
    %broadcast_in_dim3A_182 = vector.shape_cast %broadcast_in_dim3A_178 : vector<256x16x1xf32> to vector<256x16x1xf32>
    %broadcast_in_dim3A_183 = vector.broadcast %broadcast_in_dim3A_182 : vector<256x16x1xf32> to vector<256x16x32xf32>
    %select_n3A_184 = arith.select %eq3A_181, %broadcast_in_dim3A_183, %select_n3A_177 : vector<256x16x32xi1>, vector<256x16x32xf32>
    %swap3A_185 = arith.constant 0 : index
    %swap3A_186 = arith.constant 0 : index
    %swap3A_187 = arith.constant 0 : index
    %swap3A_188 = vector.load %arg7[%swap3A_185, %swap3A_186, %swap3A_187] : memref<256x16x32xf32, #tpu.memory_space<vmem>>, vector<256x16x32xf32>
    tpu.vector_store %arg7[%swap3A_185, %swap3A_186, %swap3A_187], %select_n3A_184 {strides = array<i32>} : memref<256x16x32xf32, #tpu.memory_space<vmem>>, vector<256x16x32xf32>,
    return
  }
  func.func @transform_0(%arg0: i32) -> (i32, i32) {
    %c0_i32 = arith.constant 0 : i32
    %c0_i32_0 = arith.constant 0 : i32
    return %arg0, %c0_i32 : i32, i32
  }
  func.func @transform_1(%arg0: i32) -> (i32, i32) {
    %c0_i32 = arith.constant 0 : i32
    %c0_i32_0 = arith.constant 0 : i32
    %c0_i32_1 = arith.constant 0 : i32
    return %c0_i32, %c0_i32_0 : i32, i32
  }
  func.func @transform_2(%arg0: i32) -> (i32, i32) {
    %c0_i32 = arith.constant 0 : i32
    %c0_i32_0 = arith.constant 0 : i32
    %c0_i32_1 = arith.constant 0 : i32
    return %c0_i32, %c0_i32_0 : i32, i32
  }
  func.func @transform_3(%arg0: i32) -> (i32, i32) {
    %c0_i32 = arith.constant 0 : i32
    %c0_i32_0 = arith.constant 0 : i32
    %c0_i32_1 = arith.constant 0 : i32
    return %c0_i32, %c0_i32_0 : i32, i32
  }
  func.func @transform_4(%arg0: i32) -> (i32, i32) {
    %c0_i32 = arith.constant 0 : i32
    %c0_i32_0 = arith.constant 0 : i32
    %c0_i32_1 = arith.constant 0 : i32
    return %c0_i32, %c0_i32_0 : i32, i32
  }
  func.func @transform_5(%arg0: i32) -> (i32, i32) {
    %c0_i32 = arith.constant 0 : i32
    %c0_i32_0 = arith.constant 0 : i32
    return %arg0, %c0_i32 : i32, i32
  }
  func.func @transform_6(%arg0: i32) -> (i32, i32, i32) {
    %c0_i32 = arith.constant 0 : i32
    %c0_i32_0 = arith.constant 0 : i32
    %c0_i32_1 = arith.constant 0 : i32
    return %arg0, %c0_i32, %c0_i32_0 : i32, i32, i32
  }
}

module attributes {stable_mosaic.version = 14 : i64} {
  func.func @_stage3_body(%arg0: i32, %arg1: memref<256x1024xf32, #tpu.memory_space<vmem>>, %arg2: memref<1024x1024xf32, #tpu.memory_space<vmem>>, %arg3: memref<256x1024xf32, #tpu.memory_space<vmem>>) attributes {dimension_semantics = [#tpu.dimension_semantics<arbitrary>], iteration_bounds = array<i64: 32>, scalar_prefetch = 0 : i64, scratch_operands = 0 : i64, tpu.core_type = #tpu.core_type<tc>, window_params = [{transform_indices = @transform_0, window_bounds = array<i64: 256, 1024>}, {pipeline_mode = #tpu.pipeline_mode<synchronous>, transform_indices = @transform_1, window_bounds = array<i64: 1024, 1024>}, {transform_indices = @transform_2, window_bounds = array<i64: 256, 1024>}]} {
    %get3A = arith.constant 0 : index
    %get3A_0 = arith.constant 0 : index
    %get3A_1 = vector.load %arg1[%get3A, %get3A_0] : memref<256x1024xf32, #tpu.memory_space<vmem>>, vector<256x1024xf32>
    %get3A_2 = arith.constant 0 : index
    %get3A_3 = arith.constant 0 : index
    %get3A_4 = vector.load %arg2[%get3A_2, %get3A_3] : memref<1024x1024xf32, #tpu.memory_space<vmem>>, vector<1024x1024xf32>
    %dot_general3A = arith.constant dense<0.000000e+00> : vector<256x1024xf32>
    %dot_general3A_5 = tpu.matmul %get3A_1, %get3A_4, %dot_general3A {dimension_numbers = #tpu.dot_dimension_numbers<[1], [0], [0], [1], [0, 0, 1, 1], [], []>, transpose_lhs_hint = false} : vector<256x1024xf32>, vector<1024x1024xf32>, vector<256x1024xf32> -> vector<256x1024xf32>
    %logistic3A = arith.negf %dot_general3A_5 : vector<256x1024xf32>
    %logistic3A_6 = math.exp %logistic3A : vector<256x1024xf32>
    %logistic3A_7 = arith.constant 1.000000e+00 : f32
    %logistic3A_8 = vector.broadcast %logistic3A_7 : f32 to vector<256x1024xf32>
    %logistic3A_9 = arith.addf %logistic3A_8, %logistic3A_6 : vector<256x1024xf32>
    %logistic3A_10 = arith.divf %logistic3A_8, %logistic3A_9 : vector<256x1024xf32>
    %mul3A = arith.mulf %dot_general3A_5, %logistic3A_10 : vector<256x1024xf32>
    %swap3A = arith.constant 0 : index
    %swap3A_11 = arith.constant 0 : index
    %swap3A_12 = vector.load %arg3[%swap3A, %swap3A_11] : memref<256x1024xf32, #tpu.memory_space<vmem>>, vector<256x1024xf32>
    tpu.vector_store %arg3[%swap3A, %swap3A_11], %mul3A {strides = array<i32>} : memref<256x1024xf32, #tpu.memory_space<vmem>>, vector<256x1024xf32>,
    return
  }
  func.func @transform_0(%arg0: i32) -> (i32, i32) {
    %c0_i32 = arith.constant 0 : i32
    %c0_i32_0 = arith.constant 0 : i32
    return %arg0, %c0_i32 : i32, i32
  }
  func.func @transform_1(%arg0: i32) -> (i32, i32) {
    %c0_i32 = arith.constant 0 : i32
    %c0_i32_0 = arith.constant 0 : i32
    %c0_i32_1 = arith.constant 0 : i32
    return %c0_i32, %c0_i32_0 : i32, i32
  }
  func.func @transform_2(%arg0: i32) -> (i32, i32) {
    %c0_i32 = arith.constant 0 : i32
    %c0_i32_0 = arith.constant 0 : i32
    return %arg0, %c0_i32 : i32, i32
  }
}

</mosaic_0001>

<sc_bundles>
// kernel: kernel.5.cloned.1.call-start
scs
__scs_entry_jumppad:
0x0: {  	(pc) =	sbr.rel $0x88, $3  }
0x1: {  	(tag) =	ssettag $0x0;
	lr =	simm.s32 $0x1  }
0x2: {  	[smem:$0x3F94] =	sst lr;
	_ =	strace $0xD0000000  }
0x3: {  	_ = 	snop  }
0x4: {  	_ = 	snop  }
0x5: {  	_ = 	snop  }
0x6: {  	_ = 	snop  }
0x7: {  	_ = 	snop  }
__scs_overlays_trampoline_lowered:
0x8: {  	[smem:$0x3FA3] =	sst s0  }
0x9: {  	[smem:$0x3FA4] =	sst s1  }
0xa: {  	[smem:$0x3FA5] =	sst s2  }
0xb: {  	[smem:$0x3FA6] =	sst s3  }
0xc: {  	[smem:$0x3FA7] =	sst s4  }
0xd: {  	[smem:$0x3FA8] =	sst s5  }
0xe: {  	[smem:$0x3FA9] =	sst s6  }
0xf: {  	[smem:$0x3FAA] =	sst s7  }
0x10: {  	[smem:$0x3FAB] =	sst s8  }
0x11: {  	[smem:$0x3FAC] =	sst s9;
	s0 =	simm.s32 @!p0 $0x0  }
0x12: {  	s1 =	sld [smem:$0x3F92];
	s0 =	simm.s32 @p0 $0x1  }
0x13: {  	[smem:$0x3FAD] =	sst s0;
	s0 =	simm.s32 @!p1 $0x0  }
0x14: {  	s2 =	sld [smem:$0x3F91];
	s0 =	simm.s32 @p1 $0x1  }
0x15: {  	[smem:$0x3FAE] =	sst s0;
	s0 =	simm.s32 @!p2 $0x0  }
0x16: {  	s3 =	sld [smem:$0x3FDB];
	s0 =	simm.s32 @p2 $0x1  }
0x17: {  	s4 =	simm.s32 $0x1BF5;
	[smem:$0x3FB0] =	sst s0  }
0x18: {  	s0 =	sld [smem:$0x3F93];
	_ =	swait.ge [sflag:s4], $0x0  }
0x19: {  	s7 =	sld [smem:$0x3F94]  }
0x1a: {  	s8 =	sadd.s32 $0xFFFFE003, lr  }
0x1b: {  	s9 =	sadd.s32 $0xFFFFFEF7, lr;
	s5 =	simm.s32 $0xFFFFFFFF;
	p2 =	slt.u32 s8, $0xFFFFF086  }
0x1c: {  	p1 =	slt.u32 s9, $0xF7A;
	s5 =	simm.s32 @!p2 $0x0  }
0x1d: {  	s5 =	simm.s32 @p1 $0x1;
	p0 =	seq.s32 s7, s2  }
0x1e: {  	s7 =	smul.u32 @!p0 $0xF7A, s2;
	p2 =	seq.s32 @!p0 s5, $0x0  }
0x1f: {  	s9 =	smul.u32 $0xF7A, s1;
	s8 =	simm.s32 @!p0 $0x1BF5;
	p2 =	por !p2, p0  }
0x20: {  	[sflag:s8] =	ssyncset.s32 @!p0 $0xFFFFF086;
	s6 =	sadd.s32 @!p0 s3, s7;
	s7 =	simm.s32 @!p0 $0x108  }
0x21: {  	s3 =	sadd.s32 s3, s9;
	s6 =	sadd.s32 @!p0 $0x88, s6;
	s7 =	simm.s32 @p2 $0x1082  }
0x22: {  	[simem:s7], [sflag:s8] =	dma.local @!p0 [hbm:s6], $0xF7A  }
0x23: {  	s9 =	sor.u32 $0xD0000000, s2;
	s6 =	simm.s32 $0x108;
	_ =	swait.ge @!p0 [sflag:s8], $0x0  }
0x24: {  	s3 =	sadd.s32 $0x88, s3;
	s6 =	simm.s32 @!p1 $0x1082;
	[sflag:s4] =	ssyncset.s32 $0xFFFFF086  }
0x25: {  	[simem:s6], [sflag:s4] =	dma.local [hbm:s3], $0xF7A  }
0x26: {  	[smem:$0x3F94] =	sst s1;
	(tag) =	ssettag s2;
	_ =	strace s9  }
0x27: {  	s1 =	sld [smem:$0x3FA4]  }
0x28: {  	s2 =	sld [smem:$0x3FA5]  }
0x29: {  	s4 =	sld [smem:$0x3FA7]  }
0x2a: {  	p0 =	seq.s32 s5, $0x0;
	s5 =	sld [smem:$0x3FA8]  }
0x2b: {  	s6 =	sld [smem:$0x3FA9]  }
0x2c: {  	s7 =	sld [smem:$0x3FAA]  }
0x2d: {  	s3 =	simm.s32 $0x108;
	s8 =	sld [smem:$0x3FAB]  }
0x2e: {  	s3 =	simm.s32 @!p0 $0x1082;
	s9 =	sld [smem:$0x3FAC]  }
0x2f: {  	lr =	sadd.s32 s0, s3;
	s0 =	sld [smem:$0x3FA3]  }
0x30: {  	s3 =	sld [smem:$0x3FA6]  }
0x31: {  	[smem:$0x3FAF] =	sst s10  }
0x32: {  	s10 =	sld [smem:$0x3FAD];
	_ =	sdelay $0x3  }
0x33: {  	p0 =	seq.s32 s10, $0x1;
	s10 =	sld [smem:$0x3FAF];
	_ =	sdelay $0x3  }
0x34: {  	[smem:$0x3FAF] =	sst s10  }
0x35: {  	s10 =	sld [smem:$0x3FAE];
	_ =	sdelay $0x3  }
0x36: {  	p1 =	seq.s32 s10, $0x1;
	s10 =	sld [smem:$0x3FAF];
	_ =	sdelay $0x3  }
0x37: {  	[smem:$0x3FAF] =	sst s10  }
0x38: {  	s10 =	sld [smem:$0x3FB0]  }
0x39: {  	_ = 	snop;
	(pc) =	sbr.ind lr, $3  }
0x3a: {  	_ = 	snop  }
0x3b: {  	_ = 	snop  }
0x3c: {  	p2 =	seq.s32 s10, $0x1;
	s10 =	sld [smem:$0x3FAF]  }
0x3d: {  	_ =	shalt  }
0x3e: {  	_ =	shalt  }
0x3f: {  	_ =	shalt  }
0x40: {  	_ =	shalt  }
0x41: {  	_ =	shalt  }
0x42: {  	_ =	shalt  }
0x43: {  	_ =	shalt  }
0x44: {  	_ =	shalt  }
0x45: {  	_ =	shalt  }
0x46: {  	_ =	shalt  }
0x47: {  	_ =	shalt  }
0x48: {  	_ =	shalt  }
0x49: {  	_ =	shalt  }
0x4a: {  	_ =	shalt  }
0x4b: {  	_ =	shalt  }
0x4c: {  	_ =	shalt  }
0x4d: {  	_ =	shalt  }
0x4e: {  	_ =	shalt  }
0x4f: {  	_ =	shalt  }
0x50: {  	_ =	shalt  }
0x51: {  	_ =	shalt  }
0x52: {  	_ =	shalt  }
0x53: {  	_ =	shalt  }
0x54: {  	_ =	shalt  }
0x55: {  	_ =	shalt  }
0x56: {  	_ =	shalt  }
0x57: {  	_ =	shalt  }
0x58: {  	_ =	shalt  }
0x59: {  	_ =	shalt  }
0x5a: {  	_ =	shalt  }
0x5b: {  	_ =	shalt  }
0x5c: {  	_ =	shalt  }
0x5d: {  	_ =	shalt  }
0x5e: {  	_ =	shalt  }
0x5f: {  	_ =	shalt  }
0x60: {  	_ =	shalt  }
0x61: {  	_ =	shalt  }
0x62: {  	_ =	shalt  }
0x63: {  	_ =	shalt  }
0x64: {  	_ =	shalt  }
0x65: {  	_ =	shalt  }
0x66: {  	_ =	shalt  }
0x67: {  	_ =	shalt  }
0x68: {  	_ =	shalt  }
0x69: {  	_ =	shalt  }
0x6a: {  	_ =	shalt  }
0x6b: {  	_ =	shalt  }
0x6c: {  	_ =	shalt  }
0x6d: {  	_ =	shalt  }
0x6e: {  	_ =	shalt  }
0x6f: {  	_ =	shalt  }
0x70: {  	_ =	shalt  }
0x71: {  	_ =	shalt  }
0x72: {  	_ =	shalt  }
0x73: {  	_ =	shalt  }
0x74: {  	_ =	shalt  }
0x75: {  	_ =	shalt  }
0x76: {  	_ =	shalt  }
0x77: {  	_ =	shalt  }
0x78: {  	_ =	shalt  }
0x79: {  	_ =	shalt  }
0x7a: {  	_ =	shalt  }
0x7b: {  	_ =	shalt  }
0x7c: {  	_ =	shalt  }
0x7d: {  	_ =	shalt  }
0x7e: {  	_ =	shalt  }
0x7f: {  	_ =	shalt  }
0x80: {  	_ =	shalt  }
0x81: {  	_ =	shalt  }
0x82: {  	_ =	shalt  }
0x83: {  	_ =	shalt  }
0x84: {  	_ =	shalt  }
0x85: {  	_ =	shalt  }
0x86: {  	_ =	shalt  }
0x87: {  	_ =	shalt  }
.Lfunc_end0:
.L_simem_size_0:
called_computation.2_lowered:
.L_overlay_start_0:
0x88: {  	s2 =	sld [smem:$0x3FD9]  }
0x89: {  	s3 =	sld [smem:$0x3FFE];
	_ =	sdelay $0x1  }
0x8a: {  	s1 =	srdreg.scid  }
0x8b: {  	s0 =	sand.u32 $0x1, s1  }
0x8c: {  	s16 =	sshll.u32 s0, $0xA;
	s2 =	sadd.s32 s3, s2  }
0x8d: {  	s2 =	sadd.s32 s2, s16  }
0x8e: {  	[smem:$0x3FBB] =	sst s2  }
0x8f: {  	_ = 	snop  }
0x90: {  	(tm) =	ssettm $0x1  }
0x91: {  	s17 =	sld [smem:$0x3FFB];
	_ =	sdelay $0x3  }
0x92: {  	_ =	strace s17  }
0x93: {  	s2 =	sld [smem:$0x3FFC];
	_ =	sdelay $0x3  }
0x94: {  	_ =	strace s2  }
0x95: {  	s2 =	sld [smem:$0x3FFD];
	_ =	sdelay $0x3  }
0x96: {  	_ =	strace s2  }
0x97: {  	_ =	strace $0x8FFFFFFF  }
0x98: {  	s18 =	sld [smem:$0x3FDB];
	_ =	sdelay $0x1  }
0x99: {  	s19 =	simm.s32 $_scs_section_size  }
0x9a: {  	s4 =	simm.s32 $_size__tile_overlayer_lowered;
	s5 =	simm.s32 $_tile_overlayer_lowered  }
0x9b: {  	s22 =	simm.s32 $0x1BFF;
	s21 =	sshll.u32 s5, $0x1;
	s2 =	sadd.s32 s19, s18  }
0x9c: {  	s6 =	simm.s32 $0x0;
	s20 =	sshll.u32 s4, $0x1;
	s4 =	sadd.s32 s21, s2  }
0x9d: {  	[timem:s6], [sflag:s22] =	dma.local [hbm:s4], s20  }
0x9e: {  	_ =	swait.ge [sflag:s22], s20  }
0x9f: {  	s3 =	ssub.s32 $0x0, s20;
	[sflag:s22] =	ssyncset.done $0x0  }
0xa0: {  	[sflag:s22] =	ssyncadd.s32 s3;
	_ =	sdelay $0x1  }
0xa1: {  	s23 =	simm.s32 $0x1B8B  }
0xa2: {  	_ =	swait.ge [sflag:s23], $0x1  }
0xa3: {  	[sflag:s23] =	ssyncset.done $0x0  }
0xa4: {  	s25 =	simm.s32 $0x1B8E;
	s24 =	sld [smem:$0x3FFE];
	[sflag:s23] =	ssyncadd.s32 $0xFFFFFFFF  }
0xa5: {  	s26 =	simm.s32 $execute0_lowered;
	[smem:$0x3FD2] =	sst s25  }
0xa6: {  	s4 =	sshll.u32 s26, $0x1;
	_ =	strace $0x80000049;
	[dreg:$0x1] =	wrdreg $0xFFFFFFFF  }
0xa7: {  	s28 =	simm.s32 $_size_execute0_lowered;
	s2 =	sadd.s32 s2, s4;
	[dreg:$0x0] =	wrdreg $0x0  }
0xa8: {  	s4 =	sshll.u32 s28, $0x1;
	[dreg:$0x2] =	wrdreg s2  }
0xa9: {  	[dreg:$0x3] =	wrdreg s4  }
0xaa: {  	[dreg:$0x4] =	wrdreg $0xC0  }
0xab: {  	_ =	task [dreg:s6], $0x5FFFF  }
0xac: {  	[dreg:$0x1] =	wrdreg $0xFFFFFFFF  }
0xad: {  	[dreg:$0x0] =	wrdreg $0x60  }
0xae: {  	[dreg:$0x2] =	wrdreg s24  }
0xaf: {  	[dreg:$0x3] =	wrdreg $0x9  }
0xb0: {  	_ =	task.clear_ibuf [dreg:s6], $0x4FFFF;
	_ =	strace $0x90000049  }
0xb1: {  	s29 =	simm.s32 $0x9;
	_ =	strace $0x8000004B  }
0xb2: {  	_ =	swait.ge [sflag:s29], $0x1  }
0xb3: {  	[sflag:s29] =	ssyncadd.s32 $0xFFFFFFFF  }
0xb4: {  	_ =	strace $0x9000004B  }
0xb5: {  	_ =	sfence  }
0xb6: {  	s30 =	sld [smem:$0x0];
	_ =	sdelay $0x2  }
0xb7: {  	s31 =	sshll.u32 s1, $0xD;
	s1 =	sshrl.u32 s1, $0x2  }
0xb8: {  	s3 =	sand.u32 $0x4000, s31;
	s1 =	sadd.s32 s1, s30  }
0xb9: {  	s0 =	sor.u32 s3, s0;
	s1 =	sshll.u32 s1, $0x11  }
0xba: {  	s0 =	sor.u32 s1, s0  }
0xbb: {  	s0 =	sadd.s32 $0x8F2B, s0  }
0xbc: {  	[sflag:s0] =	ssyncadd.remote.s32 $0x1  }
0xbd: {  	_ =	sfence.sel $0xFFFF  }
0xbe: {  	[dreg:$0x0] =	wrdreg $0xFFFFFFFF;
	(pc) =	sbr.abs _section_cstart, $3  }
0xbf: {  	[dreg:$0x1] =	wrdreg $0xFFFFFFFF  }
0xc0: {  	_ =	task.clear_ibuf [dreg:s6], $0x2FFFF;
	_ =	strace $0x9FFFFFFF  }
0xc1: {  	(tm) =	ssettm $0x7FFFFFFF  }
tec
execute0_lowered:
.L_overlay_start_1:
0x0: {  	(tag) =	ssettag $0x1  }
0x1: {  	s0 =	srdreg.scid;
	s1 =	stileid.u32  }
0x2: {  	s3 =	rddreg [dreg:$0x0];
	s2 =	simm.s32 $0x0;
	s14 =	simm.s32 $0x1  }
0x3: {  	s15 =	simm.s32 $0x11000;
	s16 =	simm.s32 $0x3;
	s17 =	simm.s32 $0x15000  }
0x4: {  	s18 =	simm.s32 $0x2;
	s0 =	sand.u32 $0x1, s0;
	s1 =	sshll.u32 s1, $0x1  }
0x5: {  	[smem:$0x7FF] =	sst s2;
	s10 =	sadd.s32 $0x201000, s3;
	s1 =	sor.u32 s0, s1  }
0x6: {  	s5 =	sadd.s32 $0x401000, s3;
	_ =	strace $0x8000004A;
	s4 =	sshll.u32 s1, $0x7  }
0x7: {  	s0 =	ssub.s32 $0x2, s0;
	s9 =	smov.u32 s10;
	s4 =	smax.u32 s4, $0x48  }
0x8: {  	s28 =	sshrl.u32 s0, $0x1;
	s31 =	sshll.u32 s1, $0xB;
	s6 =	smin.u32 s4, $0xF38  }
0x9: {  	s11 =	sshll.u32 s1, $0xE;
	s0 =	ssub.s32 s0, s28;
	s7 =	sshll.u32 s6, $0x7  }
0xa: {  	[dreg:$0x4] =	wrdreg s31;
	s4 =	sadd.s32 $0x1000, s3;
	s7 =	sadd.s32 $0xFFFFDC00, s7  }
0xb: {  	s0 =	smax.u32 s0, $0x1;
	s8 =	sshll.u32 s6, $0x4;
	s29 =	sshrl.u32 s7, $0x3  }
0xc: {  	[dreg:$0x5] =	wrdreg s0;
	s7 =	sadd.s32 $0xFFFFFFB8, s6;
	s3 =	sadd.s32 s10, s29  }
0xd: {  	s30 =	sadd.s32 s8, s10;
	s6 =	sshll.u32 s7, $0x7;
	[dreg:$0x2] =	wrdreg s3  }
0xe: {  	vm0 =	vmmov $0x1;
	s1 =	simm.s32 $0x0;
	s10 =	sadd.s32 $0x1FB80, s30;
	[dreg:$0x3] =	wrdreg s6  }
.LBB2_1:
0xf: {  	[dreg:$0x6] =	wrdreg s1  }
0x10: {  	s0 =	rddreg [dreg:$0x2];
	s20 =	simm.s32 $0x0  }
0x11: {  	[tilespmem:s2], [sflag:$0x1] =	stream.linear.gather [hbm4b:s0+s2], $0x8800, $0x38;
	[tilespmem:$0x19000] =	vst v63  }
.LBB2_2:
0x12: {  	s0 =	sshll.u32 s20, $0x14  }
0x13: {  	s29 =	rddreg [dreg:$0x3];
	s21 =	sor.u32 $0x80000, s0  }
0x14: {  	s0 =	sadd.s32 s29, s21  }
0x15: {  	s0 =	sshrl.u32 s0, $0x3  }
0x16: {  	s1 =	simm.s32 $0x0;
	s3 =	simm.s32 $0x8800;
	s0 =	sadd.s32 s9, s0  }
0x17: {  	[tilespmem:s3], [sflag:$0x2] =	stream.linear.gather [hbm4b:s0+s1], $0x8800, $0x38;
	[tilespmem:$0x19000] =	vst v63  }
0x18: {  	_ =	swait.ge [sflag:s14], $0x8800  }
0x19: {  	s22 =	sshll.u32 s20, $0x11;
	s30 =	simm.s32 $0x0;
	s31 =	rddreg [dreg:$0x4]  }
0x1a: {  	v1 =	vmov s30;
	[sflag:s14] =	ssyncset.done $0x0;
	s23 =	sor.u32 s31, s22  }
0x1b: {  	v0 =	vor.u32 $0x1F, v1;
	[sflag:s14] =	ssyncadd.s32 $0xFFFF7800;
	s6 =	sadd.s32 s4, s23  }
0x1c: {  	[tilespmem:s15], [sflag:$0x3] =	stream.linear.gather [hbm4b:s6+s1], $0x4000, $0x38;
	[tilespmem:$0x19000] =	vst v63  }
0x1d: {  	_ =	swait.ge [sflag:s16], $0x4000  }
0x1e: {  	[sflag:s16] =	ssyncset.done $0x0  }
0x1f: {  	[sflag:s16] =	ssyncadd.s32 $0xFFFFC000  }
0x20: {  	v0 =	vld.idx.msk [tilespmem:v0+s15+$0x0], $0xffff;
	_ =	sdelay $0x4  }
0x21: {  	v0 =	vnsel vm0, $0x0, v0  }
0x22: {  	(xrf0) =	vadd.scan.msk.s32 $0xffff, v0;
	_ =	sdelay $0x4  }
0x23: {  	v5 =	vor.u32 $0xE, v1  }
0x24: {  	v2 =	vor.u32 $0x10, v1;
	v0, _, _ =	vpop (xrf0)  }
0x25: {  	v4 =	vor.u32 $0xF, v1;
	(v2sf) =	vpush v0, $0xF  }
0x26: {  	v6 =	vor.u32 $0xD, v1  }
0x27: {  	v7 =	vor.u32 $0xC, v1  }
0x28: {  	v28 =	vld.idx.msk [tilespmem:v5+s15+$0x0], $0xffff;
	v5 =	vor.u32 $0x8, v1  }
0x29: {  	v8 =	vor.u32 $0xB, v1;
	v42 =	vld.idx.msk [tilespmem:v2+s15+$0x0], $0xffff  }
0x2a: {  	v9 =	vor.u32 $0x9, v1;
	v41 =	vld.idx.msk [tilespmem:v4+s15+$0x0], $0xffff  }
0x2b: {  	v10 =	vor.u32 $0x5, v1;
	v27 =	vld.idx.msk [tilespmem:v6+s15+$0x0], $0xffff  }
0x2c: {  	v2 =	vor.u32 $0xA, v1;
	v39 =	vld.idx.msk [tilespmem:v7+s15+$0x0], $0xffff  }
0x2d: {  	v33 =	vld.idx.msk [tilespmem:v5+s15+$0x0], $0xffff;
	v5 =	vor.u32 $0x2, v1  }
0x2e: {  	v6 =	vor.u32 $0x7, v1;
	v25 =	vld.idx.msk [tilespmem:v8+s15+$0x0], $0xffff  }
0x2f: {  	v21 =	vld.idx.msk [tilespmem:v9+s15+$0x0], $0xffff  }
0x30: {  	v7 =	vor.u32 $0x6, v1;
	v35 =	vld.idx.msk [tilespmem:v10+s15+$0x0], $0xffff  }
0x31: {  	s8 =	simm.s32 $0x80;
	v9 =	vor.u32 $0x3, v1;
	v30 =	vld.idx.msk [tilespmem:v2+s15+$0x0], $0xffff  }
0x32: {  	v8 =	vmov s8;
	v2 =	vor.u32 $0x4, v1;
	v3 =	vld.idx.msk [tilespmem:v5+s15+$0x0], $0xffff  }
0x33: {  	v40 =	vld.idx.msk [tilespmem:v6+s15+$0x0], $0xffff;
	v6 =	vor.u32 $0x1F, v8  }
0x34: {  	v0 =	vld.idx.msk [tilespmem:v1+s15+$0x0], $0xffff;
	v1 =	vor.u32 $0x1, v1;
	s12 =	spop (v2sf)  }
0x35: {  	v38 =	vld.idx.msk [tilespmem:v7+s15+$0x0], $0xffff;
	s24 =	ssub.s32 s12, s7  }
0x36: {  	v43 =	vld.idx.msk [tilespmem:v9+s15+$0x0], $0xffff;
	p0 =	sgt.s32 s24, $0x0;
	s0 =	smov.u32 s24  }
0x37: {  	v34 =	vld.idx.msk [tilespmem:v2+s15+$0x0], $0xffff;
	[tilespmem:$0x1FFF0] =	vst v3;
	s0 =	simm.s32 @!p0 $0x0  }
0x38: {  	v26 =	vld.idx.msk [tilespmem:v6+s15+$0x0], $0xffff;
	s1 =	sadd.s32 $0x10, s24;
	s0 =	smin.u32 s0, $0x10F  }
0x39: {  	v12 =	vld.idx.msk [tilespmem:v1+s15+$0x0], $0xffff;
	p0 =	sgt.s32 s1, $0x0;
	s0 =	sshll.u32 s0, $0x7  }
0x3a: {  	s1 =	simm.s32 @!p0 $0x0;
	v1 =	vld [tilespmem:s0+$0x0]  }
0x3b: {  	s1 =	smin.u32 s1, $0x10F;
	v2 =	vld [tilespmem:s0+$0x10]  }
0x3c: {  	v5 =	vld [tilespmem:s0+$0x20];
	s1 =	sshll.u32 s1, $0x7  }
0x3d: {  	v4 =	vld [tilespmem:s1+$0x30]  }
0x3e: {  	v6 =	vld [tilespmem:s0+$0x30];
	s0 =	sadd.s32 $0xF, s24  }
0x3f: {  	p0 =	sgt.s32 s0, $0x0  }
0x40: {  	v7 =	vld [tilespmem:s1+$0x0];
	s0 =	simm.s32 @!p0 $0x0  }
0x41: {  	v9 =	vld [tilespmem:s1+$0x10];
	s0 =	smin.u32 s0, $0x10F  }
0x42: {  	s3 =	sadd.s32 $0xE, s24;
	v10 =	vld [tilespmem:s1+$0x20];
	s0 =	sshll.u32 s0, $0x7;
	[tilespmem:$0x1FFE0] =	vst v4  }
0x43: {  	p0 =	sgt.s32 s3, $0x0;
	v11 =	vld [tilespmem:s0+$0x0]  }
0x44: {  	s3 =	simm.s32 @!p0 $0x0;
	v13 =	vld [tilespmem:s0+$0x10]  }
0x45: {  	s13 =	smin.u32 s3, $0x10F;
	v14 =	vld [tilespmem:s0+$0x20]  }
0x46: {  	s3 =	sadd.s32 $0xD, s24;
	s1 =	sshll.u32 s13, $0x7;
	v32 =	vld [tilespmem:s0+$0x30]  }
0x47: {  	p0 =	sgt.s32 s3, $0x0;
	v15 =	vld [tilespmem:s1+$0x0]  }
0x48: {  	s3 =	simm.s32 @!p0 $0x0;
	v16 =	vld [tilespmem:s1+$0x10]  }
0x49: {  	s19 =	smin.u32 s3, $0x10F;
	v17 =	vld [tilespmem:s1+$0x20]  }
0x4a: {  	s3 =	sadd.s32 $0xC, s24;
	v45 =	vld [tilespmem:s1+$0x30];
	s0 =	sshll.u32 s19, $0x7  }
0x4b: {  	p0 =	sgt.s32 s3, $0x0;
	v18 =	vld [tilespmem:s0+$0x0]  }
0x4c: {  	s3 =	simm.s32 @!p0 $0x0;
	v19 =	vld [tilespmem:s0+$0x10]  }
0x4d: {  	v20 =	vld [tilespmem:s0+$0x20];
	s25 =	smin.u32 s3, $0x10F  }
0x4e: {  	v47 =	vld [tilespmem:s0+$0x30];
	s3 =	sadd.s32 $0xB, s24;
	s1 =	sshll.u32 s25, $0x7  }
0x4f: {  	p0 =	sgt.s32 s3, $0x0;
	v22 =	vld [tilespmem:s1+$0x0]  }
0x50: {  	s3 =	simm.s32 @!p0 $0x0;
	v23 =	vld [tilespmem:s1+$0x10]  }
0x51: {  	s6 =	sadd.s32 $0xA, s24;
	v24 =	vld [tilespmem:s1+$0x20];
	s26 =	smin.u32 s3, $0x10F  }
0x52: {  	s13 =	sadd.s32 $0x3, s24;
	v44 =	vld [tilespmem:s1+$0x30];
	s1 =	sadd.s32 $0x2, s24;
	s12 =	sshll.u32 s26, $0x7  }
0x53: {  	s19 =	sadd.s32 $0x9, s24;
	s3 =	sadd.s32 $0x1, s24;
	p1 =	sgt.s32 s1, $0x0;
	v29 =	vld [tilespmem:s12+$0x0]  }
0x54: {  	p0 =	sgt.s32 s3, $0x0;
	s1 =	simm.s32 @!p1 $0x0;
	s26 =	sadd.s32 $0x6, s24;
	v31 =	vld [tilespmem:s12+$0x10]  }
0x55: {  	s3 =	simm.s32 @!p0 $0x0;
	p0 =	sgt.s32 s6, $0x0;
	v36 =	vld [tilespmem:s12+$0x20];
	s1 =	smin.u32 s1, $0x10F  }
0x56: {  	v37 =	vld [tilespmem:s12+$0x30];
	s28 =	smin.u32 s3, $0x10F;
	s6 =	simm.s32 @!p0 $0x0;
	s1 =	sshll.u32 s1, $0x7  }
0x57: {  	s12 =	sadd.s32 $0x5, s24;
	s0 =	sshll.u32 s28, $0x7;
	s29 =	smin.u32 s6, $0x10F;
	v49 =	vld [tilespmem:s1+$0x30]  }
0x58: {  	p1 =	sgt.s32 s26, $0x0;
	p0 =	sgt.s32 s13, $0x0;
	v46 =	vld [tilespmem:s0+$0x30];
	s3 =	sshll.u32 s29, $0x7  }
0x59: {  	s26 =	simm.s32 @!p1 $0x0;
	s13 =	simm.s32 @!p0 $0x0;
	s6 =	sadd.s32 $0x4, s24;
	v48 =	vld [tilespmem:s3+$0x0]  }
0x5a: {  	s31 =	smin.u32 s26, $0x10F;
	s30 =	smin.u32 s13, $0x10F;
	p0 =	sgt.s32 s6, $0x0;
	v50 =	vld [tilespmem:s3+$0x10]  }
0x5b: {  	s13 =	sadd.s32 $0x7, s24;
	s24 =	sadd.s32 $0x8, s24;
	s25 =	sshll.u32 s30, $0x7;
	v52 =	vld [tilespmem:s3+$0x20]  }
0x5c: {  	s6 =	simm.s32 @!p0 $0x0;
	p0 =	sgt.s32 s12, $0x0;
	v54 =	vld [tilespmem:s3+$0x30];
	s3 =	sshll.u32 s31, $0x7  }
0x5d: {  	v51 =	vld [tilespmem:s25+$0x30];
	s6 =	smin.u32 s6, $0x10F;
	s12 =	simm.s32 @!p0 $0x0;
	p0 =	sgt.s32 s19, $0x0  }
0x5e: {  	v6 =	vmul.f32 v6, v0;
	v58 =	vld [tilespmem:s3+$0x30];
	s6 =	sshll.u32 s6, $0x7;
	s12 =	smin.u32 s12, $0x10F;
	s19 =	simm.s32 @!p0 $0x0  }
0x5f: {  	v56 =	vmul.f32 v1, v0;
	v57 =	vmul.f32 v2, v0;
	p0 =	sgt.s32 s13, $0x0;
	v53 =	vld [tilespmem:s6+$0x30];
	s12 =	sshll.u32 s12, $0x7;
	s19 =	smin.u32 s19, $0x10F  }
0x60: {  	v59 =	vmul.f32 v5, v0;
	v6 =	vadd.f32 $0.0e+00, v6;
	s13 =	simm.s32 @!p0 $0x0;
	p0 =	sgt.s32 s24, $0x0;
	v46 =	vmul.f32 v46, v12;
	v55 =	vld [tilespmem:s12+$0x30];
	s19 =	sshll.u32 s19, $0x7  }
0x61: {  	v0 =	vmul.f32 v9, v42;
	v63 =	vmul.f32 v49, v3;
	s24 =	simm.s32 @!p0 $0x0;
	v49 =	vld [tilespmem:s19+$0x0]  }
0x62: {  	s24 =	smin.u32 s24, $0x10F;
	v6 =	vadd.f32 v46, v6;
	v46 =	vld [tilespmem:s19+$0x10]  }
0x63: {  	v2 =	vmul.f32 v7, v42;
	[tilespmem:$0x1FFD0] =	vst v0;
	s24 =	sshll.u32 s24, $0x7;
	v0 =	vld [tilespmem:$0x1FFE0]  }
0x64: {  	v1 =	vmul.f32 v10, v42;
	v60 =	vld [tilespmem:s24+$0x30];
	v5 =	vadd.f32 v63, v6;
	v6 =	vmul.f32 v51, v43  }
0x65: {  	v7 =	vmul.f32 v11, v41;
	v11 =	vmul.f32 v17, v28;
	s13 =	smin.u32 s13, $0x10F;
	v61 =	vld [tilespmem:s24+$0x0]  }
0x66: {  	s13 =	sshll.u32 s13, $0x7;
	v17 =	vmul.f32 v58, v38;
	v58 =	vld [tilespmem:s24+$0x10];
	v10 =	vmul.f32 v53, v34;
	v9 =	vadd.f32 v6, v5  }
0x67: {  	v51 =	vld [tilespmem:s13+$0x30];
	v6 =	vmul.f32 v13, v41;
	v5 =	vmul.f32 v14, v41  }
0x68: {  	v62 =	vld [tilespmem:s24+$0x20];
	v14 =	vmul.f32 v55, v35;
	v42 =	vmul.f32 v0, v42;
	v13 =	vadd.f32 v10, v9  }
0x69: {  	v4 =	vld [tilespmem:s3+$0x0];
	v10 =	vmul.f32 v15, v28;
	v9 =	vmul.f32 v16, v28  }
0x6a: {  	v55 =	vld [tilespmem:s19+$0x30];
	v15 =	vmul.f32 v20, v27;
	v16 =	vadd.f32 v14, v13;
	v14 =	vmul.f32 v18, v27  }
0x6b: {  	v18 =	vmul.f32 v24, v39;
	v24 =	vmul.f32 v60, v33;
	v60 =	vld [tilespmem:s13+$0x20]  }
0x6c: {  	v3 =	vld [tilespmem:s12+$0x10];
	v20 =	vmul.f32 v51, v40;
	v13 =	vmul.f32 v19, v27;
	v19 =	vadd.f32 v17, v16  }
0x6d: {  	v53 =	vld [tilespmem:s19+$0x20];
	v17 =	vmul.f32 v22, v39;
	v16 =	vmul.f32 v23, v39  }
0x6e: {  	v63 =	vld [tilespmem:s13+$0x10];
	v22 =	vmul.f32 v48, v30;
	v39 =	vmul.f32 v44, v39;
	v23 =	vadd.f32 v20, v19  }
0x6f: {  	v0 =	vld [tilespmem:$0x1FFF0];
	v20 =	vmul.f32 v29, v25;
	v19 =	vmul.f32 v31, v25  }
0x70: {  	v51 =	vld [tilespmem:s13+$0x0];
	v31 =	vmul.f32 v55, v21;
	v44 =	vmul.f32 v60, v40;
	v29 =	vadd.f32 v24, v23  }
0x71: {  	v55 =	vld [tilespmem:s3+$0x10];
	v60 =	vmul.f32 v47, v27;
	v23 =	vmul.f32 v50, v30  }
0x72: {  	v47 =	vld [tilespmem:s25+$0x0];
	v48 =	vadd.f32 v31, v29;
	v29 =	vmul.f32 v49, v21;
	v49 =	vmul.f32 v54, v30  }
0x73: {  	v24 =	vmul.f32 v52, v30;
	v50 =	vld [tilespmem:s3+$0x20];
	v30 =	vmul.f32 v46, v21  }
0x74: {  	v52 =	vld [tilespmem:s12+$0x0];
	v31 =	vmul.f32 v53, v21;
	v54 =	vmul.f32 v37, v25;
	v53 =	vadd.f32 v49, v48  }
0x75: {  	v21 =	vmul.f32 v36, v25;
	v25 =	vadd.f32 $0.0e+00, v56;
	v37 =	vmul.f32 v61, v33;
	v61 =	vld [tilespmem:s6+$0x0]  }
0x76: {  	v36 =	vmul.f32 v58, v33;
	v33 =	vmul.f32 v62, v33;
	v62 =	vld [tilespmem:s6+$0x10];
	v56 =	vadd.f32 v54, v53  }
0x77: {  	v46 =	vmul.f32 v63, v40;
	v58 =	vnsel vm0, $0x0, v26;
	v63 =	vld [tilespmem:s6+$0x20]  }
0x78: {  	v26 =	vld [tilespmem:s25+$0x10];
	(xrf0) =	vadd.scan.msk.s32 $0xffff, v58;
	v39 =	vadd.f32 v39, v56  }
0x79: {  	v32 =	vmul.f32 v32, v41;
	v41 =	vor.u32 $0xE, v8;
	v58 =	vmul.f32 v3, v35;
	v49 =	vld [tilespmem:s12+$0x20]  }
0x7a: {  	v48 =	vmul.f32 v51, v40;
	v40 =	vld [tilespmem:s1+$0x10];
	v39 =	vadd.f32 v60, v39;
	v60 =	vmul.f32 v45, v28  }
0x7b: {  	v27 =	vadd.f32 $0.0e+00, v57;
	v3 =	vld [tilespmem:s1+$0x0];
	v57 =	vmul.f32 v52, v35;
	v51 =	vmul.f32 v50, v38  }
0x7c: {  	v50 =	vld [tilespmem:s1+$0x20];
	v54 =	vmul.f32 v4, v38;
	v28 =	vadd.f32 $0.0e+00, v59;
	v59 =	vadd.f32 v60, v39  }
0x7d: {  	v53 =	vmul.f32 v55, v38;
	v4 =	vor.u32 $0xF, v8;
	v55 =	vmul.f32 v62, v34;
	v45 =	vld [tilespmem:s25+$0x20]  }
0x7e: {  	v56 =	vmul.f32 v49, v35;
	v49 =	vor.u32 $0x10, v8;
	v52, _, _ =	vpop (xrf0);
	v38 =	vadd.f32 v32, v59;
	v32 =	vld [tilespmem:s0+$0x0]  }
0x7f: {  	v62 =	vmul.f32 v26, v43;
	v26 =	vld.idx.msk [tilespmem:v8+s15+$0x0], $0xffff;
	v40 =	vmul.f32 v40, v0;
	(v2sf) =	vpush v52, $0xF  }
0x80: {  	v35 =	vld [tilespmem:s0+$0x10];
	v60 =	vmul.f32 v61, v34;
	v61 =	vmul.f32 v47, v43;
	v47 =	vor.u32 $0xA, v8  }
0x81: {  	v39 =	vld [tilespmem:s0+$0x20];
	v59 =	vmul.f32 v63, v34;
	v63 =	vmul.f32 v50, v0;
	v34 =	vadd.f32 v42, v38  }
0x82: {  	s24 =	simm.s32 $0x15020;
	v4 =	vld.idx.msk [tilespmem:v4+s15+$0x0], $0xffff;
	v52 =	vmul.f32 v45, v43;
	v43 =	vor.u32 $0xC, v8;
	v45 =	vor.u32 $0xB, v8  }
0x83: {  	s25 =	simm.s32 $0x2;
	v42 =	vor.u32 $0xD, v8;
	v38 =	vmul.f32 v3, v0;
	v3 =	vld.idx.msk [tilespmem:v49+s15+$0x0], $0xffff;
	[tilespmem:s24+$0x10] =	vst v34;
	v34 =	vmul.f32 v32, v12  }
.LBB2_3:
0x84: {  	_ =	sdelay $0x1  }
0x85: {  	v49 =	vor.u32 $0x9, v8;
	v50 =	vmul.f32 v35, v12;
	v12 =	vmul.f32 v39, v12  }
0x86: {  	v32 =	vld.idx.msk [tilespmem:v41+s15+$0x0], $0xffff;
	v0 =	vor.u32 $0x8, v8;
	v25 =	vadd.f32 v34, v25  }
0x87: {  	v35 =	vld.idx.msk [tilespmem:v42+s15+$0x0], $0xffff;
	v27 =	vadd.f32 v50, v27;
	v12 =	vadd.f32 v12, v28  }
0x88: {  	v41 =	vor.u32 $0x6, v8;
	v39 =	vld.idx.msk [tilespmem:v43+s15+$0x0], $0xffff;
	v25 =	vadd.f32 v38, v25  }
0x89: {  	v34 =	vor.u32 $0x7, v8;
	v42 =	vld.idx.msk [tilespmem:v45+s15+$0x0], $0xffff;
	v27 =	vadd.f32 v40, v27;
	v12 =	vadd.f32 v63, v12  }
0x8a: {  	v28 =	vor.u32 $0x5, v8;
	v50 =	vld.idx.msk [tilespmem:v49+s15+$0x0], $0xffff;
	v25 =	vadd.f32 v61, v25  }
0x8b: {  	v38 =	vor.u32 $0x4, v8;
	v49 =	vld.idx.msk [tilespmem:v0+s15+$0x0], $0xffff;
	v0 =	vadd.f32 v62, v27;
	v12 =	vadd.f32 v52, v12  }
0x8c: {  	v45 =	vld.idx.msk [tilespmem:v47+s15+$0x0], $0xffff;
	v25 =	vadd.f32 v60, v25;
	v27 =	vor.u32 $0x2, v8  }
0x8d: {  	v61 =	vor.u32 $0x3, v8;
	v43 =	vld.idx.msk [tilespmem:v41+s15+$0x0], $0xffff;
	v0 =	vadd.f32 v55, v0;
	v12 =	vadd.f32 v59, v12  }
0x8e: {  	v47 =	vld.idx.msk [tilespmem:v34+s15+$0x0], $0xffff;
	v60 =	vor.u32 $0x1, v8;
	v25 =	vadd.f32 v57, v25;
	s8 =	spop (v2sf)  }
0x8f: {  	s0 =	sshll.u32 s25, $0x7;
	v41 =	vld.idx.msk [tilespmem:v28+s15+$0x0], $0xffff;
	v0 =	vadd.f32 v58, v0;
	v28 =	vadd.f32 v56, v12;
	s26 =	ssub.s32 s8, s7  }
0x90: {  	v40 =	vld.idx.msk [tilespmem:v38+s15+$0x0], $0xffff;
	v8 =	vmov s0;
	v25 =	vadd.f32 v54, v25;
	p1 =	sgt.s32 s26, $0x0;
	s0 =	smov.u32 s26  }
0x91: {  	v34 =	vld.idx.msk [tilespmem:v27+s15+$0x0], $0xffff;
	v0 =	vadd.f32 v53, v0;
	v27 =	vadd.f32 v51, v28;
	s0 =	simm.s32 @!p1 $0x0  }
0x92: {  	v38 =	vld.idx.msk [tilespmem:v61+s15+$0x0], $0xffff;
	v25 =	vadd.f32 v48, v25;
	s0 =	smin.u32 s0, $0x10F  }
0x93: {  	v62 =	vor.u32 $0x1F, v8;
	v12 =	vld.idx.msk [tilespmem:v60+s15+$0x0], $0xffff;
	v0 =	vadd.f32 v46, v0;
	v27 =	vadd.f32 v44, v27;
	s0 =	sshll.u32 s0, $0x7  }
0x94: {  	v25 =	vadd.f32 v37, v25;
	s1 =	sadd.s32 $0x10, s26;
	v28 =	vld [tilespmem:s0+$0x0]  }
0x95: {  	p1 =	sgt.s32 s1, $0x0;
	v0 =	vadd.f32 v36, v0;
	v27 =	vadd.f32 v33, v27;
	v63 =	vld [tilespmem:s0+$0x10]  }
0x96: {  	v25 =	vadd.f32 v29, v25;
	s1 =	simm.s32 @!p1 $0x0;
	v44 =	vld [tilespmem:s0+$0x20]  }
0x97: {  	s1 =	smin.u32 s1, $0x10F;
	v29 =	vld [tilespmem:s0+$0x30];
	s0 =	sadd.s32 $0xF, s26;
	v0 =	vadd.f32 v30, v0;
	v27 =	vadd.f32 v31, v27  }
0x98: {  	v51 =	vld.idx.msk [tilespmem:v62+s15+$0x0], $0xffff;
	v22 =	vadd.f32 v22, v25;
	s1 =	sshll.u32 s1, $0x7;
	p1 =	sgt.s32 s0, $0x0  }
0x99: {  	v30 =	vld [tilespmem:s1+$0x0];
	s0 =	simm.s32 @!p1 $0x0;
	v0 =	vadd.f32 v23, v0;
	v24 =	vadd.f32 v24, v27  }
0x9a: {  	v31 =	vld [tilespmem:s1+$0x10];
	v20 =	vadd.f32 v20, v22;
	s0 =	smin.u32 s0, $0x10F  }
0x9b: {  	s3 =	sadd.s32 $0xE, s26;
	v46 =	vld [tilespmem:s1+$0x20];
	s0 =	sshll.u32 s0, $0x7;
	v0 =	vadd.f32 v19, v0;
	v21 =	vadd.f32 v21, v24  }
0x9c: {  	p1 =	sgt.s32 s3, $0x0;
	v17 =	vadd.f32 v17, v20;
	v20 =	vld [tilespmem:s0+$0x20]  }
0x9d: {  	v52 =	vld [tilespmem:s1+$0x30];
	s3 =	simm.s32 @!p1 $0x0;
	v0 =	vadd.f32 v16, v0;
	v16 =	vadd.f32 v18, v21  }
0x9e: {  	s12 =	smin.u32 s3, $0x10F;
	v19 =	vld [tilespmem:s0+$0x0]  }
0x9f: {  	s1 =	sshll.u32 s12, $0x7;
	v55 =	vld [tilespmem:s0+$0x30];
	v0 =	vadd.f32 v13, v0;
	v13 =	vadd.f32 v15, v16  }
0xa0: {  	v22 =	vmul.f32 v44, v26;
	v14 =	vadd.f32 v14, v17;
	v17 =	vld [tilespmem:s1+$0x0]  }
0xa1: {  	s3 =	sadd.s32 $0xD, s26;
	v56 =	vld [tilespmem:s1+$0x30];
	v0 =	vadd.f32 v9, v0;
	v9 =	vadd.f32 v11, v13;
	v11 =	vmul.f32 v20, v4  }
0xa2: {  	v25 =	vmul.f32 v28, v26;
	p1 =	sgt.s32 s3, $0x0;
	v28 =	vadd.f32 $0.0e+00, v22;
	v22 =	vld [tilespmem:s0+$0x10]  }
0xa3: {  	s3 =	simm.s32 @!p1 $0x0;
	v10 =	vadd.f32 v10, v14;
	v21 =	vadd.f32 v5, v9;
	v5 =	vmov v11;
	v11 =	vld [tilespmem:$0x1FFD0]  }
0xa4: {  	s13 =	smin.u32 s3, $0x10F;
	v15 =	vld [tilespmem:s1+$0x10]  }
0xa5: {  	v14 =	vld [tilespmem:s1+$0x20];
	s3 =	sadd.s32 $0xC, s26;
	s0 =	sshll.u32 s13, $0x7;
	v13 =	vadd.f32 v7, v10  }
0xa6: {  	p1 =	sgt.s32 s3, $0x0;
	v57 =	vld [tilespmem:s0+$0x30];
	v16 =	vmul.f32 v19, v4;
	v0 =	vadd.f32 v6, v0  }
0xa7: {  	s3 =	simm.s32 @!p1 $0x0;
	v10 =	vmul.f32 v17, v32;
	v17 =	vld [tilespmem:s0+$0x20];
	v19 =	vmul.f32 v22, v4;
	v13 =	vadd.f32 v2, v13  }
0xa8: {  	v24 =	vmul.f32 v31, v3;
	v18 =	vmul.f32 v46, v3;
	s19 =	smin.u32 s3, $0x10F;
	v7 =	vmovc v16;
	v16 =	vld [tilespmem:s0+$0x0];
	v0 =	vadd.f32 v11, v0  }
0xa9: {  	s3 =	sadd.s32 $0xB, s26;
	s1 =	sshll.u32 s19, $0x7;
	v6 =	vmov v19;
	v19 =	vld [tilespmem:s0+$0x10];
	v9 =	vmul.f32 v15, v32;
	v15 =	vadd.f32 v1, v21;
	[tilespmem:s24+$0xFFFFFFE0] =	vst v13  }
0xaa: {  	p1 =	sgt.s32 s3, $0x0;
	v1 =	vmov v18;
	v18 =	vld [tilespmem:s1+$0x0];
	[tilespmem:s24+$0xFFFFFFF0] =	vst v0  }
0xab: {  	v20 =	vmov v24;
	s3 =	simm.s32 @!p1 $0x0;
	v0 =	vld [tilespmem:s1+$0x10];
	[tilespmem:s24+$0x0] =	vst v15  }
0xac: {  	[tilespmem:$0x1FFD0] =	vst v20;
	s28 =	smin.u32 s3, $0x10F;
	s3 =	sadd.s32 $0x1, s26;
	v20 =	vld [tilespmem:s1+$0x20]  }
0xad: {  	s6 =	sadd.s32 $0xA, s26;
	v23 =	vmul.f32 v63, v26;
	s0 =	sshll.u32 s28, $0x7;
	p1 =	sgt.s32 s3, $0x0;
	v53 =	vld [tilespmem:s1+$0x30]  }
0xae: {  	s3 =	simm.s32 @!p1 $0x0;
	p1 =	sgt.s32 s6, $0x0;
	v13 =	vmul.f32 v19, v35;
	v19 =	vld [tilespmem:s0+$0x0]  }
0xaf: {  	s12 =	sadd.s32 $0x2, s26;
	v27 =	vadd.f32 $0.0e+00, v23;
	v23 =	vmul.f32 v30, v3;
	s3 =	smin.u32 s3, $0x10F;
	s6 =	simm.s32 @!p1 $0x0;
	v21 =	vld [tilespmem:s0+$0x10]  }
0xb0: {  	p2 =	sgt.s32 s12, $0x0;
	s28 =	sshll.u32 s3, $0x7;
	s29 =	smin.u32 s6, $0x10F;
	v22 =	vld [tilespmem:s0+$0x20]  }
0xb1: {  	s12 =	simm.s32 @!p2 $0x0;
	v2 =	vmov v23;
	s3 =	sshll.u32 s29, $0x7;
	s1 =	sadd.s32 $0x3, s26;
	v23 =	vld [tilespmem:s28+$0x30]  }
0xb2: {  	s30 =	smin.u32 s12, $0x10F;
	s13 =	sadd.s32 $0x7, s26;
	v11 =	vmul.f32 v14, v32;
	v24 =	vld [tilespmem:s3+$0x0];
	p1 =	sgt.s32 s1, $0x0  }
0xb3: {  	s6 =	sadd.s32 $0x4, s26;
	v14 =	vmul.f32 v16, v35;
	s1 =	simm.s32 @!p1 $0x0;
	v16 =	vmul.f32 v0, v39;
	v0 =	vld [tilespmem:s0+$0x30];
	s0 =	sshll.u32 s30, $0x7  }
0xb4: {  	s12 =	sadd.s32 $0x5, s26;
	p1 =	sgt.s32 s6, $0x0;
	s1 =	smin.u32 s1, $0x10F;
	v30 =	vld [tilespmem:s0+$0x30]  }
0xb5: {  	v26 =	vmul.f32 v29, v26;
	s19 =	sadd.s32 $0x9, s26;
	v15 =	vmul.f32 v17, v35;
	v29 =	vld [tilespmem:s3+$0x10];
	s6 =	simm.s32 @!p1 $0x0;
	s1 =	sshll.u32 s1, $0x7  }
0xb6: {  	s29 =	sadd.s32 $0x6, s26;
	v17 =	vmul.f32 v18, v39;
	p1 =	sgt.s32 s12, $0x0;
	s6 =	smin.u32 s6, $0x10F;
	v18 =	vmul.f32 v20, v39;
	v31 =	vld [tilespmem:s1+$0x30]  }
0xb7: {  	v26 =	vadd.f32 $0.0e+00, v26;
	p2 =	sgt.s32 s29, $0x0;
	v48 =	vld [tilespmem:s3+$0x20];
	s12 =	simm.s32 @!p1 $0x0;
	v20 =	vmul.f32 v19, v42;
	v23 =	vmul.f32 v23, v12;
	s6 =	sshll.u32 s6, $0x7  }
0xb8: {  	s29 =	simm.s32 @!p2 $0x0;
	p1 =	sgt.s32 s19, $0x0;
	v19 =	vmul.f32 v21, v42;
	v21 =	vmul.f32 v22, v42;
	s12 =	smin.u32 s12, $0x10F;
	v54 =	vld [tilespmem:s6+$0x30]  }
0xb9: {  	s31 =	smin.u32 s29, $0x10F;
	v44 =	vld [tilespmem:s3+$0x30];
	s19 =	simm.s32 @!p1 $0x0;
	v22 =	vmul.f32 v24, v45;
	s12 =	sshll.u32 s12, $0x7;
	v24 =	vadd.f32 v23, v26;
	v26 =	vmul.f32 v30, v34  }
0xba: {  	s3 =	sshll.u32 s31, $0x7;
	p1 =	sgt.s32 s13, $0x0;
	s19 =	smin.u32 s19, $0x10F;
	v30 =	vld [tilespmem:s12+$0x30]  }
0xbb: {  	s26 =	sadd.s32 $0x8, s26;
	v58 =	vld [tilespmem:s3+$0x30];
	s13 =	simm.s32 @!p1 $0x0;
	s19 =	sshll.u32 s19, $0x7;
	v23 =	vmul.f32 v29, v45;
	v29 =	vmul.f32 v31, v38;
	v26 =	vadd.f32 v26, v24  }
0xbc: {  	p1 =	sgt.s32 s26, $0x0;
	s13 =	smin.u32 s13, $0x10F;
	v31 =	vld [tilespmem:s19+$0x0]  }
0xbd: {  	s26 =	simm.s32 @!p1 $0x0;
	s13 =	sshll.u32 s13, $0x7;
	v59 =	vld [tilespmem:s19+$0x10];
	v26 =	vadd.f32 v29, v26;
	v29 =	vmul.f32 v54, v40  }
0xbe: {  	s26 =	smin.u32 s26, $0x10F;
	v60 =	vld [tilespmem:s13+$0x30]  }
0xbf: {  	v61 =	vld [tilespmem:s19+$0x20];
	s26 =	sshll.u32 s26, $0x7;
	v30 =	vmul.f32 v30, v41;
	v26 =	vadd.f32 v29, v26  }
0xc0: {  	v62 =	vld [tilespmem:s26+$0x30]  }
0xc1: {  	v46 =	vld [tilespmem:s13+$0x0];
	v29 =	vmul.f32 v31, v50;
	v31 =	vmul.f32 v58, v43;
	v26 =	vadd.f32 v30, v26  }
0xc2: {  	v54 =	vld [tilespmem:s19+$0x30]  }
0xc3: {  	v0 =	vmul.f32 v0, v42;
	v42 =	vld [tilespmem:s12+$0x10];
	v63 =	vmul.f32 v60, v47;
	v26 =	vadd.f32 v31, v26  }
0xc4: {  	v37 =	vld [tilespmem:s26+$0x0]  }
0xc5: {  	v36 =	vld [tilespmem:s26+$0x10];
	v24 =	vmul.f32 v48, v45;
	v48 =	vmul.f32 v62, v49;
	v26 =	vadd.f32 v63, v26  }
0xc6: {  	v44 =	vmul.f32 v44, v45;
	v45 =	vld [tilespmem:s3+$0x20]  }
0xc7: {  	v58 =	vld [tilespmem:s26+$0x20];
	v26 =	vadd.f32 v48, v26;
	v48 =	vmul.f32 v54, v50  }
0xc8: {  	v60 =	vld [tilespmem:s13+$0x20]  }
0xc9: {  	v62 =	vld [tilespmem:s6+$0x0];
	v26 =	vadd.f32 v48, v26  }
0xca: {  	v30 =	vmul.f32 v59, v50;
	v59 =	vld [tilespmem:s13+$0x10]  }
0xcb: {  	v37 =	vmul.f32 v37, v49;
	v31 =	vmul.f32 v61, v50;
	v61 =	vld [tilespmem:s3+$0x10];
	v26 =	vadd.f32 v44, v26  }
0xcc: {  	v36 =	vmul.f32 v36, v49;
	v33 =	vmul.f32 v58, v49;
	v49 =	vld [tilespmem:s12+$0x0]  }
0xcd: {  	v58 =	vmul.f32 v42, v41;
	v42 =	vld [tilespmem:s1+$0x20];
	v0 =	vadd.f32 v0, v26;
	v26 =	vmul.f32 v53, v39  }
0xce: {  	v63 =	vnsel vm0, $0x0, v51;
	v51 =	vmul.f32 v45, v43;
	v45 =	vld [tilespmem:s0+$0x10]  }
0xcf: {  	(xrf0) =	vadd.scan.msk.s32 $0xffff, v63;
	v54 =	vld [tilespmem:s3+$0x0];
	v0 =	vadd.f32 v26, v0;
	v26 =	vmul.f32 v57, v35  }
0xd0: {  	v50 =	vld [tilespmem:s1+$0x0];
	v48 =	vmul.f32 v46, v47  }
0xd1: {  	v46 =	vmul.f32 v59, v47;
	v59 =	vld [tilespmem:s6+$0x10];
	v0 =	vadd.f32 v26, v0;
	v26 =	vmul.f32 v56, v32  }
0xd2: {  	v44 =	vmul.f32 v60, v47;
	v60 =	vld [tilespmem:s12+$0x20]  }
0xd3: {  	v4 =	vmul.f32 v55, v4;
	v35 =	vld [tilespmem:s6+$0x20];
	v0 =	vadd.f32 v26, v0  }
0xd4: {  	v3 =	vmul.f32 v52, v3;
	v54 =	vmul.f32 v54, v43;
	v32 =	vld [tilespmem:s1+$0x10]  }
0xd5: {  	v52, _, _ =	vpop (xrf0);
	v53 =	vmul.f32 v61, v43;
	v61 =	vmul.f32 v50, v38;
	v26 =	vld [tilespmem:s0+$0x0];
	v0 =	vadd.f32 v4, v0  }
0xd6: {  	v47 =	vld [tilespmem:s0+$0x20];
	(v2sf) =	vpush v52, $0xF;
	v52 =	vmul.f32 v42, v38;
	v4 =	vor.u32 $0x10, v8  }
0xd7: {  	p0 =	sne.s32 s25, $0x7F;
	v50 =	vld [tilespmem:s28+$0x0];
	v57 =	vmul.f32 v49, v41;
	v49 =	vor.u32 $0xF, v8;
	v0 =	vadd.f32 v3, v0  }
.Ltmp0:
0xd8: {  	v25 =	vadd.f32 $0.0e+00, v25;
	s24 =	sadd.s32 $0x80, s24;
	v39 =	vld [tilespmem:s28+$0x20];
	v55 =	vmul.f32 v59, v40;
	v56 =	vmul.f32 v60, v41;
	(pc) =	sbr.rel @p0 .LBB2_3-.Ltmp0, $4  }
0xd9: {  	v42 =	vor.u32 $0xD, v8;
	v60 =	vmul.f32 v62, v40;
	v59 =	vmul.f32 v35, v40;
	v35 =	vld [tilespmem:s28+$0x10];
	[tilespmem:s24+$0x10] =	vst v0  }
0xda: {  	v43 =	vor.u32 $0xC, v8;
	v62 =	vmul.f32 v32, v38;
	v38 =	vmul.f32 v26, v34;
	v26 =	vld.idx.msk [tilespmem:v8+s15+$0x0], $0xffff  }
0xdb: {  	v63 =	vmul.f32 v47, v34;
	v47 =	vor.u32 $0xA, v8;
	v41 =	vor.u32 $0xE, v8;
	v3 =	vld.idx.msk [tilespmem:v4+s15+$0x0], $0xffff  }
0xdc: {  	s25 =	sadd.s32 $0x1, s25;
	v40 =	vmul.f32 v45, v34;
	v45 =	vor.u32 $0xB, v8;
	v34 =	vmul.f32 v50, v12;
	v4 =	vld.idx.msk [tilespmem:v49+s15+$0x0], $0xffff  }
0xdd: {  	_ =	sdelay $0x3  }
0xde: {  	v32 =	vld.idx.msk [tilespmem:v41+s15+$0x0], $0xffff;
	_ =	sdelay $0x4  }
0xdf: {  	[tilespmem:$0x1FF50] =	vst v32  }
0xe0: {  	v32 =	vld.idx.msk [tilespmem:v42+s15+$0x0], $0xffff;
	_ =	sdelay $0x4  }
0xe1: {  	[tilespmem:$0x1FF60] =	vst v32  }
0xe2: {  	v32 =	vld.idx.msk [tilespmem:v43+s15+$0x0], $0xffff;
	_ =	sdelay $0x4  }
0xe3: {  	[tilespmem:$0x1FF70] =	vst v32  }
0xe4: {  	v32 =	vld.idx.msk [tilespmem:v45+s15+$0x0], $0xffff;
	_ =	sdelay $0x4  }
0xe5: {  	v35 =	vmul.f32 v35, v12;
	v12 =	vmul.f32 v39, v12;
	[tilespmem:$0x1FF80] =	vst v32  }
0xe6: {  	v32 =	vld.idx.msk [tilespmem:v47+s15+$0x0], $0xffff  }
0xe7: {  	v0 =	vor.u32 $0x9, v8;
	v12 =	vadd.f32 v12, v28  }
0xe8: {  	v49 =	vor.u32 $0x8, v8  }
0xe9: {  	v50 =	vor.u32 $0x7, v8;
	v12 =	vadd.f32 v63, v12  }
0xea: {  	v43 =	vor.u32 $0x6, v8  }
0xeb: {  	v12 =	vadd.f32 v52, v12;
	v52 =	vld [tilespmem:$0x1FF60];
	v45 =	vor.u32 $0x5, v8;
	[tilespmem:$0x1FF90] =	vst v32  }
0xec: {  	s0 =	spop (v2sf);
	v32 =	vld.idx.msk [tilespmem:v0+s15+$0x0], $0xffff;
	v0 =	vor.u32 $0x4, v8  }
0xed: {  	s0 =	ssub.s32 s0, s7;
	v41 =	vld.idx.msk [tilespmem:v49+s15+$0x0], $0xffff  }
0xee: {  	v12 =	vadd.f32 v59, v12;
	p0 =	sgt.s32 s0, $0x0;
	s1 =	smov.u32 s0;
	v42 =	vld.idx.msk [tilespmem:v50+s15+$0x0], $0xffff  }
0xef: {  	s1 =	simm.s32 @!p0 $0x0;
	v47 =	vor.u32 $0x3, v8;
	v49 =	vor.u32 $0x2, v8;
	v50 =	vor.u32 $0x1, v8;
	v8 =	vld.idx.msk [tilespmem:v43+s15+$0x0], $0xffff  }
0xf0: {  	v25 =	vadd.f32 v34, v25;
	s1 =	smin.u32 s1, $0x10F;
	v43 =	vld.idx.msk [tilespmem:v45+s15+$0x0], $0xffff  }
0xf1: {  	v27 =	vadd.f32 v35, v27;
	v12 =	vadd.f32 v56, v12;
	s1 =	sshll.u32 s1, $0x7;
	v45 =	vld.idx.msk [tilespmem:v0+s15+$0x0], $0xffff  }
0xf2: {  	v25 =	vadd.f32 v38, v25;
	v0 =	vld [tilespmem:s1+$0x0]  }
0xf3: {  	v27 =	vadd.f32 v40, v27;
	v12 =	vadd.f32 v51, v12;
	v51 =	vld [tilespmem:$0x1FF50]  }
0xf4: {  	v25 =	vadd.f32 v61, v25;
	v56 =	vld [tilespmem:$0x1FF80]  }
0xf5: {  	v27 =	vadd.f32 v62, v27;
	v47 =	vld.idx.msk [tilespmem:v47+s15+$0x0], $0xffff  }
0xf6: {  	v25 =	vadd.f32 v60, v25;
	s3 =	sadd.s32 $0x10, s0;
	v49 =	vld.idx.msk [tilespmem:v49+s15+$0x0], $0xffff  }
0xf7: {  	v27 =	vadd.f32 v55, v27;
	s6 =	sadd.s32 $0xF, s0;
	p0 =	sgt.s32 s3, $0x0;
	v50 =	vld.idx.msk [tilespmem:v50+s15+$0x0], $0xffff;
	[tilespmem:$0x1FF40] =	vst v0  }
0xf8: {  	v25 =	vadd.f32 v57, v25;
	s3 =	simm.s32 @!p0 $0x0;
	p0 =	sgt.s32 s6, $0x0;
	v0 =	vld [tilespmem:s1+$0x10]  }
0xf9: {  	s12 =	sadd.s32 $0xE, s0;
	v27 =	vadd.f32 v58, v27;
	s3 =	smin.u32 s3, $0x10F;
	s6 =	simm.s32 @!p0 $0x0;
	v34 =	vld [tilespmem:s1+$0x20]  }
0xfa: {  	v25 =	vadd.f32 v54, v25;
	p0 =	sgt.s32 s12, $0x0;
	s25 =	sshll.u32 s3, $0x7;
	s29 =	smin.u32 s6, $0x10F;
	v35 =	vld [tilespmem:s1+$0x30]  }
0xfb: {  	v27 =	vadd.f32 v53, v27;
	s12 =	simm.s32 @!p0 $0x0;
	s6 =	sadd.s32 $0xD, s0;
	s26 =	sshll.u32 s29, $0x7;
	v28 =	vld [tilespmem:s25+$0x0]  }
0xfc: {  	v25 =	vadd.f32 v48, v25;
	s30 =	smin.u32 s12, $0x10F;
	p0 =	sgt.s32 s6, $0x0;
	v38 =	vld [tilespmem:s26+$0x0]  }
0xfd: {  	v27 =	vadd.f32 v46, v27;
	s28 =	sshll.u32 s30, $0x7;
	s6 =	simm.s32 @!p0 $0x0;
	v39 =	vld [tilespmem:s26+$0x10]  }
0xfe: {  	v12 =	vadd.f32 v44, v12;
	v25 =	vadd.f32 v37, v25;
	s6 =	smin.u32 s6, $0x10F;
	s1 =	sadd.s32 $0xC, s0;
	v40 =	vld [tilespmem:s28+$0x0]  }
0xff: {  	s3 =	sadd.s32 $0xB, s0;
	v27 =	vadd.f32 v36, v27;
	s29 =	sshll.u32 s6, $0x7;
	v61 =	vld [tilespmem:s28+$0x10];
	p0 =	sgt.s32 s1, $0x0  }
0x100: {  	v12 =	vadd.f32 v33, v12;
	v25 =	vadd.f32 v29, v25;
	v62 =	vld [tilespmem:s29+$0x0];
	s1 =	simm.s32 @!p0 $0x0;
	p0 =	sgt.s32 s3, $0x0  }
0x101: {  	v27 =	vadd.f32 v30, v27;
	v57 =	vld [tilespmem:s29+$0x10];
	s1 =	smin.u32 s1, $0x10F;
	s3 =	simm.s32 @!p0 $0x0  }
0x102: {  	v12 =	vadd.f32 v31, v12;
	v25 =	vadd.f32 v22, v25;
	v22 =	vld [tilespmem:$0x1FF40];
	s30 =	sshll.u32 s1, $0x7;
	s31 =	smin.u32 s3, $0x10F;
	s3 =	sadd.s32 $0x1, s0  }
0x103: {  	v23 =	vadd.f32 v23, v27;
	p0 =	sgt.s32 s3, $0x0;
	v58 =	vld [tilespmem:s30+$0x0]  }
0x104: {  	v12 =	vadd.f32 v24, v12;
	v24 =	vadd.f32 v20, v25;
	s31 =	sshll.u32 s31, $0x7;
	v54 =	vld [tilespmem:s30+$0x10];
	s3 =	simm.s32 @!p0 $0x0  }
0x105: {  	s6 =	sadd.s32 $0xA, s0;
	v23 =	vadd.f32 v19, v23;
	v53 =	vld [tilespmem:s31+$0x0];
	s3 =	smin.u32 s3, $0x10F  }
0x106: {  	v17 =	vadd.f32 v17, v24;
	s1 =	sadd.s32 $0x2, s0;
	v24 =	vmul.f32 v35, v26;
	p0 =	sgt.s32 s6, $0x0;
	v48 =	vld [tilespmem:s31+$0x10];
	s19 =	sshll.u32 s3, $0x7  }
0x107: {  	v16 =	vadd.f32 v16, v23;
	p1 =	sgt.s32 s1, $0x0;
	v0 =	vmul.f32 v0, v26;
	s6 =	simm.s32 @!p0 $0x0;
	v63 =	vld [tilespmem:s19+$0x30]  }
0x108: {  	s12 =	sadd.s32 $0x3, s0;
	v14 =	vadd.f32 v14, v17;
	s1 =	simm.s32 @!p1 $0x0;
	v17 =	vadd.f32 $0.0e+00, v24;
	s6 =	smin.u32 s6, $0x10F;
	v24 =	vld [tilespmem:s19+$0x0]  }
0x109: {  	s8 =	smin.u32 s1, $0x10F;
	p0 =	sgt.s32 s12, $0x0;
	v33 =	vadd.f32 $0.0e+00, v0;
	v0 =	vadd.f32 v21, v12;
	v12 =	vmul.f32 v28, v3;
	s1 =	sshll.u32 s6, $0x7;
	v28 =	vld [tilespmem:s19+$0x20]  }
0x10a: {  	v16 =	vadd.f32 v13, v16;
	s3 =	sadd.s32 $0x4, s0;
	s12 =	simm.s32 @!p0 $0x0;
	s6 =	sshll.u32 s8, $0x7;
	v44 =	vld [tilespmem:s1+$0x0]  }
0x10b: {  	s13 =	sadd.s32 $0x6, s0;
	p0 =	sgt.s32 s3, $0x0;
	s12 =	smin.u32 s12, $0x10F;
	v59 =	vld [tilespmem:s6+$0x30]  }
0x10c: {  	v9 =	vadd.f32 v9, v16;
	s3 =	simm.s32 @!p0 $0x0;
	p0 =	sgt.s32 s13, $0x0;
	s8 =	sshll.u32 s12, $0x7;
	v16 =	vld [tilespmem:s1+$0x10]  }
0x10d: {  	s13 =	simm.s32 @!p0 $0x0;
	v29 =	vld [tilespmem:s8+$0x30]  }
0x10e: {  	s3 =	smin.u32 s3, $0x10F;
	v21 =	vld [tilespmem:s8+$0x0];
	s13 =	smin.u32 s13, $0x10F  }
0x10f: {  	v60 =	vmul.f32 v22, v26;
	v27 =	vmul.f32 v34, v26;
	v26 =	vld [tilespmem:s8+$0x10];
	s12 =	sshll.u32 s3, $0x7;
	s3 =	sshll.u32 s13, $0x7  }
0x110: {  	v31 =	vld [tilespmem:s3+$0x30]  }
0x111: {  	v0 =	vadd.f32 v18, v0;
	v22 =	vld [tilespmem:s3+$0x0]  }
0x112: {  	v20 =	vld [tilespmem:s3+$0x10];
	v23 =	vmul.f32 v63, v50  }
0x113: {  	v0 =	vadd.f32 v15, v0;
	v19 =	vld [tilespmem:s3+$0x20];
	s3 =	sadd.s32 $0x5, s0  }
0x114: {  	v14 =	vadd.f32 v10, v14;
	v18 =	vld [tilespmem:s8+$0x20];
	p0 =	sgt.s32 s3, $0x0;
	v17 =	vadd.f32 v23, v17;
	v23 =	vmul.f32 v59, v49  }
0x115: {  	v15 =	vld [tilespmem:s19+$0x10];
	v0 =	vadd.f32 v11, v0;
	s3 =	simm.s32 @!p0 $0x0  }
0x116: {  	v14 =	vadd.f32 v7, v14;
	v30 =	vld [tilespmem:s12+$0x30];
	s3 =	smin.u32 s3, $0x10F;
	v17 =	vadd.f32 v23, v17;
	v23 =	vmul.f32 v29, v47  }
0x117: {  	s19 =	sshll.u32 s3, $0x7;
	v29 =	vadd.f32 v6, v9;
	v9 =	vmul.f32 v62, v52;
	v62 =	vadd.f32 v5, v0;
	v0 =	vld [tilespmem:$0x1FF70]  }
0x118: {  	v25 =	vadd.f32 $0.0e+00, v60;
	s8 =	sadd.s32 $0x9, s0;
	v24 =	vmul.f32 v24, v50;
	v11 =	vld [tilespmem:s19+$0x30]  }
0x119: {  	v2 =	vadd.f32 v2, v14;
	v60 =	vld [tilespmem:s6+$0x20];
	s13 =	sadd.s32 $0x7, s0;
	p0 =	sgt.s32 s8, $0x0  }
0x11a: {  	v10 =	vmul.f32 v39, v4;
	v14 =	vmul.f32 v53, v56;
	v53 =	vld [tilespmem:$0x1FF90];
	v24 =	vadd.f32 v24, v25;
	s8 =	simm.s32 @!p0 $0x0;
	p0 =	sgt.s32 s13, $0x0  }
0x11b: {  	v59 =	vld [tilespmem:s6+$0x10];
	v25 =	vmul.f32 v28, v50;
	s3 =	smin.u32 s8, $0x10F;
	s13 =	simm.s32 @!p0 $0x0;
	v17 =	vadd.f32 v23, v17;
	v23 =	vmul.f32 v30, v45  }
0x11c: {  	v28 =	vld [tilespmem:s12+$0x20];
	s8 =	sadd.s32 $0x8, s0;
	v6 =	vmul.f32 v61, v51;
	s0 =	sshll.u32 s3, $0x7;
	s13 =	smin.u32 s13, $0x10F;
	v36 =	vmul.f32 v58, v0  }
0x11d: {  	v61 =	vld [tilespmem:s0+$0x0];
	s3 =	sshll.u32 s13, $0x7;
	v39 =	vmul.f32 v54, v0;
	v54 =	vmovc v0;
	v0 =	vadd.f32 v23, v17;
	v11 =	vmul.f32 v11, v43  }
0x11e: {  	v13 =	vmul.f32 v38, v4;
	v63 =	vld [tilespmem:s3+$0x30]  }
0x11f: {  	v7 =	vmul.f32 v40, v51;
	v46 =	vmul.f32 v60, v49;
	v11 =	vadd.f32 v11, v0;
	v0 =	vld [tilespmem:$0x1FFD0]  }
0x120: {  	v27 =	vadd.f32 $0.0e+00, v27;
	v37 =	vmul.f32 v44, v53;
	v16 =	vmul.f32 v16, v53;
	v58 =	vld [tilespmem:s6+$0x0]  }
0x121: {  	v15 =	vmul.f32 v15, v50;
	v21 =	vmul.f32 v21, v47;
	v55 =	vld [tilespmem:s19+$0x10]  }
0x122: {  	v26 =	vmul.f32 v26, v47;
	v18 =	vmul.f32 v18, v47;
	v25 =	vadd.f32 v25, v27;
	v27 =	vld [tilespmem:s19+$0x20]  }
0x123: {  	v5 =	vmul.f32 v57, v52;
	p0 =	sgt.s32 s8, $0x0;
	v31 =	vmul.f32 v31, v8;
	v30 =	vld [tilespmem:s0+$0x10]  }
0x124: {  	v15 =	vadd.f32 v15, v33;
	s8 =	simm.s32 @!p0 $0x0;
	v0 =	vadd.f32 v0, v29;
	v29 =	vmul.f32 v61, v32;
	v61 =	vld [tilespmem:s12+$0x0]  }
0x125: {  	s8 =	smin.u32 s8, $0x10F;
	v11 =	vadd.f32 v31, v11;
	v31 =	vmul.f32 v63, v42;
	v63 =	vld [tilespmem:s12+$0x10];
	v44 =	vmul.f32 v58, v49  }
0x126: {  	v1 =	vadd.f32 v1, v62;
	v62 =	vld [tilespmem:s19+$0x0];
	v25 =	vadd.f32 v46, v25;
	v34 =	vmul.f32 v59, v49;
	s8 =	sshll.u32 s8, $0x7  }
0x127: {  	v22 =	vmul.f32 v22, v8;
	v20 =	vmul.f32 v20, v8;
	v57 =	vld [tilespmem:s8+$0x0];
	v24 =	vadd.f32 v44, v24  }
0x128: {  	v8 =	vmul.f32 v19, v8;
	v18 =	vadd.f32 v18, v25;
	v25 =	vld [tilespmem:s3+$0x20];
	v15 =	vadd.f32 v34, v15  }
0x129: {  	v28 =	vmul.f32 v28, v45;
	v17 =	vld [tilespmem:s8+$0x30];
	v21 =	vadd.f32 v21, v24;
	v35 =	vmul.f32 v61, v45  }
0x12a: {  	v23 =	vmul.f32 v48, v56;
	v48 =	vmovc v56;
	v56 =	vld [tilespmem:s3+$0x0];
	v15 =	vadd.f32 v26, v15;
	v40 =	vmul.f32 v63, v45  }
0x12b: {  	v33 =	vmul.f32 v55, v43;
	v38 =	vmul.f32 v62, v43;
	v26 =	vld [tilespmem:s3+$0x10];
	v21 =	vadd.f32 v35, v21  }
0x12c: {  	v11 =	vadd.f32 v31, v11;
	v31 =	vmul.f32 v57, v41;
	v57 =	vld [tilespmem:s8+$0x10];
	v15 =	vadd.f32 v40, v15  }
0x12d: {  	v27 =	vmul.f32 v27, v43;
	v18 =	vadd.f32 v28, v18;
	v24 =	vld [tilespmem:s0+$0x30];
	v21 =	vadd.f32 v38, v21  }
0x12e: {  	v28 =	vld [tilespmem:s8+$0x20];
	v30 =	vmul.f32 v30, v32;
	v17 =	vmul.f32 v17, v41;
	v15 =	vadd.f32 v33, v15  }
0x12f: {  	v18 =	vadd.f32 v27, v18;
	v34 =	vmul.f32 v56, v42;
	v58 =	vld [tilespmem:s1+$0x30];
	v19 =	vadd.f32 v22, v21  }
0x130: {  	v11 =	vadd.f32 v17, v11;
	v17 =	vmul.f32 v26, v42;
	v15 =	vadd.f32 v20, v15;
	v21 =	vld [tilespmem:s0+$0x20]  }
0x131: {  	v8 =	vadd.f32 v8, v18;
	v20 =	vld [tilespmem:s31+$0x30];
	v22 =	vmul.f32 v25, v42;
	v18 =	vadd.f32 v34, v19  }
0x132: {  	v24 =	vmul.f32 v24, v32;
	v15 =	vadd.f32 v17, v15;
	v25 =	vmul.f32 v57, v41;
	v19 =	vld [tilespmem:s1+$0x20]  }
0x133: {  	v26 =	vmul.f32 v28, v41;
	v17 =	vld [tilespmem:s30+$0x30];
	v8 =	vadd.f32 v22, v8;
	v18 =	vadd.f32 v31, v18  }
0x134: {  	v11 =	vadd.f32 v24, v11;
	v24 =	vmul.f32 v58, v53;
	v22 =	vld [tilespmem:s31+$0x20];
	v15 =	vadd.f32 v25, v15  }
0x135: {  	v25 =	vld [tilespmem:s29+$0x30];
	v8 =	vadd.f32 v26, v8;
	v21 =	vmul.f32 v21, v32;
	v18 =	vadd.f32 v29, v18  }
0x136: {  	v11 =	vadd.f32 v24, v11;
	v20 =	vmul.f32 v20, v48;
	v26 =	vld [tilespmem:s30+$0x20];
	v15 =	vadd.f32 v30, v15  }
0x137: {  	v24 =	vld [tilespmem:s28+$0x30];
	v19 =	vmul.f32 v19, v53;
	v8 =	vadd.f32 v21, v8;
	v18 =	vadd.f32 v37, v18  }
0x138: {  	v11 =	vadd.f32 v20, v11;
	v17 =	vmul.f32 v17, v54;
	v15 =	vadd.f32 v16, v15;
	v21 =	vld [tilespmem:s29+$0x20]  }
0x139: {  	v16 =	vld [tilespmem:s26+$0x30];
	v20 =	vmul.f32 v22, v48;
	v8 =	vadd.f32 v19, v8;
	v14 =	vadd.f32 v14, v18  }
0x13a: {  	v11 =	vadd.f32 v17, v11;
	v17 =	vmul.f32 v25, v52;
	v15 =	vadd.f32 v23, v15;
	v18 =	vld [tilespmem:s28+$0x20]  }
0x13b: {  	v19 =	vld [tilespmem:s25+$0x30];
	v22 =	vmul.f32 v26, v54;
	v8 =	vadd.f32 v20, v8;
	v14 =	vadd.f32 v36, v14  }
0x13c: {  	v11 =	vadd.f32 v17, v11;
	v17 =	vmul.f32 v24, v51;
	v15 =	vadd.f32 v39, v15;
	v20 =	vld [tilespmem:s26+$0x20]  }
0x13d: {  	v23 =	vld [tilespmem:s25+$0x10];
	v21 =	vmul.f32 v21, v52;
	v8 =	vadd.f32 v22, v8;
	v9 =	vadd.f32 v9, v14  }
0x13e: {  	v11 =	vadd.f32 v17, v11;
	v16 =	vmul.f32 v16, v4;
	v5 =	vadd.f32 v5, v15;
	v14 =	vld [tilespmem:s25+$0x20]  }
0x13f: {  	v15 =	vmul.f32 v18, v51;
	v8 =	vadd.f32 v21, v8;
	v7 =	vadd.f32 v7, v9  }
0x140: {  	v5 =	vadd.f32 v6, v5;
	v9 =	vadd.f32 v16, v11;
	v11 =	vmul.f32 v19, v3  }
0x141: {  	[tilespmem:s24+$0xFFFFFFE0] =	vst v2;
	v4 =	vmul.f32 v20, v4;
	v2 =	vadd.f32 v15, v8;
	v6 =	vadd.f32 v13, v7  }
0x142: {  	[tilespmem:s24+$0xFFFFFFF0] =	vst v0;
	v5 =	vadd.f32 v10, v5;
	v7 =	vmul.f32 v23, v3;
	v0 =	vadd.f32 v11, v9  }
0x143: {  	[tilespmem:s24+$0x0] =	vst v1;
	s26 =	sadd.s32 $0x80, s24;
	v3 =	vmul.f32 v14, v3;
	v1 =	vadd.f32 v4, v2;
	v2 =	vadd.f32 v12, v6  }
0x144: {  	[tilespmem:s26+$0x10] =	vst v0;
	v0 =	vadd.f32 v7, v5  }
0x145: {  	v1 =	vadd.f32 v3, v1;
	[tilespmem:s26+$0xFFFFFFE0] =	vst v2  }
0x146: {  	[tilespmem:s26+$0xFFFFFFF0] =	vst v0  }
0x147: {  	s28 =	sadd.s32 s5, s23;
	[tilespmem:s26+$0x0] =	vst v1  }
0x148: {  	[hbm4b:s28+s2] =	stream.linear.scatter [tilespmem:s17], [sflag:$0x3], $0x4000, $0x38;
	[tilespmem:$0x19000] =	vst v63  }
0x149: {  	_ =	swait.ge [sflag:s16], $0x4000  }
0x14a: {  	p0 =	seq.s32 s20, $0xF;
	[sflag:s16] =	ssyncset.done $0x0  }
0x14b: {  	s0 =	sadd.s32 @!p0 s22, s10;
	s1 =	simm.s32 @!p0 $0x0;
	[sflag:s16] =	ssyncadd.s32 $0xFFFFC000  }
0x14c: {  	[tilespmem:s1], [sflag:$0x1] =	stream.linear.gather @!p0 [hbm4b:s0+s1], $0x8800, $0x38;
	[tilespmem:$0x19000] =	vst v63  }
0x14d: {  	s30 =	simm.s32 $0x0;
	s29 =	sor.u32 s11, s21;
	_ =	swait.ge [sflag:s18], $0x8800  }
0x14e: {  	s21 =	sshrl.u32 s29, $0x3;
	v1 =	vmov s30;
	[sflag:s18] =	ssyncset.done $0x0  }
0x14f: {  	s31 =	simm.s32 $0x0;
	v0 =	vor.u32 $0x1F, v1;
	s0 =	sadd.s32 s4, s21;
	[sflag:s18] =	ssyncadd.s32 $0xFFFF7800  }
0x150: {  	[tilespmem:s15], [sflag:$0x3] =	stream.linear.gather [hbm4b:s0+s31], $0x4000, $0x38;
	[tilespmem:$0x19000] =	vst v63  }
0x151: {  	_ =	swait.ge [sflag:s16], $0x4000  }
0x152: {  	[sflag:s16] =	ssyncset.done $0x0  }
0x153: {  	[sflag:s16] =	ssyncadd.s32 $0xFFFFC000  }
0x154: {  	v0 =	vld.idx.msk [tilespmem:v0+s15+$0x0], $0xffff;
	_ =	sdelay $0x4  }
0x155: {  	v0 =	vnsel vm0, $0x0, v0  }
0x156: {  	(xrf0) =	vadd.scan.msk.s32 $0xffff, v0;
	_ =	sdelay $0x4  }
0x157: {  	v5 =	vor.u32 $0xE, v1  }
0x158: {  	v2 =	vor.u32 $0x10, v1;
	v0, _, _ =	vpop (xrf0)  }
0x159: {  	v4 =	vor.u32 $0xF, v1;
	(v2sf) =	vpush v0, $0xF  }
0x15a: {  	v6 =	vor.u32 $0xD, v1  }
0x15b: {  	v7 =	vor.u32 $0xC, v1  }
0x15c: {  	v28 =	vld.idx.msk [tilespmem:v5+s15+$0x0], $0xffff;
	v5 =	vor.u32 $0x8, v1  }
0x15d: {  	v8 =	vor.u32 $0xB, v1;
	v42 =	vld.idx.msk [tilespmem:v2+s15+$0x0], $0xffff  }
0x15e: {  	v9 =	vor.u32 $0x9, v1;
	v41 =	vld.idx.msk [tilespmem:v4+s15+$0x0], $0xffff  }
0x15f: {  	v10 =	vor.u32 $0x5, v1;
	v27 =	vld.idx.msk [tilespmem:v6+s15+$0x0], $0xffff  }
0x160: {  	v2 =	vor.u32 $0xA, v1;
	v39 =	vld.idx.msk [tilespmem:v7+s15+$0x0], $0xffff  }
0x161: {  	v33 =	vld.idx.msk [tilespmem:v5+s15+$0x0], $0xffff;
	v5 =	vor.u32 $0x2, v1  }
0x162: {  	v6 =	vor.u32 $0x7, v1;
	v25 =	vld.idx.msk [tilespmem:v8+s15+$0x0], $0xffff  }
0x163: {  	v31 =	vld.idx.msk [tilespmem:v9+s15+$0x0], $0xffff  }
0x164: {  	v7 =	vor.u32 $0x6, v1;
	v35 =	vld.idx.msk [tilespmem:v10+s15+$0x0], $0xffff  }
0x165: {  	s3 =	simm.s32 $0x80;
	v9 =	vor.u32 $0x3, v1;
	v29 =	vld.idx.msk [tilespmem:v2+s15+$0x0], $0xffff  }
0x166: {  	v8 =	vmov s3;
	v2 =	vor.u32 $0x4, v1;
	v3 =	vld.idx.msk [tilespmem:v5+s15+$0x0], $0xffff  }
0x167: {  	v40 =	vld.idx.msk [tilespmem:v6+s15+$0x0], $0xffff;
	v6 =	vor.u32 $0x1F, v8  }
0x168: {  	v0 =	vld.idx.msk [tilespmem:v1+s15+$0x0], $0xffff;
	v1 =	vor.u32 $0x1, v1;
	s6 =	spop (v2sf)  }
0x169: {  	v38 =	vld.idx.msk [tilespmem:v7+s15+$0x0], $0xffff;
	s22 =	ssub.s32 s6, s7  }
0x16a: {  	v43 =	vld.idx.msk [tilespmem:v9+s15+$0x0], $0xffff;
	p0 =	sgt.s32 s22, $0x0;
	s0 =	smov.u32 s22  }
0x16b: {  	v34 =	vld.idx.msk [tilespmem:v2+s15+$0x0], $0xffff;
	[tilespmem:$0x1FFC0] =	vst v3;
	s0 =	simm.s32 @!p0 $0x0  }
0x16c: {  	v26 =	vld.idx.msk [tilespmem:v6+s15+$0x0], $0xffff;
	s1 =	sadd.s32 $0x10, s22;
	s0 =	smin.u32 s0, $0x10F  }
0x16d: {  	v12 =	vld.idx.msk [tilespmem:v1+s15+$0x0], $0xffff;
	p0 =	sgt.s32 s1, $0x0;
	s0 =	sshll.u32 s0, $0x7  }
0x16e: {  	s1 =	simm.s32 @!p0 $0x0;
	v1 =	vld [tilespmem:s0+$0x8800]  }
0x16f: {  	s1 =	smin.u32 s1, $0x10F;
	v2 =	vld [tilespmem:s0+$0x8810]  }
0x170: {  	v5 =	vld [tilespmem:s0+$0x8820];
	s1 =	sshll.u32 s1, $0x7  }
0x171: {  	v4 =	vld [tilespmem:s1+$0x8830]  }
0x172: {  	v6 =	vld [tilespmem:s0+$0x8830];
	s0 =	sadd.s32 $0xF, s22  }
0x173: {  	p0 =	sgt.s32 s0, $0x0  }
0x174: {  	v7 =	vld [tilespmem:s1+$0x8800];
	s0 =	simm.s32 @!p0 $0x0  }
0x175: {  	v9 =	vld [tilespmem:s1+$0x8810];
	s0 =	smin.u32 s0, $0x10F  }
0x176: {  	s3 =	sadd.s32 $0xE, s22;
	v10 =	vld [tilespmem:s1+$0x8820];
	s0 =	sshll.u32 s0, $0x7;
	[tilespmem:$0x1FFB0] =	vst v4  }
0x177: {  	p0 =	sgt.s32 s3, $0x0;
	v11 =	vld [tilespmem:s0+$0x8800]  }
0x178: {  	s3 =	simm.s32 @!p0 $0x0;
	v13 =	vld [tilespmem:s0+$0x8810]  }
0x179: {  	s8 =	smin.u32 s3, $0x10F;
	v14 =	vld [tilespmem:s0+$0x8820]  }
0x17a: {  	s3 =	sadd.s32 $0xD, s22;
	s1 =	sshll.u32 s8, $0x7;
	v32 =	vld [tilespmem:s0+$0x8830]  }
0x17b: {  	p0 =	sgt.s32 s3, $0x0;
	v15 =	vld [tilespmem:s1+$0x8800]  }
0x17c: {  	s3 =	simm.s32 @!p0 $0x0;
	v16 =	vld [tilespmem:s1+$0x8810]  }
0x17d: {  	s12 =	smin.u32 s3, $0x10F;
	v17 =	vld [tilespmem:s1+$0x8820]  }
0x17e: {  	s3 =	sadd.s32 $0xC, s22;
	v45 =	vld [tilespmem:s1+$0x8830];
	s0 =	sshll.u32 s12, $0x7  }
0x17f: {  	p0 =	sgt.s32 s3, $0x0;
	v18 =	vld [tilespmem:s0+$0x8800]  }
0x180: {  	s3 =	simm.s32 @!p0 $0x0;
	v19 =	vld [tilespmem:s0+$0x8810]  }
0x181: {  	v20 =	vld [tilespmem:s0+$0x8820];
	s13 =	smin.u32 s3, $0x10F  }
0x182: {  	v47 =	vld [tilespmem:s0+$0x8830];
	s3 =	sadd.s32 $0xB, s22;
	s1 =	sshll.u32 s13, $0x7  }
0x183: {  	p0 =	sgt.s32 s3, $0x0;
	v21 =	vld [tilespmem:s1+$0x8800]  }
0x184: {  	s3 =	simm.s32 @!p0 $0x0;
	v22 =	vld [tilespmem:s1+$0x8810]  }
0x185: {  	v23 =	vld [tilespmem:s1+$0x8820];
	s19 =	smin.u32 s3, $0x10F  }
0x186: {  	v44 =	vld [tilespmem:s1+$0x8830];
	s1 =	sadd.s32 $0x2, s22;
	s23 =	sshll.u32 s19, $0x7  }
0x187: {  	s6 =	sadd.s32 $0xA, s22;
	s3 =	sadd.s32 $0x1, s22;
	p1 =	sgt.s32 s1, $0x0;
	v24 =	vld [tilespmem:s23+$0x8800]  }
0x188: {  	s8 =	sadd.s32 $0x5, s22;
	p0 =	sgt.s32 s3, $0x0;
	s1 =	simm.s32 @!p1 $0x0;
	v30 =	vld [tilespmem:s23+$0x8810]  }
0x189: {  	s3 =	simm.s32 @!p0 $0x0;
	p0 =	sgt.s32 s6, $0x0;
	v36 =	vld [tilespmem:s23+$0x8820];
	s1 =	smin.u32 s1, $0x10F  }
0x18a: {  	v37 =	vld [tilespmem:s23+$0x8830];
	s24 =	smin.u32 s3, $0x10F;
	s6 =	simm.s32 @!p0 $0x0;
	s1 =	sshll.u32 s1, $0x7  }
0x18b: {  	s12 =	sadd.s32 $0x3, s22;
	s0 =	sshll.u32 s24, $0x7;
	s25 =	smin.u32 s6, $0x10F;
	v60 =	vld [tilespmem:s1+$0x8830]  }
0x18c: {  	s13 =	sadd.s32 $0x9, s22;
	p0 =	sgt.s32 s12, $0x0;
	v59 =	vld [tilespmem:s0+$0x8830];
	s3 =	sshll.u32 s25, $0x7  }
0x18d: {  	s12 =	simm.s32 @!p0 $0x0;
	s6 =	sadd.s32 $0x4, s22;
	s24 =	sadd.s32 $0x6, s22;
	v48 =	vld [tilespmem:s3+$0x8800]  }
0x18e: {  	s26 =	smin.u32 s12, $0x10F;
	p0 =	sgt.s32 s6, $0x0;
	p1 =	sgt.s32 s24, $0x0;
	v50 =	vld [tilespmem:s3+$0x8810]  }
0x18f: {  	s28 =	sshll.u32 s26, $0x7;
	s6 =	simm.s32 @!p0 $0x0;
	p0 =	sgt.s32 s8, $0x0;
	v52 =	vld [tilespmem:s3+$0x8820]  }
0x190: {  	s24 =	simm.s32 @!p1 $0x0;
	v54 =	vld [tilespmem:s3+$0x8830];
	s6 =	smin.u32 s6, $0x10F;
	s8 =	simm.s32 @!p0 $0x0  }
0x191: {  	v61 =	vld [tilespmem:s28+$0x8830];
	p0 =	sgt.s32 s13, $0x0;
	s31 =	smin.u32 s24, $0x10F;
	s6 =	sshll.u32 s6, $0x7  }
0x192: {  	v6 =	vmul.f32 v6, v0;
	s8 =	smin.u32 s8, $0x10F;
	s13 =	simm.s32 @!p0 $0x0;
	s3 =	sshll.u32 s31, $0x7;
	v62 =	vld [tilespmem:s6+$0x8830]  }
0x193: {  	v56 =	vmul.f32 v1, v0;
	s19 =	sadd.s32 $0x7, s22;
	s29 =	sshll.u32 s8, $0x7;
	s30 =	smin.u32 s13, $0x10F;
	v58 =	vld [tilespmem:s3+$0x8830]  }
0x194: {  	v57 =	vmul.f32 v2, v0;
	v6 =	vadd.f32 $0.0e+00, v6;
	p0 =	sgt.s32 s19, $0x0;
	v46 =	vmul.f32 v59, v12;
	v55 =	vld [tilespmem:s29+$0x8830];
	s8 =	sshll.u32 s30, $0x7  }
0x195: {  	s19 =	simm.s32 @!p0 $0x0;
	v59 =	vmul.f32 v5, v0;
	v0 =	vmul.f32 v9, v42;
	v49 =	vld [tilespmem:s8+$0x8800]  }
0x196: {  	s13 =	sadd.s32 $0x8, s22;
	s19 =	smin.u32 s19, $0x10F;
	v6 =	vadd.f32 v46, v6;
	v46 =	vld [tilespmem:s8+$0x8810]  }
0x197: {  	v2 =	vmul.f32 v7, v42;
	v63 =	vmul.f32 v60, v3;
	p0 =	sgt.s32 s13, $0x0;
	s19 =	sshll.u32 s19, $0x7;
	[tilespmem:$0x1FFA0] =	vst v0;
	v0 =	vld [tilespmem:$0x1FFB0]  }
0x198: {  	v1 =	vmul.f32 v10, v42;
	v7 =	vmul.f32 v11, v41;
	s13 =	simm.s32 @!p0 $0x0;
	v51 =	vld [tilespmem:s19+$0x8830]  }
0x199: {  	v11 =	vmul.f32 v17, v28;
	s13 =	smin.u32 s13, $0x10F;
	v53 =	vld [tilespmem:s8+$0x8820];
	v5 =	vadd.f32 v63, v6;
	v6 =	vmul.f32 v61, v43  }
0x19a: {  	s13 =	sshll.u32 s13, $0x7;
	v4 =	vld [tilespmem:s3+$0x8800];
	v10 =	vmul.f32 v62, v34;
	v17 =	vmul.f32 v58, v38  }
0x19b: {  	v60 =	vld [tilespmem:s13+$0x8830];
	v9 =	vadd.f32 v6, v5;
	v6 =	vmul.f32 v13, v41;
	v5 =	vmul.f32 v14, v41  }
0x19c: {  	v3 =	vld [tilespmem:s29+$0x8820];
	v14 =	vmul.f32 v55, v35;
	v42 =	vmul.f32 v0, v42  }
0x19d: {  	v61 =	vld [tilespmem:s13+$0x8800];
	v13 =	vadd.f32 v10, v9;
	v10 =	vmul.f32 v15, v28;
	v9 =	vmul.f32 v16, v28  }
0x19e: {  	v58 =	vld [tilespmem:s13+$0x8810];
	v15 =	vmul.f32 v20, v27;
	v20 =	vmul.f32 v51, v40  }
0x19f: {  	v55 =	vld [tilespmem:s8+$0x8830];
	v16 =	vadd.f32 v14, v13;
	v14 =	vmul.f32 v18, v27;
	v13 =	vmul.f32 v19, v27  }
0x1a0: {  	v18 =	vmul.f32 v23, v39;
	v23 =	vmul.f32 v60, v33;
	v60 =	vld [tilespmem:s19+$0x8820]  }
0x1a1: {  	v62 =	vld [tilespmem:s13+$0x8820];
	v19 =	vadd.f32 v17, v16;
	v17 =	vmul.f32 v21, v39;
	v16 =	vmul.f32 v22, v39  }
0x1a2: {  	v63 =	vld [tilespmem:s19+$0x8810];
	v21 =	vmul.f32 v24, v25;
	v24 =	vmul.f32 v52, v29  }
0x1a3: {  	v0 =	vld [tilespmem:$0x1FFC0];
	v39 =	vmul.f32 v44, v39;
	v22 =	vadd.f32 v20, v19;
	v19 =	vmul.f32 v30, v25  }
0x1a4: {  	v51 =	vld [tilespmem:s19+$0x8800];
	v20 =	vmul.f32 v36, v25;
	v36 =	vmul.f32 v55, v31  }
0x1a5: {  	v52 =	vld [tilespmem:s29+$0x8800];
	v44 =	vmul.f32 v60, v40;
	v60 =	vmul.f32 v47, v27;
	v30 =	vadd.f32 v23, v22  }
0x1a6: {  	v55 =	vld [tilespmem:s3+$0x8810];
	v22 =	vmul.f32 v48, v29;
	v23 =	vmul.f32 v50, v29  }
0x1a7: {  	v47 =	vld [tilespmem:s28+$0x8800];
	v48 =	vmul.f32 v54, v29;
	v29 =	vmul.f32 v46, v31;
	v36 =	vadd.f32 v36, v30  }
0x1a8: {  	v50 =	vld [tilespmem:s3+$0x8820];
	v54 =	vmul.f32 v37, v25;
	v37 =	vmul.f32 v61, v33  }
0x1a9: {  	v61 =	vld [tilespmem:s6+$0x8800];
	v30 =	vmul.f32 v49, v31;
	v31 =	vmul.f32 v53, v31;
	v53 =	vadd.f32 v48, v36  }
0x1aa: {  	v27 =	vadd.f32 $0.0e+00, v57;
	v25 =	vadd.f32 $0.0e+00, v56;
	v49 =	vld [tilespmem:s29+$0x8810]  }
0x1ab: {  	v36 =	vmul.f32 v58, v33;
	v33 =	vmul.f32 v62, v33;
	v62 =	vld [tilespmem:s6+$0x8810];
	v56 =	vadd.f32 v54, v53  }
0x1ac: {  	v46 =	vmul.f32 v63, v40;
	v57 =	vmul.f32 v52, v35;
	v58 =	vnsel vm0, $0x0, v26;
	v26 =	vld [tilespmem:s28+$0x8810]  }
0x1ad: {  	v48 =	vmul.f32 v51, v40;
	v40 =	vld [tilespmem:s1+$0x8810];
	(xrf0) =	vadd.scan.msk.s32 $0xffff, v58;
	v51 =	vmul.f32 v50, v38;
	v39 =	vadd.f32 v39, v56  }
0x1ae: {  	v54 =	vmul.f32 v4, v38;
	v53 =	vmul.f32 v55, v38;
	v38 =	vld [tilespmem:s1+$0x8800]  }
0x1af: {  	v63 =	vld [tilespmem:s6+$0x8820];
	v58 =	vmul.f32 v49, v35;
	v39 =	vadd.f32 v60, v39;
	v60 =	vmul.f32 v45, v28  }
0x1b0: {  	v50 =	vld [tilespmem:s1+$0x8820];
	v4 =	vor.u32 $0xF, v8;
	v56 =	vmul.f32 v3, v35;
	v55 =	vmul.f32 v62, v34  }
0x1b1: {  	v45 =	vld [tilespmem:s28+$0x8820];
	v28 =	vadd.f32 $0.0e+00, v59;
	v59 =	vmul.f32 v32, v41;
	v3 =	vadd.f32 v60, v39  }
0x1b2: {  	v49 =	vor.u32 $0x10, v8;
	v62 =	vmul.f32 v26, v43;
	v40 =	vmul.f32 v40, v0;
	v32 =	vld [tilespmem:s0+$0x8800]  }
0x1b3: {  	v35 =	vld [tilespmem:s0+$0x8810];
	v41 =	vor.u32 $0xE, v8;
	v52, _, _ =	vpop (xrf0);
	v38 =	vmul.f32 v38, v0;
	v3 =	vadd.f32 v59, v3  }
0x1b4: {  	v26 =	vld.idx.msk [tilespmem:v8+s15+$0x0], $0xffff;
	v60 =	vmul.f32 v61, v34;
	v61 =	vmul.f32 v47, v43;
	(v2sf) =	vpush v52, $0xF  }
0x1b5: {  	v39 =	vld [tilespmem:s0+$0x8820];
	v47 =	vor.u32 $0xA, v8;
	v59 =	vmul.f32 v63, v34;
	v34 =	vadd.f32 v42, v3  }
0x1b6: {  	s22 =	simm.s32 $0x15020;
	v4 =	vld.idx.msk [tilespmem:v4+s15+$0x0], $0xffff;
	v63 =	vmul.f32 v50, v0;
	v52 =	vmul.f32 v45, v43;
	v43 =	vor.u32 $0xC, v8  }
0x1b7: {  	s23 =	simm.s32 $0x2;
	v45 =	vor.u32 $0xB, v8;
	v42 =	vor.u32 $0xD, v8;
	v3 =	vld.idx.msk [tilespmem:v49+s15+$0x0], $0xffff;
	[tilespmem:s22+$0x10] =	vst v34;
	v34 =	vmul.f32 v32, v12  }
.LBB2_5:
0x1b8: {  	_ =	sdelay $0x1  }
0x1b9: {  	v49 =	vor.u32 $0x9, v8;
	v50 =	vmul.f32 v35, v12;
	v12 =	vmul.f32 v39, v12  }
0x1ba: {  	v32 =	vld.idx.msk [tilespmem:v41+s15+$0x0], $0xffff;
	v0 =	vor.u32 $0x8, v8;
	v25 =	vadd.f32 v34, v25  }
0x1bb: {  	v35 =	vld.idx.msk [tilespmem:v42+s15+$0x0], $0xffff;
	v27 =	vadd.f32 v50, v27;
	v12 =	vadd.f32 v12, v28  }
0x1bc: {  	v41 =	vor.u32 $0x6, v8;
	v39 =	vld.idx.msk [tilespmem:v43+s15+$0x0], $0xffff;
	v25 =	vadd.f32 v38, v25  }
0x1bd: {  	v34 =	vor.u32 $0x7, v8;
	v42 =	vld.idx.msk [tilespmem:v45+s15+$0x0], $0xffff;
	v27 =	vadd.f32 v40, v27;
	v12 =	vadd.f32 v63, v12  }
0x1be: {  	v28 =	vor.u32 $0x5, v8;
	v50 =	vld.idx.msk [tilespmem:v49+s15+$0x0], $0xffff;
	v25 =	vadd.f32 v61, v25  }
0x1bf: {  	v38 =	vor.u32 $0x4, v8;
	v49 =	vld.idx.msk [tilespmem:v0+s15+$0x0], $0xffff;
	v0 =	vadd.f32 v62, v27;
	v12 =	vadd.f32 v52, v12  }
0x1c0: {  	v45 =	vld.idx.msk [tilespmem:v47+s15+$0x0], $0xffff;
	v25 =	vadd.f32 v60, v25;
	v27 =	vor.u32 $0x2, v8  }
0x1c1: {  	v61 =	vor.u32 $0x3, v8;
	v43 =	vld.idx.msk [tilespmem:v41+s15+$0x0], $0xffff;
	v0 =	vadd.f32 v55, v0;
	v12 =	vadd.f32 v59, v12  }
0x1c2: {  	v47 =	vld.idx.msk [tilespmem:v34+s15+$0x0], $0xffff;
	v62 =	vor.u32 $0x1, v8;
	v25 =	vadd.f32 v57, v25;
	s12 =	spop (v2sf)  }
0x1c3: {  	s0 =	sshll.u32 s23, $0x7;
	v41 =	vld.idx.msk [tilespmem:v28+s15+$0x0], $0xffff;
	v0 =	vadd.f32 v58, v0;
	v28 =	vadd.f32 v56, v12;
	s24 =	ssub.s32 s12, s7  }
0x1c4: {  	v40 =	vld.idx.msk [tilespmem:v38+s15+$0x0], $0xffff;
	v8 =	vmov s0;
	v25 =	vadd.f32 v54, v25;
	p1 =	sgt.s32 s24, $0x0;
	s0 =	smov.u32 s24  }
0x1c5: {  	v34 =	vld.idx.msk [tilespmem:v27+s15+$0x0], $0xffff;
	v0 =	vadd.f32 v53, v0;
	v27 =	vadd.f32 v51, v28;
	s0 =	simm.s32 @!p1 $0x0  }
0x1c6: {  	v38 =	vld.idx.msk [tilespmem:v61+s15+$0x0], $0xffff;
	v25 =	vadd.f32 v48, v25;
	s0 =	smin.u32 s0, $0x10F  }
0x1c7: {  	v63 =	vor.u32 $0x1F, v8;
	v12 =	vld.idx.msk [tilespmem:v62+s15+$0x0], $0xffff;
	v0 =	vadd.f32 v46, v0;
	v27 =	vadd.f32 v44, v27;
	s0 =	sshll.u32 s0, $0x7  }
0x1c8: {  	v25 =	vadd.f32 v37, v25;
	s1 =	sadd.s32 $0x10, s24;
	v28 =	vld [tilespmem:s0+$0x8800]  }
0x1c9: {  	p1 =	sgt.s32 s1, $0x0;
	v0 =	vadd.f32 v36, v0;
	v27 =	vadd.f32 v33, v27;
	v44 =	vld [tilespmem:s0+$0x8810]  }
0x1ca: {  	v25 =	vadd.f32 v30, v25;
	s1 =	simm.s32 @!p1 $0x0;
	v46 =	vld [tilespmem:s0+$0x8820]  }
0x1cb: {  	s1 =	smin.u32 s1, $0x10F;
	v30 =	vld [tilespmem:s0+$0x8830];
	s0 =	sadd.s32 $0xF, s24;
	v0 =	vadd.f32 v29, v0;
	v27 =	vadd.f32 v31, v27  }
0x1cc: {  	v51 =	vld.idx.msk [tilespmem:v63+s15+$0x0], $0xffff;
	v22 =	vadd.f32 v22, v25;
	s1 =	sshll.u32 s1, $0x7;
	p1 =	sgt.s32 s0, $0x0  }
0x1cd: {  	v29 =	vld [tilespmem:s1+$0x8800];
	s0 =	simm.s32 @!p1 $0x0;
	v0 =	vadd.f32 v23, v0;
	v24 =	vadd.f32 v24, v27  }
0x1ce: {  	v31 =	vld [tilespmem:s1+$0x8810];
	v21 =	vadd.f32 v21, v22;
	s0 =	smin.u32 s0, $0x10F  }
0x1cf: {  	s3 =	sadd.s32 $0xE, s24;
	v48 =	vld [tilespmem:s1+$0x8820];
	s0 =	sshll.u32 s0, $0x7;
	v0 =	vadd.f32 v19, v0;
	v20 =	vadd.f32 v20, v24  }
0x1d0: {  	p1 =	sgt.s32 s3, $0x0;
	v17 =	vadd.f32 v17, v21;
	v21 =	vld [tilespmem:s0+$0x8820]  }
0x1d1: {  	v52 =	vld [tilespmem:s1+$0x8830];
	s3 =	simm.s32 @!p1 $0x0;
	v0 =	vadd.f32 v16, v0;
	v16 =	vadd.f32 v18, v20  }
0x1d2: {  	s13 =	smin.u32 s3, $0x10F;
	v19 =	vld [tilespmem:s0+$0x8800]  }
0x1d3: {  	s1 =	sshll.u32 s13, $0x7;
	v55 =	vld [tilespmem:s0+$0x8830];
	v0 =	vadd.f32 v13, v0;
	v13 =	vadd.f32 v15, v16  }
0x1d4: {  	v22 =	vmul.f32 v46, v26;
	v14 =	vadd.f32 v14, v17;
	v17 =	vld [tilespmem:s1+$0x8800]  }
0x1d5: {  	s3 =	sadd.s32 $0xD, s24;
	v56 =	vld [tilespmem:s1+$0x8830];
	v0 =	vadd.f32 v9, v0;
	v9 =	vadd.f32 v11, v13;
	v11 =	vmul.f32 v21, v4  }
0x1d6: {  	v25 =	vmul.f32 v28, v26;
	p1 =	sgt.s32 s3, $0x0;
	v28 =	vadd.f32 $0.0e+00, v22;
	v22 =	vld [tilespmem:s0+$0x8810]  }
0x1d7: {  	s3 =	simm.s32 @!p1 $0x0;
	v10 =	vadd.f32 v10, v14;
	v21 =	vadd.f32 v5, v9;
	v5 =	vmov v11;
	v11 =	vld [tilespmem:$0x1FFA0]  }
0x1d8: {  	s19 =	smin.u32 s3, $0x10F;
	v15 =	vld [tilespmem:s1+$0x8810]  }
0x1d9: {  	v14 =	vld [tilespmem:s1+$0x8820];
	s3 =	sadd.s32 $0xC, s24;
	s0 =	sshll.u32 s19, $0x7;
	v13 =	vadd.f32 v7, v10  }
0x1da: {  	p1 =	sgt.s32 s3, $0x0;
	v57 =	vld [tilespmem:s0+$0x8830];
	v16 =	vmul.f32 v19, v4;
	v0 =	vadd.f32 v6, v0  }
0x1db: {  	s3 =	simm.s32 @!p1 $0x0;
	v10 =	vmul.f32 v17, v32;
	v17 =	vld [tilespmem:s0+$0x8820];
	v19 =	vmul.f32 v22, v4;
	v13 =	vadd.f32 v2, v13  }
0x1dc: {  	v24 =	vmul.f32 v31, v3;
	v18 =	vmul.f32 v48, v3;
	s25 =	smin.u32 s3, $0x10F;
	v7 =	vmovc v16;
	v16 =	vld [tilespmem:s0+$0x8800];
	v0 =	vadd.f32 v11, v0  }
0x1dd: {  	s3 =	sadd.s32 $0xB, s24;
	s1 =	sshll.u32 s25, $0x7;
	v6 =	vmov v19;
	v19 =	vld [tilespmem:s0+$0x8810];
	v9 =	vmul.f32 v15, v32;
	v15 =	vadd.f32 v1, v21;
	[tilespmem:s22+$0xFFFFFFE0] =	vst v13  }
0x1de: {  	p1 =	sgt.s32 s3, $0x0;
	v1 =	vmov v18;
	v18 =	vld [tilespmem:s1+$0x8800];
	[tilespmem:s22+$0xFFFFFFF0] =	vst v0  }
0x1df: {  	v20 =	vmov v24;
	s3 =	simm.s32 @!p1 $0x0;
	v0 =	vld [tilespmem:s1+$0x8810];
	[tilespmem:s22+$0x0] =	vst v15  }
0x1e0: {  	v23 =	vmul.f32 v44, v26;
	[tilespmem:$0x1FFA0] =	vst v20;
	s26 =	smin.u32 s3, $0x10F;
	s3 =	sadd.s32 $0x1, s24;
	v20 =	vld [tilespmem:s1+$0x8820]  }
0x1e1: {  	s6 =	sadd.s32 $0xA, s24;
	s0 =	sshll.u32 s26, $0x7;
	p1 =	sgt.s32 s3, $0x0;
	v53 =	vld [tilespmem:s1+$0x8830]  }
0x1e2: {  	v27 =	vadd.f32 $0.0e+00, v23;
	v23 =	vmul.f32 v29, v3;
	s3 =	simm.s32 @!p1 $0x0;
	p1 =	sgt.s32 s6, $0x0;
	v13 =	vmul.f32 v19, v35;
	v19 =	vld [tilespmem:s0+$0x8800]  }
0x1e3: {  	s8 =	sadd.s32 $0x2, s24;
	s3 =	smin.u32 s3, $0x10F;
	s6 =	simm.s32 @!p1 $0x0;
	v22 =	vld [tilespmem:s0+$0x8810]  }
0x1e4: {  	p2 =	sgt.s32 s8, $0x0;
	v2 =	vmov v23;
	s25 =	sshll.u32 s3, $0x7;
	s28 =	smin.u32 s6, $0x10F;
	v23 =	vld [tilespmem:s0+$0x8820]  }
0x1e5: {  	s8 =	simm.s32 @!p2 $0x0;
	s3 =	sshll.u32 s28, $0x7;
	s1 =	sadd.s32 $0x3, s24;
	v24 =	vld [tilespmem:s25+$0x8830]  }
0x1e6: {  	s12 =	sadd.s32 $0x5, s24;
	s29 =	smin.u32 s8, $0x10F;
	v11 =	vmul.f32 v14, v32;
	v29 =	vld [tilespmem:s3+$0x8800];
	p1 =	sgt.s32 s1, $0x0  }
0x1e7: {  	s6 =	sadd.s32 $0x4, s24;
	v14 =	vmul.f32 v16, v35;
	s1 =	simm.s32 @!p1 $0x0;
	v16 =	vmul.f32 v0, v39;
	v0 =	vld [tilespmem:s0+$0x8830];
	s0 =	sshll.u32 s29, $0x7  }
0x1e8: {  	s8 =	sadd.s32 $0x7, s24;
	v15 =	vmul.f32 v17, v35;
	p1 =	sgt.s32 s6, $0x0;
	s1 =	smin.u32 s1, $0x10F;
	v21 =	vmul.f32 v19, v42;
	v31 =	vld [tilespmem:s0+$0x8830]  }
0x1e9: {  	s13 =	sadd.s32 $0x6, s24;
	s6 =	simm.s32 @!p1 $0x0;
	s1 =	sshll.u32 s1, $0x7;
	v19 =	vmul.f32 v22, v42;
	v22 =	vmul.f32 v30, v26;
	v26 =	vld [tilespmem:s3+$0x8810]  }
0x1ea: {  	p2 =	sgt.s32 s13, $0x0;
	v17 =	vmul.f32 v18, v39;
	p1 =	sgt.s32 s12, $0x0;
	s6 =	smin.u32 s6, $0x10F;
	v18 =	vmul.f32 v20, v39;
	v30 =	vld [tilespmem:s1+$0x8830]  }
0x1eb: {  	s19 =	sadd.s32 $0x9, s24;
	v54 =	vld [tilespmem:s3+$0x8820];
	s12 =	simm.s32 @!p1 $0x0;
	v20 =	vmul.f32 v23, v42;
	v24 =	vmul.f32 v24, v12;
	s6 =	sshll.u32 s6, $0x7;
	v23 =	vadd.f32 $0.0e+00, v22  }
0x1ec: {  	s13 =	simm.s32 @!p2 $0x0;
	p1 =	sgt.s32 s19, $0x0;
	s12 =	smin.u32 s12, $0x10F;
	v58 =	vld [tilespmem:s6+$0x8830]  }
0x1ed: {  	s30 =	smin.u32 s13, $0x10F;
	v44 =	vld [tilespmem:s3+$0x8830];
	s19 =	simm.s32 @!p1 $0x0;
	s12 =	sshll.u32 s12, $0x7;
	v22 =	vmul.f32 v29, v45;
	v24 =	vadd.f32 v24, v23;
	v29 =	vmul.f32 v31, v34  }
0x1ee: {  	p1 =	sgt.s32 s8, $0x0;
	s3 =	sshll.u32 s30, $0x7;
	s19 =	smin.u32 s19, $0x10F;
	v31 =	vld [tilespmem:s12+$0x8830]  }
0x1ef: {  	s8 =	simm.s32 @!p1 $0x0;
	v59 =	vld [tilespmem:s3+$0x8830];
	s31 =	sshll.u32 s19, $0x7;
	s19 =	sadd.s32 $0x8, s24;
	v23 =	vmul.f32 v26, v45;
	v26 =	vadd.f32 v29, v24;
	v29 =	vmul.f32 v30, v38  }
0x1f0: {  	s8 =	smin.u32 s8, $0x10F;
	p1 =	sgt.s32 s19, $0x0;
	v60 =	vld [tilespmem:s31+$0x8810]  }
0x1f1: {  	s8 =	sshll.u32 s8, $0x7;
	v48 =	vld [tilespmem:s31+$0x8830];
	s19 =	simm.s32 @!p1 $0x0;
	v26 =	vadd.f32 v29, v26;
	v29 =	vmul.f32 v58, v40  }
0x1f2: {  	v61 =	vld [tilespmem:s8+$0x8830];
	s19 =	smin.u32 s19, $0x10F  }
0x1f3: {  	v46 =	vld [tilespmem:s8+$0x8810];
	s19 =	sshll.u32 s19, $0x7;
	v26 =	vadd.f32 v29, v26;
	v29 =	vmul.f32 v31, v41  }
0x1f4: {  	v62 =	vld [tilespmem:s19+$0x8830]  }
0x1f5: {  	v0 =	vmul.f32 v0, v42;
	v42 =	vld [tilespmem:s12+$0x8810];
	v37 =	vmul.f32 v59, v43;
	v26 =	vadd.f32 v29, v26  }
0x1f6: {  	v59 =	vld [tilespmem:s8+$0x8800]  }
0x1f7: {  	v30 =	vld [tilespmem:s31+$0x8800];
	v63 =	vmul.f32 v61, v47;
	v26 =	vadd.f32 v37, v26  }
0x1f8: {  	v24 =	vmul.f32 v54, v45;
	v54 =	vld [tilespmem:s19+$0x8800]  }
0x1f9: {  	v36 =	vld [tilespmem:s19+$0x8810];
	v33 =	vmul.f32 v62, v49;
	v26 =	vadd.f32 v63, v26  }
0x1fa: {  	v44 =	vmul.f32 v44, v45;
	v45 =	vld [tilespmem:s3+$0x8820]  }
0x1fb: {  	v48 =	vmul.f32 v48, v50;
	v58 =	vld [tilespmem:s19+$0x8820];
	v26 =	vadd.f32 v33, v26  }
0x1fc: {  	v31 =	vld [tilespmem:s31+$0x8820]  }
0x1fd: {  	v61 =	vld [tilespmem:s3+$0x8810];
	v26 =	vadd.f32 v48, v26  }
0x1fe: {  	v62 =	vld [tilespmem:s6+$0x8800]  }
0x1ff: {  	v29 =	vmul.f32 v60, v50;
	v60 =	vld [tilespmem:s8+$0x8820];
	v26 =	vadd.f32 v44, v26  }
0x200: {  	v30 =	vmul.f32 v30, v50;
	v37 =	vmul.f32 v54, v49;
	v54 =	vld [tilespmem:s3+$0x8800]  }
0x201: {  	v31 =	vmul.f32 v31, v50;
	v50 =	vld [tilespmem:s1+$0x8800];
	v0 =	vadd.f32 v0, v26;
	v26 =	vmul.f32 v53, v39  }
0x202: {  	v36 =	vmul.f32 v36, v49;
	v63 =	vnsel vm0, $0x0, v51;
	v51 =	vmul.f32 v45, v43;
	v45 =	vld [tilespmem:s0+$0x8810]  }
0x203: {  	(xrf0) =	vadd.scan.msk.s32 $0xffff, v63;
	v33 =	vmul.f32 v58, v49;
	v49 =	vld [tilespmem:s12+$0x8800];
	v0 =	vadd.f32 v26, v0;
	v26 =	vmul.f32 v57, v35  }
0x204: {  	v58 =	vmul.f32 v42, v41;
	v42 =	vld [tilespmem:s1+$0x8820]  }
0x205: {  	v48 =	vmul.f32 v59, v47;
	v59 =	vld [tilespmem:s6+$0x8810];
	v0 =	vadd.f32 v26, v0;
	v26 =	vmul.f32 v56, v32  }
0x206: {  	v44 =	vmul.f32 v60, v47;
	v60 =	vld [tilespmem:s12+$0x8820]  }
0x207: {  	v3 =	vmul.f32 v52, v3;
	v4 =	vmul.f32 v55, v4;
	v35 =	vld [tilespmem:s6+$0x8820];
	v0 =	vadd.f32 v26, v0  }
0x208: {  	v46 =	vmul.f32 v46, v47;
	v54 =	vmul.f32 v54, v43;
	v32 =	vld [tilespmem:s1+$0x8810]  }
0x209: {  	v52, _, _ =	vpop (xrf0);
	v53 =	vmul.f32 v61, v43;
	v61 =	vmul.f32 v50, v38;
	v26 =	vld [tilespmem:s0+$0x8800];
	v0 =	vadd.f32 v4, v0  }
0x20a: {  	v47 =	vld [tilespmem:s0+$0x8820];
	(v2sf) =	vpush v52, $0xF;
	v52 =	vmul.f32 v42, v38;
	v4 =	vor.u32 $0x10, v8  }
0x20b: {  	p0 =	sne.s32 s23, $0x7F;
	v50 =	vld [tilespmem:s25+$0x8800];
	v57 =	vmul.f32 v49, v41;
	v49 =	vor.u32 $0xF, v8;
	v0 =	vadd.f32 v3, v0  }
.Ltmp1:
0x20c: {  	v25 =	vadd.f32 $0.0e+00, v25;
	s22 =	sadd.s32 $0x80, s22;
	v39 =	vld [tilespmem:s25+$0x8820];
	v55 =	vmul.f32 v59, v40;
	v56 =	vmul.f32 v60, v41;
	(pc) =	sbr.rel @p0 .LBB2_5-.Ltmp1, $4  }
0x20d: {  	v42 =	vor.u32 $0xD, v8;
	v60 =	vmul.f32 v62, v40;
	v59 =	vmul.f32 v35, v40;
	v35 =	vld [tilespmem:s25+$0x8810];
	[tilespmem:s22+$0x10] =	vst v0  }
0x20e: {  	v43 =	vor.u32 $0xC, v8;
	v62 =	vmul.f32 v32, v38;
	v38 =	vmul.f32 v26, v34;
	v26 =	vld.idx.msk [tilespmem:v8+s15+$0x0], $0xffff  }
0x20f: {  	v63 =	vmul.f32 v47, v34;
	v47 =	vor.u32 $0xA, v8;
	v41 =	vor.u32 $0xE, v8;
	v3 =	vld.idx.msk [tilespmem:v4+s15+$0x0], $0xffff  }
0x210: {  	s23 =	sadd.s32 $0x1, s23;
	v40 =	vmul.f32 v45, v34;
	v45 =	vor.u32 $0xB, v8;
	v34 =	vmul.f32 v50, v12;
	v4 =	vld.idx.msk [tilespmem:v49+s15+$0x0], $0xffff  }
0x211: {  	_ =	sdelay $0x3  }
0x212: {  	v32 =	vld.idx.msk [tilespmem:v41+s15+$0x0], $0xffff;
	_ =	sdelay $0x4  }
0x213: {  	[tilespmem:$0x1FEF0] =	vst v32  }
0x214: {  	v32 =	vld.idx.msk [tilespmem:v42+s15+$0x0], $0xffff;
	_ =	sdelay $0x4  }
0x215: {  	[tilespmem:$0x1FF00] =	vst v32  }
0x216: {  	v32 =	vld.idx.msk [tilespmem:v43+s15+$0x0], $0xffff;
	_ =	sdelay $0x4  }
0x217: {  	[tilespmem:$0x1FF10] =	vst v32  }
0x218: {  	v32 =	vld.idx.msk [tilespmem:v45+s15+$0x0], $0xffff;
	_ =	sdelay $0x4  }
0x219: {  	[tilespmem:$0x1FF20] =	vst v32  }
0x21a: {  	v32 =	vld.idx.msk [tilespmem:v47+s15+$0x0], $0xffff  }
0x21b: {  	v0 =	vor.u32 $0x9, v8  }
0x21c: {  	v49 =	vor.u32 $0x8, v8  }
0x21d: {  	v50 =	vor.u32 $0x7, v8  }
0x21e: {  	v43 =	vor.u32 $0x6, v8  }
0x21f: {  	v45 =	vor.u32 $0x5, v8;
	[tilespmem:$0x1FF30] =	vst v32  }
0x220: {  	s0 =	spop (v2sf);
	v32 =	vld.idx.msk [tilespmem:v0+s15+$0x0], $0xffff;
	v0 =	vor.u32 $0x4, v8  }
0x221: {  	s0 =	ssub.s32 s0, s7;
	v41 =	vld.idx.msk [tilespmem:v49+s15+$0x0], $0xffff  }
0x222: {  	p0 =	sgt.s32 s0, $0x0;
	s1 =	smov.u32 s0;
	v42 =	vld.idx.msk [tilespmem:v50+s15+$0x0], $0xffff  }
0x223: {  	s1 =	simm.s32 @!p0 $0x0;
	v47 =	vor.u32 $0x3, v8;
	v49 =	vor.u32 $0x2, v8;
	v50 =	vor.u32 $0x1, v8;
	v8 =	vld.idx.msk [tilespmem:v43+s15+$0x0], $0xffff  }
0x224: {  	v39 =	vmul.f32 v39, v12;
	s1 =	smin.u32 s1, $0x10F;
	v43 =	vld.idx.msk [tilespmem:v45+s15+$0x0], $0xffff  }
0x225: {  	s1 =	sshll.u32 s1, $0x7;
	v45 =	vld.idx.msk [tilespmem:v0+s15+$0x0], $0xffff  }
0x226: {  	v35 =	vmul.f32 v35, v12;
	v12 =	vadd.f32 v39, v28;
	v0 =	vld [tilespmem:s1+$0x8800];
	_ =	sdelay $0x1  }
0x227: {  	v12 =	vadd.f32 v63, v12  }
0x228: {  	v47 =	vld.idx.msk [tilespmem:v47+s15+$0x0], $0xffff  }
0x229: {  	v12 =	vadd.f32 v52, v12;
	s3 =	sadd.s32 $0x10, s0;
	v49 =	vld.idx.msk [tilespmem:v49+s15+$0x0], $0xffff  }
0x22a: {  	s6 =	sadd.s32 $0xF, s0;
	p0 =	sgt.s32 s3, $0x0;
	v50 =	vld.idx.msk [tilespmem:v50+s15+$0x0], $0xffff;
	[tilespmem:$0x1FEE0] =	vst v0  }
0x22b: {  	v12 =	vadd.f32 v59, v12;
	s3 =	simm.s32 @!p0 $0x0;
	p0 =	sgt.s32 s6, $0x0;
	v0 =	vld [tilespmem:s1+$0x8810]  }
0x22c: {  	v25 =	vadd.f32 v34, v25;
	s8 =	sadd.s32 $0xE, s0;
	s3 =	smin.u32 s3, $0x10F;
	s6 =	simm.s32 @!p0 $0x0;
	v34 =	vld [tilespmem:s1+$0x8820]  }
0x22d: {  	v27 =	vadd.f32 v35, v27;
	v12 =	vadd.f32 v56, v12;
	p0 =	sgt.s32 s8, $0x0;
	s23 =	sshll.u32 s3, $0x7;
	s30 =	smin.u32 s6, $0x10F;
	v35 =	vld [tilespmem:s1+$0x8830]  }
0x22e: {  	v25 =	vadd.f32 v38, v25;
	s8 =	simm.s32 @!p0 $0x0;
	s6 =	sadd.s32 $0xD, s0;
	s24 =	sshll.u32 s30, $0x7;
	v28 =	vld [tilespmem:s23+$0x8800]  }
0x22f: {  	v27 =	vadd.f32 v40, v27;
	v12 =	vadd.f32 v51, v12;
	s31 =	smin.u32 s8, $0x10F;
	p0 =	sgt.s32 s6, $0x0;
	v38 =	vld [tilespmem:s24+$0x8800]  }
0x230: {  	v25 =	vadd.f32 v61, v25;
	s25 =	sshll.u32 s31, $0x7;
	s6 =	simm.s32 @!p0 $0x0;
	v39 =	vld [tilespmem:s24+$0x8810]  }
0x231: {  	v27 =	vadd.f32 v62, v27;
	v12 =	vadd.f32 v44, v12;
	s6 =	smin.u32 s6, $0x10F;
	s1 =	sadd.s32 $0xC, s0;
	v40 =	vld [tilespmem:s25+$0x8800]  }
0x232: {  	v25 =	vadd.f32 v60, v25;
	s3 =	sadd.s32 $0xB, s0;
	s26 =	sshll.u32 s6, $0x7;
	v52 =	vld [tilespmem:s25+$0x8810];
	p0 =	sgt.s32 s1, $0x0  }
0x233: {  	v27 =	vadd.f32 v55, v27;
	v12 =	vadd.f32 v33, v12;
	v55 =	vld [tilespmem:s26+$0x8800];
	s1 =	simm.s32 @!p0 $0x0;
	p0 =	sgt.s32 s3, $0x0  }
0x234: {  	v25 =	vadd.f32 v57, v25;
	v57 =	vld [tilespmem:s26+$0x8810];
	s1 =	smin.u32 s1, $0x10F;
	s3 =	simm.s32 @!p0 $0x0  }
0x235: {  	v12 =	vadd.f32 v31, v12;
	v60 =	vld [tilespmem:$0x1FEE0];
	s28 =	sshll.u32 s1, $0x7;
	s8 =	smin.u32 s3, $0x10F;
	s3 =	sadd.s32 $0x1, s0  }
0x236: {  	v27 =	vadd.f32 v58, v27;
	v25 =	vadd.f32 v54, v25;
	s6 =	sadd.s32 $0xA, s0;
	s1 =	sadd.s32 $0x2, s0;
	p0 =	sgt.s32 s3, $0x0;
	v58 =	vld [tilespmem:s28+$0x8800]  }
0x237: {  	v12 =	vadd.f32 v24, v12;
	s29 =	sshll.u32 s8, $0x7;
	p1 =	sgt.s32 s1, $0x0;
	v54 =	vld [tilespmem:s28+$0x8810];
	s3 =	simm.s32 @!p0 $0x0  }
0x238: {  	v27 =	vadd.f32 v53, v27;
	v25 =	vadd.f32 v48, v25;
	p0 =	sgt.s32 s6, $0x0;
	s1 =	simm.s32 @!p1 $0x0;
	v53 =	vld [tilespmem:s29+$0x8800];
	s3 =	smin.u32 s3, $0x10F  }
0x239: {  	v0 =	vmul.f32 v0, v26;
	v63 =	vmul.f32 v34, v26;
	v34 =	vadd.f32 v20, v12;
	v48 =	vld [tilespmem:s29+$0x8810];
	s6 =	simm.s32 @!p0 $0x0;
	s13 =	smin.u32 s1, $0x10F;
	s19 =	sshll.u32 s3, $0x7  }
0x23a: {  	v27 =	vadd.f32 v46, v27;
	s12 =	smin.u32 s6, $0x10F;
	s6 =	sshll.u32 s13, $0x7;
	v56 =	vld [tilespmem:s19+$0x8830]  }
0x23b: {  	s8 =	sadd.s32 $0x3, s0;
	v33 =	vadd.f32 $0.0e+00, v0;
	v0 =	vadd.f32 v18, v34;
	v59 =	vld [tilespmem:s6+$0x8830]  }
0x23c: {  	v25 =	vadd.f32 v37, v25;
	p0 =	sgt.s32 s8, $0x0;
	v24 =	vld [tilespmem:s19+$0x8800]  }
0x23d: {  	v27 =	vadd.f32 v36, v27;
	s3 =	sadd.s32 $0x4, s0;
	s8 =	simm.s32 @!p0 $0x0;
	s13 =	sadd.s32 $0x6, s0;
	v0 =	vadd.f32 v15, v0;
	v15 =	vld [tilespmem:s19+$0x8810]  }
0x23e: {  	v25 =	vadd.f32 v30, v25;
	v12 =	vmul.f32 v28, v3;
	s1 =	sshll.u32 s12, $0x7;
	p0 =	sgt.s32 s3, $0x0;
	s8 =	smin.u32 s8, $0x10F;
	v28 =	vld [tilespmem:s19+$0x8820]  }
0x23f: {  	v27 =	vadd.f32 v29, v27;
	v37 =	vld [tilespmem:s1+$0x8800];
	s3 =	simm.s32 @!p0 $0x0;
	p0 =	sgt.s32 s13, $0x0;
	s8 =	sshll.u32 s8, $0x7  }
0x240: {  	v25 =	vadd.f32 v22, v25;
	s13 =	simm.s32 @!p0 $0x0;
	v30 =	vld [tilespmem:s8+$0x8830]  }
0x241: {  	v23 =	vadd.f32 v23, v27;
	s3 =	smin.u32 s3, $0x10F;
	v20 =	vld [tilespmem:s8+$0x8800];
	s30 =	smin.u32 s13, $0x10F  }
0x242: {  	v62 =	vadd.f32 v21, v25;
	v61 =	vmul.f32 v60, v26;
	v44 =	vmul.f32 v35, v26;
	v26 =	vld [tilespmem:s8+$0x8810];
	s12 =	sshll.u32 s3, $0x7;
	s3 =	sshll.u32 s30, $0x7  }
0x243: {  	v23 =	vadd.f32 v19, v23;
	v31 =	vld [tilespmem:s3+$0x8830]  }
0x244: {  	v17 =	vadd.f32 v17, v62;
	v22 =	vld [tilespmem:s3+$0x8800]  }
0x245: {  	v16 =	vadd.f32 v16, v23;
	v51 =	vadd.f32 $0.0e+00, v44;
	v21 =	vld [tilespmem:s3+$0x8810];
	v56 =	vmul.f32 v56, v50  }
0x246: {  	v14 =	vadd.f32 v14, v17;
	v19 =	vld [tilespmem:s3+$0x8820];
	s3 =	sadd.s32 $0x5, s0  }
0x247: {  	v16 =	vadd.f32 v13, v16;
	p0 =	sgt.s32 s3, $0x0;
	v17 =	vadd.f32 v56, v51;
	v51 =	vld [tilespmem:$0x1FEF0]  }
0x248: {  	v18 =	vld [tilespmem:s8+$0x8820];
	s8 =	sadd.s32 $0x9, s0;
	s3 =	simm.s32 @!p0 $0x0  }
0x249: {  	v9 =	vadd.f32 v9, v16;
	v16 =	vld [tilespmem:s1+$0x8810];
	p0 =	sgt.s32 s8, $0x0;
	s3 =	smin.u32 s3, $0x10F  }
0x24a: {  	v29 =	vld [tilespmem:s12+$0x8830];
	v59 =	vmul.f32 v59, v49;
	s8 =	simm.s32 @!p0 $0x0;
	s19 =	sshll.u32 s3, $0x7  }
0x24b: {  	v62 =	vadd.f32 v6, v9;
	v25 =	vadd.f32 $0.0e+00, v61;
	s13 =	sadd.s32 $0x7, s0;
	s31 =	smin.u32 s8, $0x10F;
	v60 =	vld [tilespmem:s19+$0x8830]  }
0x24c: {  	v61 =	vmul.f32 v30, v47;
	p0 =	sgt.s32 s13, $0x0;
	v17 =	vadd.f32 v59, v17;
	s30 =	sshll.u32 s31, $0x7;
	v6 =	vmul.f32 v52, v51;
	v52 =	vld [tilespmem:$0x1FF00]  }
0x24d: {  	v27 =	vadd.f32 $0.0e+00, v63;
	s13 =	simm.s32 @!p0 $0x0;
	v63 =	vld [tilespmem:s30+$0x8800]  }
0x24e: {  	s31 =	smin.u32 s13, $0x10F;
	v17 =	vadd.f32 v61, v17;
	v61 =	vld [tilespmem:$0x1FFA0]  }
0x24f: {  	v46 =	vmul.f32 v29, v45;
	s3 =	sshll.u32 s31, $0x7;
	v29 =	vld [tilespmem:s30+$0x8810]  }
0x250: {  	v13 =	vmul.f32 v38, v4;
	v0 =	vadd.f32 v11, v0;
	s8 =	sadd.s32 $0x8, s0;
	v38 =	vld [tilespmem:s3+$0x8830]  }
0x251: {  	v14 =	vadd.f32 v10, v14;
	p0 =	sgt.s32 s8, $0x0;
	v9 =	vmul.f32 v55, v52;
	v55 =	vld [tilespmem:$0x1FF10]  }
0x252: {  	v10 =	vmul.f32 v39, v4;
	v35 =	vadd.f32 v5, v0;
	s8 =	simm.s32 @!p0 $0x0;
	v11 =	vmul.f32 v60, v43;
	v60 =	vld [tilespmem:s6+$0x8800]  }
0x253: {  	v24 =	vmul.f32 v24, v50;
	v15 =	vmul.f32 v15, v50;
	s8 =	smin.u32 s8, $0x10F;
	v0 =	vadd.f32 v61, v62;
	v62 =	vld [tilespmem:s6+$0x8810]  }
0x254: {  	v14 =	vadd.f32 v7, v14;
	v20 =	vmul.f32 v20, v47;
	s8 =	sshll.u32 s8, $0x7;
	v30 =	vmul.f32 v63, v32;
	v63 =	vld [tilespmem:s6+$0x8820]  }
0x255: {  	v26 =	vmul.f32 v26, v47;
	v5 =	vmul.f32 v57, v52;
	v57 =	vld [tilespmem:s8+$0x8830]  }
0x256: {  	v2 =	vadd.f32 v2, v14;
	v18 =	vmul.f32 v18, v47;
	v36 =	vmul.f32 v58, v55;
	v58 =	vld [tilespmem:$0x1FF20]  }
0x257: {  	v1 =	vadd.f32 v1, v35;
	v31 =	vmul.f32 v31, v8;
	v22 =	vmul.f32 v22, v8;
	v59 =	vld [tilespmem:s8+$0x8800]  }
0x258: {  	v24 =	vadd.f32 v24, v25;
	v21 =	vmul.f32 v21, v8;
	v8 =	vmul.f32 v19, v8;
	v47 =	vld [tilespmem:s8+$0x8810]  }
0x259: {  	v56 =	vadd.f32 v46, v17;
	v44 =	vmul.f32 v60, v49;
	v60 =	vld [tilespmem:s19+$0x8810];
	v34 =	vmul.f32 v62, v49  }
0x25a: {  	v15 =	vadd.f32 v15, v33;
	v46 =	vmul.f32 v63, v49;
	v63 =	vld [tilespmem:s30+$0x8830];
	v39 =	vmul.f32 v54, v55  }
0x25b: {  	v11 =	vadd.f32 v11, v56;
	v17 =	vmul.f32 v57, v41;
	v57 =	vld [tilespmem:s12+$0x8810];
	v14 =	vmul.f32 v53, v58  }
0x25c: {  	v54 =	vmovc v55;
	v55 =	vld [tilespmem:s12+$0x8800];
	v23 =	vmul.f32 v48, v58;
	v48 =	vmov v58;
	v58 =	vmul.f32 v28, v50  }
0x25d: {  	v11 =	vadd.f32 v31, v11;
	v31 =	vmul.f32 v59, v41;
	v59 =	vld [tilespmem:s12+$0x8820];
	v15 =	vadd.f32 v34, v15  }
0x25e: {  	v7 =	vmul.f32 v40, v51;
	v29 =	vmul.f32 v29, v32;
	v56 =	vld [tilespmem:s19+$0x8800];
	v25 =	vadd.f32 v58, v27  }
0x25f: {  	v61 =	vld [tilespmem:s19+$0x8820];
	v38 =	vmul.f32 v38, v42;
	v24 =	vadd.f32 v44, v24;
	v15 =	vadd.f32 v26, v15  }
0x260: {  	v62 =	vld [tilespmem:s3+$0x8800];
	v33 =	vmul.f32 v60, v43;
	v40 =	vmul.f32 v57, v45;
	v25 =	vadd.f32 v46, v25  }
0x261: {  	v44 =	vld [tilespmem:s3+$0x8810];
	v20 =	vadd.f32 v20, v24;
	v24 =	vmul.f32 v63, v32;
	v35 =	vmul.f32 v55, v45  }
0x262: {  	v63 =	vld [tilespmem:s28+$0x8830];
	v28 =	vmul.f32 v59, v45;
	v15 =	vadd.f32 v40, v15;
	v18 =	vadd.f32 v18, v25  }
0x263: {  	v11 =	vadd.f32 v38, v11;
	v38 =	vmul.f32 v56, v43;
	v20 =	vadd.f32 v35, v20;
	v46 =	vld [tilespmem:s3+$0x8820]  }
0x264: {  	v53 =	vld [tilespmem:$0x1FF30];
	v27 =	vmul.f32 v61, v43;
	v15 =	vadd.f32 v33, v15;
	v18 =	vadd.f32 v28, v18  }
0x265: {  	v49 =	vld [tilespmem:s8+$0x8820];
	v11 =	vadd.f32 v17, v11;
	v34 =	vmul.f32 v62, v42;
	v20 =	vadd.f32 v38, v20  }
0x266: {  	v50 =	vld [tilespmem:s1+$0x8830];
	v57 =	vmul.f32 v44, v42;
	v15 =	vadd.f32 v21, v15;
	v18 =	vadd.f32 v27, v18  }
0x267: {  	v56 =	vld [tilespmem:s30+$0x8820];
	v62 =	vmul.f32 v47, v41;
	v11 =	vadd.f32 v24, v11;
	v55 =	vadd.f32 v22, v20  }
0x268: {  	v58 =	vld [tilespmem:s29+$0x8830];
	v15 =	vadd.f32 v57, v15;
	v59 =	vmul.f32 v46, v42;
	v8 =	vadd.f32 v8, v18  }
0x269: {  	v61 =	vld [tilespmem:s1+$0x8820];
	v17 =	vmul.f32 v63, v54;
	v37 =	vmul.f32 v37, v53;
	v60 =	vadd.f32 v34, v55  }
0x26a: {  	v47 =	vld [tilespmem:s24+$0x8820];
	v28 =	vmul.f32 v49, v41;
	v15 =	vadd.f32 v62, v15;
	v8 =	vadd.f32 v59, v8  }
0x26b: {  	v16 =	vmul.f32 v16, v53;
	v33 =	vmul.f32 v50, v53;
	v18 =	vadd.f32 v31, v60;
	v31 =	vld [tilespmem:s29+$0x8820]  }
0x26c: {  	v20 =	vmul.f32 v56, v32;
	v34 =	vld [tilespmem:s26+$0x8830];
	v15 =	vadd.f32 v29, v15;
	v8 =	vadd.f32 v28, v8  }
0x26d: {  	v35 =	vld [tilespmem:s28+$0x8820];
	v11 =	vadd.f32 v33, v11;
	v21 =	vmul.f32 v58, v48;
	v18 =	vadd.f32 v30, v18  }
0x26e: {  	v38 =	vld [tilespmem:s25+$0x8830];
	v19 =	vmul.f32 v61, v53;
	v15 =	vadd.f32 v16, v15;
	v8 =	vadd.f32 v20, v8  }
0x26f: {  	v40 =	vld [tilespmem:s26+$0x8820];
	v55 =	vmul.f32 v47, v4;
	v11 =	vadd.f32 v21, v11;
	v18 =	vadd.f32 v37, v18  }
0x270: {  	v41 =	vld [tilespmem:s24+$0x8830];
	v15 =	vadd.f32 v23, v15;
	v42 =	vmul.f32 v31, v48;
	v8 =	vadd.f32 v19, v8  }
0x271: {  	v43 =	vld [tilespmem:s25+$0x8820];
	v11 =	vadd.f32 v17, v11;
	v44 =	vmul.f32 v34, v52;
	v14 =	vadd.f32 v14, v18  }
0x272: {  	v45 =	vld [tilespmem:s23+$0x8830];
	v46 =	vmul.f32 v35, v54;
	v15 =	vadd.f32 v39, v15;
	v8 =	vadd.f32 v42, v8  }
0x273: {  	v49 =	vld [tilespmem:s23+$0x8810];
	v11 =	vadd.f32 v44, v11;
	v48 =	vmul.f32 v38, v51;
	v14 =	vadd.f32 v36, v14  }
0x274: {  	v20 =	vmul.f32 v40, v52;
	v5 =	vadd.f32 v5, v15;
	v8 =	vadd.f32 v46, v8  }
0x275: {  	v50 =	vld [tilespmem:s23+$0x8820];
	v16 =	vmul.f32 v41, v4;
	v11 =	vadd.f32 v48, v11;
	v9 =	vadd.f32 v9, v14  }
0x276: {  	v52 =	vmul.f32 v43, v51;
	v5 =	vadd.f32 v6, v5;
	v8 =	vadd.f32 v20, v8  }
0x277: {  	v54 =	vmul.f32 v45, v3;
	v53 =	vadd.f32 v16, v11;
	v7 =	vadd.f32 v7, v9  }
0x278: {  	[tilespmem:s22+$0xFFFFFFE0] =	vst v2;
	v58 =	vmul.f32 v49, v3;
	v5 =	vadd.f32 v10, v5;
	v56 =	vadd.f32 v52, v8  }
0x279: {  	[tilespmem:s22+$0xFFFFFFF0] =	vst v0;
	v59 =	vadd.f32 v54, v53;
	v57 =	vadd.f32 v13, v7  }
0x27a: {  	s30 =	sadd.s32 $0x80, s22;
	[tilespmem:s22+$0x0] =	vst v1;
	v60 =	vmul.f32 v50, v3;
	v63 =	vadd.f32 v58, v5;
	v61 =	vadd.f32 v55, v56  }
0x27b: {  	[tilespmem:s30+$0x10] =	vst v59;
	v62 =	vadd.f32 v12, v57  }
0x27c: {  	s20 =	sadd.s32 $0x1, s20;
	[tilespmem:s30+$0xFFFFFFF0] =	vst v63;
	v1 =	vadd.f32 v60, v61  }
0x27d: {  	p0 =	sne.s32 s20, $0x10;
	[tilespmem:s30+$0xFFFFFFE0] =	vst v62  }
.Ltmp2:
0x27e: {  	s31 =	sadd.s32 s5, s21;
	[tilespmem:s30+$0x0] =	vst v1;
	(pc) =	sbr.rel @p0 .LBB2_2-.Ltmp2, $4  }
0x27f: {  	[hbm4b:s31+s2] =	stream.linear.scatter [tilespmem:s17], [sflag:$0x3], $0x4000, $0x38;
	[tilespmem:$0x19000] =	vst v63  }
0x280: {  	_ =	swait.ge [sflag:s16], $0x4000  }
0x281: {  	[sflag:s16] =	ssyncset.done $0x0  }
0x282: {  	[sflag:s16] =	ssyncadd.s32 $0xFFFFC000  }
0x283: {  	s1 =	rddreg [dreg:$0x6]  }
0x284: {  	s0 =	rddreg [dreg:$0x5];
	s1 =	sadd.s32 $0x1, s1  }
0x285: {  	p0 =	sne.s32 s1, s0  }
.Ltmp3:
0x286: {  	_ = 	snop;
	(pc) =	sbr.rel @p0 .LBB2_1-.Ltmp3, $1  }
0x287: {  	_ =	sdelay $0x3  }
0x288: {  	_ =	sfence.sel $0x180000  }
0x289: {  	[bflag:$0x0] =	sbarrier.arrive $0xFFFF  }
0x28a: {  	_ =	strace $0x9000004A  }
0x28b: {  	s0 =	stileid.u32;
	[bflag:$0x2] =	sbarrier.arrive $0xFFFF  }
0x28c: {  	p0 =	sne.s32 s0, $0x0;
	s0 =	rddreg [dreg:$0x1]  }
0x28d: {  	s0 =	sadd.s32 @!p0 $0x100000, s0  }
0x28e: {  	[sflag:s0] =	ssyncadd.tile.s32 @!p0 $0x1;
	_ =	shalt  }
.Lfunc_end2:
_tile_overlayer_lowered:
.L_overlay_start_2:
0x28f: {  	(tag) =	ssettag $0x2  }
0x290: {  	s0 =	rddreg [dreg:$0x0];
	s2 =	stileid.u32  }
0x291: {  	s1 =	rddreg [dreg:$0x1];
	p0 =	sne.s32 s2, $0x0  }
0x292: {  	s3 =	rddreg [dreg:$0x2];
	[bflag:$0x3] =	sbarrier.arrive $0xFFFF;
	s2 =	simm.s32 @!p0 $0x1C03  }
0x293: {  	[timem:s3], [sflag:s2] =	dma.local @!p0 [hbm:s0], s1  }
0x294: {  	s0 =	simm.s32 @!p0 $0x3  }
0x295: {  	_ =	swait.ge @!p0 [sflag:s0], s1  }
0x296: {  	s1 =	ssub.s32 @!p0 $0x0, s1;
	[sflag:s0] =	ssyncset.done @!p0 $0x0  }
0x297: {  	[sflag:s0] =	ssyncadd.s32 @!p0 s1  }
0x298: {  	[bflag:$0x3] =	sbarrier.arrive $0xFFFF  }
0x299: {  	_ =	shalt  }

// kernel: sparse-core-data-format-call.1.cloned.1.call-start
scs
called_computation.1_lowered:
.L_overlay_start_0:
0x0: {  	s1 =	sld [smem:$0x3FD9]  }
0x1: {  	s2 =	sld [smem:$0x3FFE];
	_ =	sdelay $0x1  }
0x2: {  	s3 =	srdreg.scid  }
0x3: {  	s0 =	sand.u32 $0x1, s3  }
0x4: {  	s17 =	sshll.u32 s0, $0xA;
	s1 =	sadd.s32 s2, s1  }
0x5: {  	s1 =	sadd.s32 s1, s17  }
0x6: {  	[smem:$0x3FBB] =	sst s1  }
0x7: {  	_ = 	snop  }
0x8: {  	(tm) =	ssettm $0x1  }
0x9: {  	s18 =	sld [smem:$0x3FFB];
	_ =	sdelay $0x3  }
0xa: {  	_ =	strace s18  }
0xb: {  	s1 =	sld [smem:$0x3FFC];
	_ =	sdelay $0x3  }
0xc: {  	_ =	strace s1  }
0xd: {  	s1 =	sld [smem:$0x3FFD];
	_ =	sdelay $0x3  }
0xe: {  	_ =	strace s1  }
0xf: {  	_ =	strace $0x8FFFFFFF  }
0x10: {  	s19 =	sld [smem:$0x3FDB];
	_ =	sdelay $0x1  }
0x11: {  	s20 =	simm.s32 $_scs_section_size  }
0x12: {  	s4 =	simm.s32 $_size__tile_overlayer_lowered;
	s5 =	simm.s32 $_tile_overlayer_lowered  }
0x13: {  	s23 =	simm.s32 $0x1BFF;
	s22 =	sshll.u32 s5, $0x1;
	s1 =	sadd.s32 s20, s19  }
0x14: {  	s6 =	simm.s32 $0x0;
	s21 =	sshll.u32 s4, $0x1;
	s4 =	sadd.s32 s22, s1  }
0x15: {  	[timem:s6], [sflag:s23] =	dma.local [hbm:s4], s21  }
0x16: {  	_ =	swait.ge [sflag:s23], s21  }
0x17: {  	s2 =	ssub.s32 $0x0, s21;
	[sflag:s23] =	ssyncset.done $0x0  }
0x18: {  	[sflag:s23] =	ssyncadd.s32 s2;
	_ =	sdelay $0x1  }
0x19: {  	s24 =	simm.s32 $0x1B8B  }
0x1a: {  	_ =	swait.ge [sflag:s24], $0x1  }
0x1b: {  	[sflag:s24] =	ssyncset.done $0x0  }
0x1c: {  	s26 =	simm.s32 $0x1B8E;
	s25 =	sld [smem:$0x3FFE];
	[sflag:s24] =	ssyncadd.s32 $0xFFFFFFFF  }
0x1d: {  	s27 =	simm.s32 $execute0_lowered;
	[smem:$0x3FD2] =	sst s26  }
0x1e: {  	s4 =	sshll.u32 s27, $0x1;
	_ =	strace $0x80000046;
	[dreg:$0x1] =	wrdreg $0xFFFFFFFF  }
0x1f: {  	s28 =	simm.s32 $_size_execute0_lowered;
	s1 =	sadd.s32 s1, s4;
	[dreg:$0x0] =	wrdreg $0x0  }
0x20: {  	s4 =	sshll.u32 s28, $0x1;
	[dreg:$0x2] =	wrdreg s1  }
0x21: {  	[dreg:$0x3] =	wrdreg s4  }
0x22: {  	[dreg:$0x4] =	wrdreg $0xC0  }
0x23: {  	_ =	task [dreg:s6], $0x5FFFF  }
0x24: {  	[dreg:$0x1] =	wrdreg $0xFFFFFFFF  }
0x25: {  	[dreg:$0x0] =	wrdreg $0x60  }
0x26: {  	[dreg:$0x2] =	wrdreg s25  }
0x27: {  	[dreg:$0x3] =	wrdreg $0x9  }
0x28: {  	_ =	task.clear_ibuf [dreg:s6], $0x4FFFF;
	_ =	strace $0x90000046  }
0x29: {  	s29 =	simm.s32 $0x9;
	_ =	strace $0x80000048  }
0x2a: {  	_ =	swait.ge [sflag:s29], $0x1  }
0x2b: {  	[sflag:s29] =	ssyncadd.s32 $0xFFFFFFFF  }
0x2c: {  	_ =	strace $0x90000048  }
0x2d: {  	_ =	sfence  }
0x2e: {  	s30 =	sld [smem:$0x0];
	_ =	sdelay $0x2  }
0x2f: {  	s31 =	sshll.u32 s3, $0xD;
	s3 =	sshrl.u32 s3, $0x2  }
0x30: {  	s2 =	sand.u32 $0x4000, s31;
	s1 =	sadd.s32 s3, s30  }
0x31: {  	s0 =	sor.u32 s2, s0;
	s1 =	sshll.u32 s1, $0x11  }
0x32: {  	s0 =	sor.u32 s1, s0  }
0x33: {  	s0 =	sadd.s32 $0x8F2B, s0  }
0x34: {  	[sflag:s0] =	ssyncadd.remote.s32 $0x1  }
0x35: {  	_ =	sfence.sel $0xFFFF  }
0x36: {  	[dreg:$0x0] =	wrdreg $0xFFFFFFFF;
	(pc) =	sbr.abs _section_cstart, $3  }
0x37: {  	[dreg:$0x1] =	wrdreg $0xFFFFFFFF  }
0x38: {  	_ =	task.clear_ibuf [dreg:s6], $0x2FFFF;
	_ =	strace $0x9FFFFFFF  }
0x39: {  	(tm) =	ssettm $0x7FFFFFFF  }
tec
execute0_lowered:
.L_overlay_start_1:
0x0: {  	(tag) =	ssettag $0x1  }
0x1: {  	s0 =	stileid.u32;
	s1 =	srdreg.scid  }
0x2: {  	s6 =	rddreg [dreg:$0x0];
	s31 =	simm.s32 $0x2;
	s16 =	simm.s32 $0x0  }
0x3: {  	s9 =	simm.s32 $0x40;
	s2 =	sshll.u32 s0, $0x7;
	s1 =	sshll.u32 s1, $0xB  }
0x4: {  	s10 =	simm.s32 $0x80;
	s11 =	simm.s32 $0x0;
	s1 =	sor.u32 s2, s1  }
0x5: {  	s17 =	simm.s32 $0x0;
	s2 =	sand.u32 $0x1, s0;
	s1 =	sand.u32 $0xF00, s1  }
0x6: {  	s18 =	simm.s32 $0x0;
	s4 =	ssub.s32 $0x2, s2;
	s3 =	ssub.s32 $0x1000, s1  }
0x7: {  	s12 =	simm.s32 $0x0;
	s7 =	sshrl.u32 s4, $0x1;
	s5 =	sand.u32 $0xF00, s3  }
0x8: {  	s4 =	sand.u32 $0x1, s4;
	p0 =	sne.s32 s5, $0x0;
	s5 =	simm.s32 $0x1  }
0x9: {  	s8 =	sshrl.u32 s3, $0xC;
	s3 =	rddreg [dreg:$0x1];
	s5 =	simm.s32 @!p0 $0x0  }
.Ltmp0:
0xa: {  	s7 =	sadd.s32 s4, s7;
	s5 =	sadd.s32 s5, s8;
	(pc) =	sbr.rel .LBB1_1-.Ltmp0, $4  }
0xb: {  	_ =	strace $0x80000047;
	s4 =	simm.s32 $0x1;
	s7 =	smul.u32 s5, s7  }
0xc: {  	s15 =	simm.s32 $0x0;
	s14 =	smov.u32 s2;
	[sflag:s4] =	ssyncpa.u1 $0x0  }
0xd: {  	s13 =	smov.u32 s1;
	[sflag:s31] =	ssyncpa.u1 $0x0;
	s7 =	sshll.u32 s7, $0x4  }
0xe: {  	s5 =	sadd.s32 $0x201000, s6;
	s6 =	sadd.s32 $0x401000, s6;
	s8 =	sor.u32 $0x1, s7  }
.LBB1_4:
0xf: {  	_ =	sdelay $0x3  }
0x10: {  	[tilespmem:v1+s19+$0x10 ss:$0x1] =	vst.idx.msk $0xffff, v3;
	s18 =	sshll.u32 s18, $0x14  }
0x11: {  	[tilespmem:v1+s19+$0xFFFFFFE0 ss:$0x1] =	vst.idx.msk $0xffff, v4;
	s16 =	sshll.u32 s16, $0x10;
	s17 =	sshll.u32 s17, $0x4;
	s18 =	sadd.s32 s6, s18  }
0x12: {  	[tilespmem:v1+s19+$0xFFFFFFF0 ss:$0x1] =	vst.idx.msk $0xffff, v2;
	s17 =	sand.u32 $0xFFF0, s17;
	s16 =	sadd.s32 s16, s18  }
0x13: {  	[tilespmem:v1+s19+$0x0 ss:$0x1] =	vst.idx.msk $0xffff, v5;
	s16 =	sadd.s32 s17, s16  }
0x14: {  	[hbm4b:s16+s9] =	stream.strided.scatter [tilespmem:s20], [sflag:$0x2], $0x4000, s10, s9, $0x38;
	[tilespmem:$0x10000] =	vst v63  }
.LBB1_5:
0x15: {  	s19 =	sadd.s32 $0x1, s12  }
0x16: {  	s16 =	sadd.s32 $0x1000, s13;
	s20 =	smov.u32 s13;
	p1 =	sgt.s32 s19, $0xF  }
0x17: {  	s20 =	smov.u32 @p1 s16  }
0x18: {  	s22 =	smov.u32 s14;
	s16 =	sadd.s32 $0x2, s14;
	p2 =	sgt.s32 s20, $0xFFF  }
0x19: {  	s22 =	smov.u32 @p2 s16  }
0x1a: {  	s19 =	simm.s32 @p1 $0x0;
	p1 =	sgt.s32 s22, $0x1  }
0x1b: {  	p0 =	slt.u32 s15, $0x2;
	s22 =	smov.u32 @p1 s2;
	p1 =	sne.s32 s15, s8  }
.Ltmp1:
0x1c: {  	s21 =	simm.s32 @!p0 $0x2;
	(pc) =	sbr.rel @!p1 .LBB1_6-.Ltmp1, $4  }
0x1d: {  	s17 =	smov.u32 s13;
	s18 =	smov.u32 s14;
	_ =	swait.ge @!p0 [sflag:s21], $0x4000  }
0x1e: {  	s11 =	sadd.s32 $0x4000, s11;
	[sflag:s21] =	ssyncset.done @!p0 $0x0;
	s20 =	smov.u32 @p2 s1  }
0x1f: {  	s16 =	smov.u32 s12;
	[sflag:s21] =	ssyncadd.s32 @!p0 $0xFFFFC000;
	s12 =	smov.u32 s19  }
0x20: {  	s13 =	smov.u32 s20;
	s15 =	sadd.s32 $0x1, s15;
	s14 =	smov.u32 s22  }
.LBB1_1:
0x21: {  	p0 =	sge.u32 s15, s7;
	s31 =	sadd.s32 $0xFFFFFFFF, s15  }
0x22: {  	s19 =	sxor.u32 @!p0 $0xFFFFFFFF, s15;
	s20 =	sshll.u32 @!p0 s14, $0x14;
	s21 =	sshll.u32 @!p0 s13, $0x8  }
0x23: {  	s22 =	sshll.u32 @!p0 s12, $0x4;
	s19 =	sshll.u32 @!p0 s19, $0xE;
	s20 =	sadd.s32 @!p0 s5, s20  }
0x24: {  	s22 =	sand.u32 @!p0 $0xF0, s22;
	s19 =	sand.u32 @!p0 $0x4000, s19;
	s20 =	sadd.s32 @!p0 s21, s20  }
0x25: {  	s21 =	simm.s32 @!p0 $0x40;
	s20 =	sadd.s32 @!p0 s22, s20;
	s22 =	simm.s32 @!p0 $0x800  }
0x26: {  	[tilespmem:s19], [sflag:$0x1] =	stream.strided.gather @!p0 [hbm4b:s20+s21], $0x4000, s22, s21, $0x38;
	[tilespmem:$0x10000] =	vst v63  }
0x27: {  	p0 =	sge.u32 s31, s7  }
.Ltmp2:
0x28: {  	_ = 	snop;
	(pc) =	sbr.rel @p0 .LBB1_5-.Ltmp2, $1  }
0x29: {  	_ =	sdelay $0x3  }
0x2a: {  	s20 =	sand.u32 $0x4000, s11  }
0x2b: {  	v0 =	vmov s20;
	_ =	sdelay $0x1  }
0x2c: {  	_ =	swait.ge [sflag:s4], $0x4000  }
0x2d: {  	[sflag:s4] =	ssyncset.done $0x0  }
0x2e: {  	s19 =	simm.s32 $0x0;
	[sflag:s4] =	ssyncadd.s32 $0xFFFFC000  }
0x2f: {  	s22 =	sor.u32 $0x8020, s20;
	v3 =	vld.idx.msk [tilespmem:v0+s19+$0x30 ss:$0x1], $0xffff  }
0x30: {  	s21 =	sshll.u32 s15, $0xE;
	v1 =	vmov s22;
	v4 =	vld.idx.msk [tilespmem:v0+s19+$0x0 ss:$0x1], $0xffff  }
0x31: {  	s31 =	sand.u32 $0x4000, s21;
	v2 =	vld.idx.msk [tilespmem:v0+s19+$0x10 ss:$0x1], $0xffff  }
0x32: {  	s21 =	simm.s32 $0x100;
	s20 =	sor.u32 $0x8000, s31;
	v5 =	vld.idx.msk [tilespmem:v0+s19+$0x20 ss:$0x1], $0xffff  }
.LBB1_3:
0x33: {  	p0 =	sne.s32 s21, $0xFF00  }
.Ltmp3:
0x34: {  	s22 =	sshra.s32 s21, $0x2;
	s21 =	sadd.s32 $0x100, s21;
	(pc) =	sbr.rel @p0 .LBB1_3-.Ltmp3, $4  }
0x35: {  	[tilespmem:v1+s19+$0x10 ss:$0x1] =	vst.idx.msk $0xffff, v3;
	v3 =	vld.idx.msk [tilespmem:v0+s22+$0x30 ss:$0x1], $0xffff  }
0x36: {  	[tilespmem:v1+s19+$0xFFFFFFE0 ss:$0x1] =	vst.idx.msk $0xffff, v4;
	v4 =	vld.idx.msk [tilespmem:v0+s22+$0x0 ss:$0x1], $0xffff  }
0x37: {  	[tilespmem:v1+s19+$0xFFFFFFF0 ss:$0x1] =	vst.idx.msk $0xffff, v2;
	v2 =	vld.idx.msk [tilespmem:v0+s22+$0x10 ss:$0x1], $0xffff  }
0x38: {  	[tilespmem:v1+s19+$0x0 ss:$0x1] =	vst.idx.msk $0xffff, v5;
	v5 =	vld.idx.msk [tilespmem:v0+s22+$0x20 ss:$0x1], $0xffff;
	s19 =	smov.u32 s22  }
.Ltmp4:
0x39: {  	_ = 	snop;
	(pc) =	sbr.rel .LBB1_4-.Ltmp4, $1  }
0x3a: {  	_ =	sdelay $0x3  }
.LBB1_6:
0x3b: {  	_ =	sfence.sel $0x180000  }
0x3c: {  	s1 =	simm.s32 $0x1;
	[bflag:$0x0] =	sbarrier.arrive $0xFFFF  }
0x3d: {  	s31 =	simm.s32 $0x2;
	[sflag:s1] =	ssyncpa.u1 $0x1  }
0x3e: {  	[sflag:s31] =	ssyncpa.u1 $0x1  }
0x3f: {  	p0 =	sne.s32 s0, $0x0;
	_ =	strace $0x90000047  }
0x40: {  	s0 =	sadd.s32 @!p0 $0x100000, s3;
	[bflag:$0x2] =	sbarrier.arrive $0xFFFF  }
0x41: {  	[sflag:s0] =	ssyncadd.tile.s32 @!p0 $0x1;
	_ =	shalt  }
.Lfunc_end1:
_tile_overlayer_lowered:
.L_overlay_start_2:
0x42: {  	(tag) =	ssettag $0x2  }
0x43: {  	s0 =	rddreg [dreg:$0x0];
	s2 =	stileid.u32  }
0x44: {  	s1 =	rddreg [dreg:$0x1];
	p0 =	sne.s32 s2, $0x0  }
0x45: {  	s3 =	rddreg [dreg:$0x2];
	[bflag:$0x3] =	sbarrier.arrive $0xFFFF;
	s2 =	simm.s32 @!p0 $0x1C01  }
0x46: {  	[timem:s3], [sflag:s2] =	dma.local @!p0 [hbm:s0], s1  }
0x47: {  	s0 =	simm.s32 @!p0 $0x1  }
0x48: {  	_ =	swait.ge @!p0 [sflag:s0], s1  }
0x49: {  	s1 =	ssub.s32 @!p0 $0x0, s1;
	[sflag:s0] =	ssyncset.done @!p0 $0x0  }
0x4a: {  	[sflag:s0] =	ssyncadd.s32 @!p0 s1  }
0x4b: {  	[bflag:$0x3] =	sbarrier.arrive $0xFFFF  }
0x4c: {  	_ =	shalt  }

// kernel: sparse-core-data-format-call.cloned.1.call-start
scs
called_computation_lowered:
.L_overlay_start_0:
0x0: {  	s1 =	sld [smem:$0x3FD9]  }
0x1: {  	s2 =	sld [smem:$0x3FFE];
	_ =	sdelay $0x1  }
0x2: {  	s3 =	srdreg.scid  }
0x3: {  	s0 =	sand.u32 $0x1, s3  }
0x4: {  	s17 =	sshll.u32 s0, $0xA;
	s1 =	sadd.s32 s2, s1  }
0x5: {  	s1 =	sadd.s32 s1, s17  }
0x6: {  	[smem:$0x3FBB] =	sst s1  }
0x7: {  	_ = 	snop  }
0x8: {  	(tm) =	ssettm $0x1  }
0x9: {  	s18 =	sld [smem:$0x3FFB];
	_ =	sdelay $0x3  }
0xa: {  	_ =	strace s18  }
0xb: {  	s1 =	sld [smem:$0x3FFC];
	_ =	sdelay $0x3  }
0xc: {  	_ =	strace s1  }
0xd: {  	s1 =	sld [smem:$0x3FFD];
	_ =	sdelay $0x3  }
0xe: {  	_ =	strace s1  }
0xf: {  	_ =	strace $0x8FFFFFFF  }
0x10: {  	s19 =	sld [smem:$0x3FDB];
	_ =	sdelay $0x1  }
0x11: {  	s20 =	simm.s32 $_scs_section_size  }
0x12: {  	s4 =	simm.s32 $_size__tile_overlayer_lowered;
	s5 =	simm.s32 $_tile_overlayer_lowered  }
0x13: {  	s23 =	simm.s32 $0x1BFF;
	s22 =	sshll.u32 s5, $0x1;
	s1 =	sadd.s32 s20, s19  }
0x14: {  	s6 =	simm.s32 $0x0;
	s21 =	sshll.u32 s4, $0x1;
	s4 =	sadd.s32 s22, s1  }
0x15: {  	[timem:s6], [sflag:s23] =	dma.local [hbm:s4], s21  }
0x16: {  	_ =	swait.ge [sflag:s23], s21  }
0x17: {  	s2 =	ssub.s32 $0x0, s21;
	[sflag:s23] =	ssyncset.done $0x0  }
0x18: {  	[sflag:s23] =	ssyncadd.s32 s2;
	_ =	sdelay $0x1  }
0x19: {  	s24 =	simm.s32 $0x1B8B  }
0x1a: {  	_ =	swait.ge [sflag:s24], $0x1  }
0x1b: {  	[sflag:s24] =	ssyncset.done $0x0  }
0x1c: {  	s26 =	simm.s32 $0x1B8E;
	s25 =	sld [smem:$0x3FFE];
	[sflag:s24] =	ssyncadd.s32 $0xFFFFFFFF  }
0x1d: {  	s27 =	simm.s32 $execute0_lowered;
	[smem:$0x3FD2] =	sst s26  }
0x1e: {  	s4 =	sshll.u32 s27, $0x1;
	_ =	strace $0x8000004C;
	[dreg:$0x1] =	wrdreg $0xFFFFFFFF  }
0x1f: {  	s28 =	simm.s32 $_size_execute0_lowered;
	s1 =	sadd.s32 s1, s4;
	[dreg:$0x0] =	wrdreg $0x0  }
0x20: {  	s4 =	sshll.u32 s28, $0x1;
	[dreg:$0x2] =	wrdreg s1  }
0x21: {  	[dreg:$0x3] =	wrdreg s4  }
0x22: {  	[dreg:$0x4] =	wrdreg $0xC0  }
0x23: {  	_ =	task [dreg:s6], $0x5FFFF  }
0x24: {  	[dreg:$0x1] =	wrdreg $0xFFFFFFFF  }
0x25: {  	[dreg:$0x0] =	wrdreg $0x60  }
0x26: {  	[dreg:$0x2] =	wrdreg s25  }
0x27: {  	[dreg:$0x3] =	wrdreg $0x9  }
0x28: {  	_ =	task.clear_ibuf [dreg:s6], $0x4FFFF;
	_ =	strace $0x9000004C  }
0x29: {  	s29 =	simm.s32 $0x9;
	_ =	strace $0x8000004E  }
0x2a: {  	_ =	swait.ge [sflag:s29], $0x1  }
0x2b: {  	[sflag:s29] =	ssyncadd.s32 $0xFFFFFFFF  }
0x2c: {  	_ =	strace $0x9000004E  }
0x2d: {  	_ =	sfence  }
0x2e: {  	s30 =	sld [smem:$0x0];
	_ =	sdelay $0x2  }
0x2f: {  	s31 =	sshll.u32 s3, $0xD;
	s3 =	sshrl.u32 s3, $0x2  }
0x30: {  	s2 =	sand.u32 $0x4000, s31;
	s1 =	sadd.s32 s3, s30  }
0x31: {  	s0 =	sor.u32 s2, s0;
	s1 =	sshll.u32 s1, $0x11  }
0x32: {  	s0 =	sor.u32 s1, s0  }
0x33: {  	s0 =	sadd.s32 $0x8F2B, s0  }
0x34: {  	[sflag:s0] =	ssyncadd.remote.s32 $0x1  }
0x35: {  	_ =	sfence.sel $0xFFFF  }
0x36: {  	[dreg:$0x0] =	wrdreg $0xFFFFFFFF;
	(pc) =	sbr.abs _section_cstart, $3  }
0x37: {  	[dreg:$0x1] =	wrdreg $0xFFFFFFFF  }
0x38: {  	_ =	task.clear_ibuf [dreg:s6], $0x2FFFF;
	_ =	strace $0x9FFFFFFF  }
0x39: {  	(tm) =	ssettm $0x7FFFFFFF  }
tec
execute0_lowered:
.L_overlay_start_1:
0x0: {  	(tag) =	ssettag $0x1  }
0x1: {  	s4 =	rddreg [dreg:$0x0]  }
0x2: {  	s0 =	rddreg [dreg:$0x1];
	s2 =	srdreg.scid  }
0x3: {  	_ =	strace $0x8000004D;
	s1 =	stileid.u32;
	s9 =	simm.s32 $0x2  }
0x4: {  	s15 =	simm.s32 $0x0;
	p0 =	por $0x0, $0x0;
	s10 =	simm.s32 $0x800  }
0x5: {  	s16 =	simm.s32 $0x0;
	s17 =	simm.s32 $0x0;
	s11 =	simm.s32 $0x0  }
0x6: {  	s14 =	simm.s32 $0x0;
	s3 =	sshll.u32 s2, $0x4;
	s2 =	sadd.s32 $0x401000, s4  }
0x7: {  	s4 =	sadd.s32 $0x1000, s4;
	s5 =	sand.u32 $0x10, s3;
	s3 =	sand.u32 $0x1, s1  }
.Ltmp0:
0x8: {  	s6 =	sor.u32 s1, s5;
	s7 =	ssub.s32 $0x2, s3;
	(pc) =	sbr.rel .LBB1_1-.Ltmp0, $4  }
0x9: {  	s5 =	simm.s32 $0x1;
	s8 =	sshrl.u32 s7, $0x1;
	s7 =	sand.u32 $0x1, s7  }
0xa: {  	s13 =	smov.u32 s3;
	[sflag:s5] =	ssyncpa.u1 $0x0;
	s7 =	sadd.s32 s7, s8  }
0xb: {  	s6 =	sshrl.u32 s6, $0x1;
	[sflag:s9] =	ssyncpa.u1 $0x0;
	s7 =	sshll.u32 s7, $0x4  }
0xc: {  	s9 =	simm.s32 $0x40;
	s12 =	smov.u32 s6;
	s8 =	sor.u32 $0x1, s7  }
.LBB1_4:
0xd: {  	_ =	sdelay $0x3  }
0xe: {  	[tilespmem:v1+s18+$0x10 ss:$0x1] =	vst.idx.msk $0xffff, v3;
	s17 =	sshll.u32 s17, $0x14  }
0xf: {  	[tilespmem:v1+s18+$0xFFFFFFE0 ss:$0x1] =	vst.idx.msk $0xffff, v4;
	s15 =	sshll.u32 s15, $0x8;
	s16 =	sshll.u32 s16, $0x4;
	s17 =	sadd.s32 s4, s17  }
0x10: {  	[tilespmem:v1+s18+$0xFFFFFFF0 ss:$0x1] =	vst.idx.msk $0xffff, v2;
	s16 =	sand.u32 $0xF0, s16;
	s15 =	sadd.s32 s15, s17  }
0x11: {  	[tilespmem:v1+s18+$0x0 ss:$0x1] =	vst.idx.msk $0xffff, v5;
	s15 =	sadd.s32 s16, s15  }
0x12: {  	[hbm4b:s15+s9] =	stream.strided.scatter [tilespmem:s19], [sflag:$0x2], $0x4000, s10, s9, $0x38;
	[tilespmem:$0x10000] =	vst v63  }
.LBB1_5:
0x13: {  	s18 =	sadd.s32 $0x100, s11  }
0x14: {  	s15 =	sadd.s32 $0x10, s12;
	s19 =	smov.u32 s12;
	p2 =	sgt.s32 s18, $0xFFF  }
0x15: {  	s19 =	smov.u32 @p2 s15  }
0x16: {  	s21 =	smov.u32 s13;
	s15 =	sadd.s32 $0x2, s13;
	p3 =	sgt.s32 s19, $0xF  }
0x17: {  	s21 =	smov.u32 @p3 s15  }
0x18: {  	s18 =	simm.s32 @p2 $0x0;
	p2 =	sgt.s32 s21, $0x1  }
0x19: {  	p1 =	slt.u32 s14, $0x2;
	s21 =	smov.u32 @p2 s3;
	p2 =	sne.s32 s14, s8  }
.Ltmp1:
0x1a: {  	s20 =	simm.s32 @!p1 $0x2;
	(pc) =	sbr.rel @!p2 .LBB1_6-.Ltmp1, $4  }
0x1b: {  	s16 =	smov.u32 s12;
	s17 =	smov.u32 s13;
	_ =	swait.ge @!p1 [sflag:s20], $0x4000  }
0x1c: {  	p0 =	por !p0, !p0;
	[sflag:s20] =	ssyncset.done @!p1 $0x0;
	s19 =	smov.u32 @p3 s6  }
0x1d: {  	s15 =	smov.u32 s11;
	[sflag:s20] =	ssyncadd.s32 @!p1 $0xFFFFC000;
	s11 =	smov.u32 s18  }
0x1e: {  	s12 =	smov.u32 s19;
	s14 =	sadd.s32 $0x1, s14;
	s13 =	smov.u32 s21  }
.LBB1_1:
0x1f: {  	p1 =	sge.u32 s14, s7;
	s31 =	sadd.s32 $0xFFFFFFFF, s14  }
0x20: {  	s18 =	sxor.u32 @!p1 $0xFFFFFFFF, s14;
	s19 =	sshll.u32 @!p1 s13, $0x14;
	s20 =	sshll.u32 @!p1 s12, $0x10  }
0x21: {  	s21 =	sshll.u32 @!p1 s11, $0x4;
	s18 =	sshll.u32 @!p1 s18, $0xE;
	s19 =	sadd.s32 @!p1 s2, s19  }
0x22: {  	s21 =	sand.u32 @!p1 $0xFFF0, s21;
	s18 =	sand.u32 @!p1 $0x4000, s18;
	s19 =	sadd.s32 @!p1 s20, s19  }
0x23: {  	s20 =	simm.s32 @!p1 $0x40;
	s19 =	sadd.s32 @!p1 s21, s19;
	s21 =	simm.s32 @!p1 $0x80  }
0x24: {  	[tilespmem:s18], [sflag:$0x1] =	stream.strided.gather @!p1 [hbm4b:s19+s20], $0x4000, s21, s20, $0x38;
	[tilespmem:$0x10000] =	vst v63  }
0x25: {  	p1 =	sge.u32 s31, s7  }
.Ltmp2:
0x26: {  	_ = 	snop;
	(pc) =	sbr.rel @p1 .LBB1_5-.Ltmp2, $1  }
0x27: {  	_ =	sdelay $0x3  }
0x28: {  	s18 =	simm.s32 $0x1  }
0x29: {  	s18 =	simm.s32 @!p0 $0x0  }
0x2a: {  	s19 =	sshll.u32 s18, $0xE  }
0x2b: {  	v0 =	vmov s19;
	_ =	sdelay $0x1  }
0x2c: {  	_ =	swait.ge [sflag:s5], $0x4000  }
0x2d: {  	[sflag:s5] =	ssyncset.done $0x0  }
0x2e: {  	[sflag:s5] =	ssyncadd.s32 $0xFFFFC000;
	s18 =	simm.s32 $0x0  }
0x2f: {  	s21 =	sor.u32 $0x8020, s19;
	v3 =	vld.idx.msk [tilespmem:v0+s18+$0x30 ss:$0x1], $0xffff  }
0x30: {  	s20 =	sshll.u32 s14, $0xE;
	v1 =	vmov s21;
	v4 =	vld.idx.msk [tilespmem:v0+s18+$0x0 ss:$0x1], $0xffff  }
0x31: {  	s31 =	sand.u32 $0x4000, s20;
	v2 =	vld.idx.msk [tilespmem:v0+s18+$0x10 ss:$0x1], $0xffff  }
0x32: {  	s20 =	simm.s32 $0x100;
	s19 =	sor.u32 $0x8000, s31;
	v5 =	vld.idx.msk [tilespmem:v0+s18+$0x20 ss:$0x1], $0xffff  }
.LBB1_3:
0x33: {  	p1 =	sne.s32 s20, $0xFF00  }
.Ltmp3:
0x34: {  	s21 =	sshra.s32 s20, $0x2;
	s20 =	sadd.s32 $0x100, s20;
	(pc) =	sbr.rel @p1 .LBB1_3-.Ltmp3, $4  }
0x35: {  	[tilespmem:v1+s18+$0x10 ss:$0x1] =	vst.idx.msk $0xffff, v3;
	v3 =	vld.idx.msk [tilespmem:v0+s21+$0x30 ss:$0x1], $0xffff  }
0x36: {  	[tilespmem:v1+s18+$0xFFFFFFE0 ss:$0x1] =	vst.idx.msk $0xffff, v4;
	v4 =	vld.idx.msk [tilespmem:v0+s21+$0x0 ss:$0x1], $0xffff  }
0x37: {  	[tilespmem:v1+s18+$0xFFFFFFF0 ss:$0x1] =	vst.idx.msk $0xffff, v2;
	v2 =	vld.idx.msk [tilespmem:v0+s21+$0x10 ss:$0x1], $0xffff  }
0x38: {  	[tilespmem:v1+s18+$0x0 ss:$0x1] =	vst.idx.msk $0xffff, v5;
	v5 =	vld.idx.msk [tilespmem:v0+s21+$0x20 ss:$0x1], $0xffff;
	s18 =	smov.u32 s21  }
.Ltmp4:
0x39: {  	_ = 	snop;
	(pc) =	sbr.rel .LBB1_4-.Ltmp4, $1  }
0x3a: {  	_ =	sdelay $0x3  }
.LBB1_6:
0x3b: {  	_ =	sfence.sel $0x180000  }
0x3c: {  	s2 =	simm.s32 $0x1;
	[bflag:$0x0] =	sbarrier.arrive $0xFFFF  }
0x3d: {  	s31 =	simm.s32 $0x2;
	[sflag:s2] =	ssyncpa.u1 $0x1  }
0x3e: {  	[sflag:s31] =	ssyncpa.u1 $0x1  }
0x3f: {  	p0 =	sne.s32 s1, $0x0;
	_ =	strace $0x9000004D  }
0x40: {  	s0 =	sadd.s32 @!p0 $0x100000, s0;
	[bflag:$0x2] =	sbarrier.arrive $0xFFFF  }
0x41: {  	[sflag:s0] =	ssyncadd.tile.s32 @!p0 $0x1;
	_ =	shalt  }
.Lfunc_end1:
_tile_overlayer_lowered:
.L_overlay_start_2:
0x42: {  	(tag) =	ssettag $0x2  }
0x43: {  	s0 =	rddreg [dreg:$0x0];
	s2 =	stileid.u32  }
0x44: {  	s1 =	rddreg [dreg:$0x1];
	p0 =	sne.s32 s2, $0x0  }
0x45: {  	s3 =	rddreg [dreg:$0x2];
	[bflag:$0x3] =	sbarrier.arrive $0xFFFF;
	s2 =	simm.s32 @!p0 $0x1C01  }
0x46: {  	[timem:s3], [sflag:s2] =	dma.local @!p0 [hbm:s0], s1  }
0x47: {  	s0 =	simm.s32 @!p0 $0x1  }
0x48: {  	_ =	swait.ge @!p0 [sflag:s0], s1  }
0x49: {  	s1 =	ssub.s32 @!p0 $0x0, s1;
	[sflag:s0] =	ssyncset.done @!p0 $0x0  }
0x4a: {  	[sflag:s0] =	ssyncadd.s32 @!p0 s1  }
0x4b: {  	[bflag:$0x3] =	sbarrier.arrive $0xFFFF  }
0x4c: {  	_ =	shalt  }

</sc_bundles>
